<compile_context>
chip_gen: v7x
topology: tpu7x:2x2x1
jax: 0.10.2.dev20260603
libtpu: 0.0.44.dev20260713+nightly
codegen_flags: <defaults>
</compile_context>

<pallas_src>
import jax
import jax.numpy as jnp
from jax import lax
from jax.experimental import pallas as pl
from jax.experimental.pallas import tpu as pltpu
from jax.experimental.pallas import tpu_sc as plsc

THRESH = 0.5

N_ROWS = 1048576
N_COLS = 64
NUM_CORES = 2
NUM_SUBCORES = 16
NUM_WORKERS = NUM_CORES * NUM_SUBCORES
LANES = 16

N_RUNS_TOTAL = (N_ROWS * N_COLS) // 128
RUNS_PER_WORKER = (N_ROWS // 128) // NUM_WORKERS
RUN_BASE = 7 * (N_ROWS // 128) * 8 + 7
OUT_WORDS_PER_WORKER = 2 * 128 * RUNS_PER_WORKER
STEPS = RUNS_PER_WORKER * 8


N_OUT_CHUNKS = 4
RUNS_PER_CHUNK = RUNS_PER_WORKER // N_OUT_CHUNKS
CHUNK_STEPS = RUNS_PER_CHUNK * 8
CHUNK_OUT_WORDS = OUT_WORDS_PER_WORKER // N_OUT_CHUNKS


def _body(runs_hbm, out_hbm, idx_v, rows_v, out_v, gsem, osem):
    wid = lax.axis_index("s") * NUM_CORES + lax.axis_index("c")
    jbase = wid * RUNS_PER_WORKER

    iota = lax.iota(jnp.int32, LANES)
    onef = jnp.ones((LANES,), jnp.float32)
    zerof = jnp.zeros((LANES,), jnp.float32)

    gathers = []
    for c in range(N_OUT_CHUNKS):
        t0 = c * RUNS_PER_CHUNK
        for t in range(RUNS_PER_CHUNK // LANES):
            idx_v[pl.ds(t0 + t * LANES, LANES)] = RUN_BASE + 8 * (
                jbase + t0 + t * LANES + iota
            )
        gathers.append(
            pltpu.async_copy(
                runs_hbm.at[idx_v.at[pl.ds(t0, RUNS_PER_CHUNK)]],
                rows_v.at[pl.ds(t0, RUNS_PER_CHUNK), :],
                gsem,
            )
        )

    out_base_hbm = wid * OUT_WORDS_PER_WORKER
    copies = []
    for c in range(N_OUT_CHUNKS):
        t0 = c * RUNS_PER_CHUNK
        gathers[c].wait()

        @plsc.parallel_loop(t0, t0 + RUNS_PER_CHUNK, step=1, unroll=4)
        def _run_loop(t):
            base = t * 256
            for m in range(8):
                v = rows_v[t, pl.ds(m * LANES, LANES)]
                ge = jnp.where(v >= THRESH, onef, zerof)
                out_v[pl.ds(base + m * LANES, LANES)] = ge
                out_v[pl.ds(base + 128 + m * LANES, LANES)] = onef - ge
        copies.append(
            pltpu.async_copy(
                out_v.at[pl.ds(c * CHUNK_OUT_WORDS, CHUNK_OUT_WORDS)],
                out_hbm.at[pl.ds(out_base_hbm + c * CHUNK_OUT_WORDS, CHUNK_OUT_WORDS)],
                osem,
            )
        )
    for cp in copies:
        cp.wait()


@jax.jit
def _run(x):
    runs = (
        x.T.reshape(8, 8, N_ROWS // 128, 128)
        .transpose(0, 2, 1, 3)
        .reshape(N_RUNS_TOTAL, 128)
    )
    mesh = plsc.VectorSubcoreMesh(core_axis_name="c", subcore_axis_name="s")
    flat = pl.kernel(
        _body,
        out_type=jax.ShapeDtypeStruct((2 * N_ROWS,), jnp.float32),
        mesh=mesh,
        scratch_types=[
            pltpu.VMEM((RUNS_PER_WORKER,), jnp.int32),
            pltpu.VMEM((RUNS_PER_WORKER, 128), jnp.float32),
            pltpu.VMEM((OUT_WORDS_PER_WORKER,), jnp.float32),
            pltpu.SemaphoreType.DMA,
            pltpu.SemaphoreType.DMA,
        ],
        compiler_params=pltpu.CompilerParams(skip_device_barrier=True),
    )(runs)
    return flat.reshape(N_ROWS // 128, 2, 128).transpose(0, 2, 1).reshape(N_ROWS, 2)


def kernel(x):
    return _run(x)

# --- scband reference (transcript-rebuilt; emitter-appended) ---
"""Pipeline reference for scband-threshold-model-29678224015717 (READ-ONLY COPY).

The authoritative reference and input builder live on the scoring server;
editing this copy changes nothing except your own understanding.
"""

import jax, jax.numpy as jnp
import numpy as np

THRESHOLD = 0.5

def setup_inputs(seed: int = 0) -> dict:
    key = jax.random.key(seed)
    x = jax.random.uniform(key, (1048576, 64), dtype=jnp.float32)
    return {"x": x}

def reference(x):
    n = x.shape[0]
    last = x[:, -1]
    ge = last >= THRESHOLD
    lt = last < THRESHOLD
    pred = jnp.zeros((n, 2), dtype=x.dtype)
    # masked scatter-overwrite semantics: pred[mask, col] = 1.0
    pred = pred.at[:, 0].set(jnp.where(ge, jnp.float32(1.0), pred[:, 0]))
    pred = pred.at[:, 1].set(jnp.where(lt, jnp.float32(1.0), pred[:, 1]))
    return pred

if __name__ == "__main__":
    import jax
    _d = setup_inputs()
    print(jax.jit(kernel)(*tuple(_d.values())))

</pallas_src>

<mosaic_0001>
#map = affine_map<(d0, d1) -> (0, 0)>
#map1 = affine_map<(d0, d1) -> (0)>
module attributes {stable_mosaic.version = 14 : i64} {
  func.func @_body(%arg0: i32, %arg1: i32, %arg2: memref<524288x128xf32, #tpu.memory_space<hbm>>, %arg3: memref<2097152xf32, #tpu.memory_space<hbm>>, %arg4: memref<256xi32, #tpu.memory_space<vmem>>, %arg5: memref<256x128xf32, #tpu.memory_space<vmem>>, %arg6: memref<65536xf32, #tpu.memory_space<vmem>>, %arg7: memref<!tpu.dma_semaphore, #tpu.memory_space<semaphore_mem>>, %arg8: memref<!tpu.dma_semaphore, #tpu.memory_space<semaphore_mem>>) attributes {dimension_semantics = [#tpu.dimension_semantics<core_parallel>, #tpu.dimension_semantics<subcore_parallel>], iteration_bounds = array<i64: 2, 16>, scalar_prefetch = 0 : i64, scratch_operands = 5 : i64, tpu.core_type = #tpu.core_type<sc_vector_subcore>, window_params = [{transform_indices = #map}, {transform_indices = #map1}]} {
    %mul3A = arith.constant 2 : i32
    %mul3A_0 = arith.muli %arg1, %mul3A : i32
    %add3A = arith.addi %mul3A_0, %arg0 : i32
    %mul3A_1 = arith.constant 256 : i32
    %mul3A_2 = arith.muli %add3A, %mul3A_1 : i32
    %iota3A = tpu.iota {dimensions = array<i32: 0>} : vector<16xi32>
    %broadcast_in_dim3A = arith.constant 1.000000e+00 : f32
    %broadcast_in_dim3A_3 = vector.broadcast %broadcast_in_dim3A : f32 to vector<16xf32>
    %broadcast_in_dim3A_4 = arith.constant 0.000000e+00 : f32
    %broadcast_in_dim3A_5 = vector.broadcast %broadcast_in_dim3A_4 : f32 to vector<16xf32>
    %add3A_6 = arith.constant 0 : i32
    %add3A_7 = arith.addi %mul3A_2, %add3A_6 : i32
    %add3A_8 = arith.constant 0 : i32
    %add3A_9 = arith.addi %add3A_7, %add3A_8 : i32
    %add3A_10 = vector.broadcast %add3A_9 : i32 to vector<16xi32>
    %add3A_11 = arith.addi %add3A_10, %iota3A : vector<16xi32>
    %mul3A_12 = arith.constant 8 : i32
    %mul3A_13 = vector.broadcast %mul3A_12 : i32 to vector<16xi32>
    %mul3A_14 = arith.muli %mul3A_13, %add3A_11 : vector<16xi32>
    %add3A_15 = arith.constant 458759 : i32
    %add3A_16 = vector.broadcast %add3A_15 : i32 to vector<16xi32>
    %add3A_17 = arith.addi %add3A_16, %mul3A_14 : vector<16xi32>
    %swap3A = arith.constant 0 : index
    %swap3A_18 = tpu.vector_load %arg4[%swap3A] {strides = array<i32>} : memref<256xi32, #tpu.memory_space<vmem>>, vector<16xi32>,
    %swap3A_19 = vector.shape_cast %swap3A_18 : vector<16xi32> to vector<16xi32>
    %swap3A_20 = vector.shape_cast %add3A_17 : vector<16xi32> to vector<16xi32>
    tpu.vector_store %arg4[%swap3A], %swap3A_20 {strides = array<i32>} : memref<256xi32, #tpu.memory_space<vmem>>, vector<16xi32>,
    %add3A_21 = arith.constant 0 : i32
    %add3A_22 = arith.addi %mul3A_2, %add3A_21 : i32
    %add3A_23 = arith.constant 16 : i32
    %add3A_24 = arith.addi %add3A_22, %add3A_23 : i32
    %add3A_25 = vector.broadcast %add3A_24 : i32 to vector<16xi32>
    %add3A_26 = arith.addi %add3A_25, %iota3A : vector<16xi32>
    %mul3A_27 = arith.constant 8 : i32
    %mul3A_28 = vector.broadcast %mul3A_27 : i32 to vector<16xi32>
    %mul3A_29 = arith.muli %mul3A_28, %add3A_26 : vector<16xi32>
    %add3A_30 = arith.constant 458759 : i32
    %add3A_31 = vector.broadcast %add3A_30 : i32 to vector<16xi32>
    %add3A_32 = arith.addi %add3A_31, %mul3A_29 : vector<16xi32>
    %swap3A_33 = arith.constant 16 : index
    %swap3A_34 = tpu.vector_load %arg4[%swap3A_33] {strides = array<i32>} : memref<256xi32, #tpu.memory_space<vmem>>, vector<16xi32>,
    %swap3A_35 = vector.shape_cast %swap3A_34 : vector<16xi32> to vector<16xi32>
    %swap3A_36 = vector.shape_cast %add3A_32 : vector<16xi32> to vector<16xi32>
    tpu.vector_store %arg4[%swap3A_33], %swap3A_36 {strides = array<i32>} : memref<256xi32, #tpu.memory_space<vmem>>, vector<16xi32>,
    %add3A_37 = arith.constant 0 : i32
    %add3A_38 = arith.addi %mul3A_2, %add3A_37 : i32
    %add3A_39 = arith.constant 32 : i32
    %add3A_40 = arith.addi %add3A_38, %add3A_39 : i32
    %add3A_41 = vector.broadcast %add3A_40 : i32 to vector<16xi32>
    %add3A_42 = arith.addi %add3A_41, %iota3A : vector<16xi32>
    %mul3A_43 = arith.constant 8 : i32
    %mul3A_44 = vector.broadcast %mul3A_43 : i32 to vector<16xi32>
    %mul3A_45 = arith.muli %mul3A_44, %add3A_42 : vector<16xi32>
    %add3A_46 = arith.constant 458759 : i32
    %add3A_47 = vector.broadcast %add3A_46 : i32 to vector<16xi32>
    %add3A_48 = arith.addi %add3A_47, %mul3A_45 : vector<16xi32>
    %swap3A_49 = arith.constant 32 : index
    %swap3A_50 = tpu.vector_load %arg4[%swap3A_49] {strides = array<i32>} : memref<256xi32, #tpu.memory_space<vmem>>, vector<16xi32>,
    %swap3A_51 = vector.shape_cast %swap3A_50 : vector<16xi32> to vector<16xi32>
    %swap3A_52 = vector.shape_cast %add3A_48 : vector<16xi32> to vector<16xi32>
    tpu.vector_store %arg4[%swap3A_49], %swap3A_52 {strides = array<i32>} : memref<256xi32, #tpu.memory_space<vmem>>, vector<16xi32>,
    %add3A_53 = arith.constant 0 : i32
    %add3A_54 = arith.addi %mul3A_2, %add3A_53 : i32
    %add3A_55 = arith.constant 48 : i32
    %add3A_56 = arith.addi %add3A_54, %add3A_55 : i32
    %add3A_57 = vector.broadcast %add3A_56 : i32 to vector<16xi32>
    %add3A_58 = arith.addi %add3A_57, %iota3A : vector<16xi32>
    %mul3A_59 = arith.constant 8 : i32
    %mul3A_60 = vector.broadcast %mul3A_59 : i32 to vector<16xi32>
    %mul3A_61 = arith.muli %mul3A_60, %add3A_58 : vector<16xi32>
    %add3A_62 = arith.constant 458759 : i32
    %add3A_63 = vector.broadcast %add3A_62 : i32 to vector<16xi32>
    %add3A_64 = arith.addi %add3A_63, %mul3A_61 : vector<16xi32>
    %swap3A_65 = arith.constant 48 : index
    %swap3A_66 = tpu.vector_load %arg4[%swap3A_65] {strides = array<i32>} : memref<256xi32, #tpu.memory_space<vmem>>, vector<16xi32>,
    %swap3A_67 = vector.shape_cast %swap3A_66 : vector<16xi32> to vector<16xi32>
    %swap3A_68 = vector.shape_cast %add3A_64 : vector<16xi32> to vector<16xi32>
    tpu.vector_store %arg4[%swap3A_65], %swap3A_68 {strides = array<i32>} : memref<256xi32, #tpu.memory_space<vmem>>, vector<16xi32>,
    %dma_start3A = arith.constant 0 : i32
    %dma_start3A_69 = arith.constant 0 : i32
    %dma_start3A_70 = tpu.memref_slice %arg5[%dma_start3A, %dma_start3A_69] : memref<256x128xf32, #tpu.memory_space<vmem>> -> memref<64x128xf32, #tpu.memory_space<vmem>>
    %dma_start3A_71 = arith.constant 0 : i32
    %dma_start3A_72 = tpu.memref_slice %arg4[%dma_start3A_71] : memref<256xi32, #tpu.memory_space<vmem>> -> memref<64xi32, #tpu.memory_space<vmem>>
    %dma_start3A_73 = arith.constant 0 : i32
    %dma_start3A_74 = arith.constant 0 : i32
    %dma_start3A_75 = tpu.memref_slice %arg2[%dma_start3A_73, %dma_start3A_74] : memref<524288x128xf32, #tpu.memory_space<hbm>> -> memref<524288x128xf32, #tpu.memory_space<hbm>>
    tpu.enqueue_indirect_dma source(%dma_start3A_75 : memref<524288x128xf32, #tpu.memory_space<hbm>>) target(%dma_start3A_70 : memref<64x128xf32, #tpu.memory_space<vmem>>) offsets(%dma_start3A_72 : memref<64xi32, #tpu.memory_space<vmem>>) semaphore(%arg7 : memref<!tpu.dma_semaphore, #tpu.memory_space<semaphore_mem>>)
    %add3A_76 = arith.constant 64 : i32
    %add3A_77 = arith.addi %mul3A_2, %add3A_76 : i32
    %add3A_78 = arith.constant 0 : i32
    %add3A_79 = arith.addi %add3A_77, %add3A_78 : i32
    %add3A_80 = vector.broadcast %add3A_79 : i32 to vector<16xi32>
    %add3A_81 = arith.addi %add3A_80, %iota3A : vector<16xi32>
    %mul3A_82 = arith.constant 8 : i32
    %mul3A_83 = vector.broadcast %mul3A_82 : i32 to vector<16xi32>
    %mul3A_84 = arith.muli %mul3A_83, %add3A_81 : vector<16xi32>
    %add3A_85 = arith.constant 458759 : i32
    %add3A_86 = vector.broadcast %add3A_85 : i32 to vector<16xi32>
    %add3A_87 = arith.addi %add3A_86, %mul3A_84 : vector<16xi32>
    %swap3A_88 = arith.constant 64 : index
    %swap3A_89 = tpu.vector_load %arg4[%swap3A_88] {strides = array<i32>} : memref<256xi32, #tpu.memory_space<vmem>>, vector<16xi32>,
    %swap3A_90 = vector.shape_cast %swap3A_89 : vector<16xi32> to vector<16xi32>
    %swap3A_91 = vector.shape_cast %add3A_87 : vector<16xi32> to vector<16xi32>
    tpu.vector_store %arg4[%swap3A_88], %swap3A_91 {strides = array<i32>} : memref<256xi32, #tpu.memory_space<vmem>>, vector<16xi32>,
    %add3A_92 = arith.constant 64 : i32
    %add3A_93 = arith.addi %mul3A_2, %add3A_92 : i32
    %add3A_94 = arith.constant 16 : i32
    %add3A_95 = arith.addi %add3A_93, %add3A_94 : i32
    %add3A_96 = vector.broadcast %add3A_95 : i32 to vector<16xi32>
    %add3A_97 = arith.addi %add3A_96, %iota3A : vector<16xi32>
    %mul3A_98 = arith.constant 8 : i32
    %mul3A_99 = vector.broadcast %mul3A_98 : i32 to vector<16xi32>
    %mul3A_100 = arith.muli %mul3A_99, %add3A_97 : vector<16xi32>
    %add3A_101 = arith.constant 458759 : i32
    %add3A_102 = vector.broadcast %add3A_101 : i32 to vector<16xi32>
    %add3A_103 = arith.addi %add3A_102, %mul3A_100 : vector<16xi32>
    %swap3A_104 = arith.constant 80 : index
    %swap3A_105 = tpu.vector_load %arg4[%swap3A_104] {strides = array<i32>} : memref<256xi32, #tpu.memory_space<vmem>>, vector<16xi32>,
    %swap3A_106 = vector.shape_cast %swap3A_105 : vector<16xi32> to vector<16xi32>
    %swap3A_107 = vector.shape_cast %add3A_103 : vector<16xi32> to vector<16xi32>
    tpu.vector_store %arg4[%swap3A_104], %swap3A_107 {strides = array<i32>} : memref<256xi32, #tpu.memory_space<vmem>>, vector<16xi32>,
    %add3A_108 = arith.constant 64 : i32
    %add3A_109 = arith.addi %mul3A_2, %add3A_108 : i32
    %add3A_110 = arith.constant 32 : i32
    %add3A_111 = arith.addi %add3A_109, %add3A_110 : i32
    %add3A_112 = vector.broadcast %add3A_111 : i32 to vector<16xi32>
    %add3A_113 = arith.addi %add3A_112, %iota3A : vector<16xi32>
    %mul3A_114 = arith.constant 8 : i32
    %mul3A_115 = vector.broadcast %mul3A_114 : i32 to vector<16xi32>
    %mul3A_116 = arith.muli %mul3A_115, %add3A_113 : vector<16xi32>
    %add3A_117 = arith.constant 458759 : i32
    %add3A_118 = vector.broadcast %add3A_117 : i32 to vector<16xi32>
    %add3A_119 = arith.addi %add3A_118, %mul3A_116 : vector<16xi32>
    %swap3A_120 = arith.constant 96 : index
    %swap3A_121 = tpu.vector_load %arg4[%swap3A_120] {strides = array<i32>} : memref<256xi32, #tpu.memory_space<vmem>>, vector<16xi32>,
    %swap3A_122 = vector.shape_cast %swap3A_121 : vector<16xi32> to vector<16xi32>
    %swap3A_123 = vector.shape_cast %add3A_119 : vector<16xi32> to vector<16xi32>
    tpu.vector_store %arg4[%swap3A_120], %swap3A_123 {strides = array<i32>} : memref<256xi32, #tpu.memory_space<vmem>>, vector<16xi32>,
    %add3A_124 = arith.constant 64 : i32
    %add3A_125 = arith.addi %mul3A_2, %add3A_124 : i32
    %add3A_126 = arith.constant 48 : i32
    %add3A_127 = arith.addi %add3A_125, %add3A_126 : i32
    %add3A_128 = vector.broadcast %add3A_127 : i32 to vector<16xi32>
    %add3A_129 = arith.addi %add3A_128, %iota3A : vector<16xi32>
    %mul3A_130 = arith.constant 8 : i32
    %mul3A_131 = vector.broadcast %mul3A_130 : i32 to vector<16xi32>
    %mul3A_132 = arith.muli %mul3A_131, %add3A_129 : vector<16xi32>
    %add3A_133 = arith.constant 458759 : i32
    %add3A_134 = vector.broadcast %add3A_133 : i32 to vector<16xi32>
    %add3A_135 = arith.addi %add3A_134, %mul3A_132 : vector<16xi32>
    %swap3A_136 = arith.constant 112 : index
    %swap3A_137 = tpu.vector_load %arg4[%swap3A_136] {strides = array<i32>} : memref<256xi32, #tpu.memory_space<vmem>>, vector<16xi32>,
    %swap3A_138 = vector.shape_cast %swap3A_137 : vector<16xi32> to vector<16xi32>
    %swap3A_139 = vector.shape_cast %add3A_135 : vector<16xi32> to vector<16xi32>
    tpu.vector_store %arg4[%swap3A_136], %swap3A_139 {strides = array<i32>} : memref<256xi32, #tpu.memory_space<vmem>>, vector<16xi32>,
    %dma_start3A_140 = arith.constant 64 : i32
    %dma_start3A_141 = arith.constant 0 : i32
    %dma_start3A_142 = tpu.memref_slice %arg5[%dma_start3A_140, %dma_start3A_141] : memref<256x128xf32, #tpu.memory_space<vmem>> -> memref<64x128xf32, #tpu.memory_space<vmem>>
    %dma_start3A_143 = arith.constant 64 : i32
    %dma_start3A_144 = tpu.memref_slice %arg4[%dma_start3A_143] : memref<256xi32, #tpu.memory_space<vmem>> -> memref<64xi32, #tpu.memory_space<vmem>>
    %dma_start3A_145 = arith.constant 0 : i32
    %dma_start3A_146 = arith.constant 0 : i32
    %dma_start3A_147 = tpu.memref_slice %arg2[%dma_start3A_145, %dma_start3A_146] : memref<524288x128xf32, #tpu.memory_space<hbm>> -> memref<524288x128xf32, #tpu.memory_space<hbm>>
    tpu.enqueue_indirect_dma source(%dma_start3A_147 : memref<524288x128xf32, #tpu.memory_space<hbm>>) target(%dma_start3A_142 : memref<64x128xf32, #tpu.memory_space<vmem>>) offsets(%dma_start3A_144 : memref<64xi32, #tpu.memory_space<vmem>>) semaphore(%arg7 : memref<!tpu.dma_semaphore, #tpu.memory_space<semaphore_mem>>)
    %add3A_148 = arith.constant 128 : i32
    %add3A_149 = arith.addi %mul3A_2, %add3A_148 : i32
    %add3A_150 = arith.constant 0 : i32
    %add3A_151 = arith.addi %add3A_149, %add3A_150 : i32
    %add3A_152 = vector.broadcast %add3A_151 : i32 to vector<16xi32>
    %add3A_153 = arith.addi %add3A_152, %iota3A : vector<16xi32>
    %mul3A_154 = arith.constant 8 : i32
    %mul3A_155 = vector.broadcast %mul3A_154 : i32 to vector<16xi32>
    %mul3A_156 = arith.muli %mul3A_155, %add3A_153 : vector<16xi32>
    %add3A_157 = arith.constant 458759 : i32
    %add3A_158 = vector.broadcast %add3A_157 : i32 to vector<16xi32>
    %add3A_159 = arith.addi %add3A_158, %mul3A_156 : vector<16xi32>
    %swap3A_160 = arith.constant 128 : index
    %swap3A_161 = tpu.vector_load %arg4[%swap3A_160] {strides = array<i32>} : memref<256xi32, #tpu.memory_space<vmem>>, vector<16xi32>,
    %swap3A_162 = vector.shape_cast %swap3A_161 : vector<16xi32> to vector<16xi32>
    %swap3A_163 = vector.shape_cast %add3A_159 : vector<16xi32> to vector<16xi32>
    tpu.vector_store %arg4[%swap3A_160], %swap3A_163 {strides = array<i32>} : memref<256xi32, #tpu.memory_space<vmem>>, vector<16xi32>,
    %add3A_164 = arith.constant 128 : i32
    %add3A_165 = arith.addi %mul3A_2, %add3A_164 : i32
    %add3A_166 = arith.constant 16 : i32
    %add3A_167 = arith.addi %add3A_165, %add3A_166 : i32
    %add3A_168 = vector.broadcast %add3A_167 : i32 to vector<16xi32>
    %add3A_169 = arith.addi %add3A_168, %iota3A : vector<16xi32>
    %mul3A_170 = arith.constant 8 : i32
    %mul3A_171 = vector.broadcast %mul3A_170 : i32 to vector<16xi32>
    %mul3A_172 = arith.muli %mul3A_171, %add3A_169 : vector<16xi32>
    %add3A_173 = arith.constant 458759 : i32
    %add3A_174 = vector.broadcast %add3A_173 : i32 to vector<16xi32>
    %add3A_175 = arith.addi %add3A_174, %mul3A_172 : vector<16xi32>
    %swap3A_176 = arith.constant 144 : index
    %swap3A_177 = tpu.vector_load %arg4[%swap3A_176] {strides = array<i32>} : memref<256xi32, #tpu.memory_space<vmem>>, vector<16xi32>,
    %swap3A_178 = vector.shape_cast %swap3A_177 : vector<16xi32> to vector<16xi32>
    %swap3A_179 = vector.shape_cast %add3A_175 : vector<16xi32> to vector<16xi32>
    tpu.vector_store %arg4[%swap3A_176], %swap3A_179 {strides = array<i32>} : memref<256xi32, #tpu.memory_space<vmem>>, vector<16xi32>,
    %add3A_180 = arith.constant 128 : i32
    %add3A_181 = arith.addi %mul3A_2, %add3A_180 : i32
    %add3A_182 = arith.constant 32 : i32
    %add3A_183 = arith.addi %add3A_181, %add3A_182 : i32
    %add3A_184 = vector.broadcast %add3A_183 : i32 to vector<16xi32>
    %add3A_185 = arith.addi %add3A_184, %iota3A : vector<16xi32>
    %mul3A_186 = arith.constant 8 : i32
    %mul3A_187 = vector.broadcast %mul3A_186 : i32 to vector<16xi32>
    %mul3A_188 = arith.muli %mul3A_187, %add3A_185 : vector<16xi32>
    %add3A_189 = arith.constant 458759 : i32
    %add3A_190 = vector.broadcast %add3A_189 : i32 to vector<16xi32>
    %add3A_191 = arith.addi %add3A_190, %mul3A_188 : vector<16xi32>
    %swap3A_192 = arith.constant 160 : index
    %swap3A_193 = tpu.vector_load %arg4[%swap3A_192] {strides = array<i32>} : memref<256xi32, #tpu.memory_space<vmem>>, vector<16xi32>,
    %swap3A_194 = vector.shape_cast %swap3A_193 : vector<16xi32> to vector<16xi32>
    %swap3A_195 = vector.shape_cast %add3A_191 : vector<16xi32> to vector<16xi32>
    tpu.vector_store %arg4[%swap3A_192], %swap3A_195 {strides = array<i32>} : memref<256xi32, #tpu.memory_space<vmem>>, vector<16xi32>,
    %add3A_196 = arith.constant 128 : i32
    %add3A_197 = arith.addi %mul3A_2, %add3A_196 : i32
    %add3A_198 = arith.constant 48 : i32
    %add3A_199 = arith.addi %add3A_197, %add3A_198 : i32
    %add3A_200 = vector.broadcast %add3A_199 : i32 to vector<16xi32>
    %add3A_201 = arith.addi %add3A_200, %iota3A : vector<16xi32>
    %mul3A_202 = arith.constant 8 : i32
    %mul3A_203 = vector.broadcast %mul3A_202 : i32 to vector<16xi32>
    %mul3A_204 = arith.muli %mul3A_203, %add3A_201 : vector<16xi32>
    %add3A_205 = arith.constant 458759 : i32
    %add3A_206 = vector.broadcast %add3A_205 : i32 to vector<16xi32>
    %add3A_207 = arith.addi %add3A_206, %mul3A_204 : vector<16xi32>
    %swap3A_208 = arith.constant 176 : index
    %swap3A_209 = tpu.vector_load %arg4[%swap3A_208] {strides = array<i32>} : memref<256xi32, #tpu.memory_space<vmem>>, vector<16xi32>,
    %swap3A_210 = vector.shape_cast %swap3A_209 : vector<16xi32> to vector<16xi32>
    %swap3A_211 = vector.shape_cast %add3A_207 : vector<16xi32> to vector<16xi32>
    tpu.vector_store %arg4[%swap3A_208], %swap3A_211 {strides = array<i32>} : memref<256xi32, #tpu.memory_space<vmem>>, vector<16xi32>,
    %dma_start3A_212 = arith.constant 128 : i32
    %dma_start3A_213 = arith.constant 0 : i32
    %dma_start3A_214 = tpu.memref_slice %arg5[%dma_start3A_212, %dma_start3A_213] : memref<256x128xf32, #tpu.memory_space<vmem>> -> memref<64x128xf32, #tpu.memory_space<vmem>>
    %dma_start3A_215 = arith.constant 128 : i32
    %dma_start3A_216 = tpu.memref_slice %arg4[%dma_start3A_215] : memref<256xi32, #tpu.memory_space<vmem>> -> memref<64xi32, #tpu.memory_space<vmem>>
    %dma_start3A_217 = arith.constant 0 : i32
    %dma_start3A_218 = arith.constant 0 : i32
    %dma_start3A_219 = tpu.memref_slice %arg2[%dma_start3A_217, %dma_start3A_218] : memref<524288x128xf32, #tpu.memory_space<hbm>> -> memref<524288x128xf32, #tpu.memory_space<hbm>>
    tpu.enqueue_indirect_dma source(%dma_start3A_219 : memref<524288x128xf32, #tpu.memory_space<hbm>>) target(%dma_start3A_214 : memref<64x128xf32, #tpu.memory_space<vmem>>) offsets(%dma_start3A_216 : memref<64xi32, #tpu.memory_space<vmem>>) semaphore(%arg7 : memref<!tpu.dma_semaphore, #tpu.memory_space<semaphore_mem>>)
    %add3A_220 = arith.constant 192 : i32
    %add3A_221 = arith.addi %mul3A_2, %add3A_220 : i32
    %add3A_222 = arith.constant 0 : i32
    %add3A_223 = arith.addi %add3A_221, %add3A_222 : i32
    %add3A_224 = vector.broadcast %add3A_223 : i32 to vector<16xi32>
    %add3A_225 = arith.addi %add3A_224, %iota3A : vector<16xi32>
    %mul3A_226 = arith.constant 8 : i32
    %mul3A_227 = vector.broadcast %mul3A_226 : i32 to vector<16xi32>
    %mul3A_228 = arith.muli %mul3A_227, %add3A_225 : vector<16xi32>
    %add3A_229 = arith.constant 458759 : i32
    %add3A_230 = vector.broadcast %add3A_229 : i32 to vector<16xi32>
    %add3A_231 = arith.addi %add3A_230, %mul3A_228 : vector<16xi32>
    %swap3A_232 = arith.constant 192 : index
    %swap3A_233 = tpu.vector_load %arg4[%swap3A_232] {strides = array<i32>} : memref<256xi32, #tpu.memory_space<vmem>>, vector<16xi32>,
    %swap3A_234 = vector.shape_cast %swap3A_233 : vector<16xi32> to vector<16xi32>
    %swap3A_235 = vector.shape_cast %add3A_231 : vector<16xi32> to vector<16xi32>
    tpu.vector_store %arg4[%swap3A_232], %swap3A_235 {strides = array<i32>} : memref<256xi32, #tpu.memory_space<vmem>>, vector<16xi32>,
    %add3A_236 = arith.constant 192 : i32
    %add3A_237 = arith.addi %mul3A_2, %add3A_236 : i32
    %add3A_238 = arith.constant 16 : i32
    %add3A_239 = arith.addi %add3A_237, %add3A_238 : i32
    %add3A_240 = vector.broadcast %add3A_239 : i32 to vector<16xi32>
    %add3A_241 = arith.addi %add3A_240, %iota3A : vector<16xi32>
    %mul3A_242 = arith.constant 8 : i32
    %mul3A_243 = vector.broadcast %mul3A_242 : i32 to vector<16xi32>
    %mul3A_244 = arith.muli %mul3A_243, %add3A_241 : vector<16xi32>
    %add3A_245 = arith.constant 458759 : i32
    %add3A_246 = vector.broadcast %add3A_245 : i32 to vector<16xi32>
    %add3A_247 = arith.addi %add3A_246, %mul3A_244 : vector<16xi32>
    %swap3A_248 = arith.constant 208 : index
    %swap3A_249 = tpu.vector_load %arg4[%swap3A_248] {strides = array<i32>} : memref<256xi32, #tpu.memory_space<vmem>>, vector<16xi32>,
    %swap3A_250 = vector.shape_cast %swap3A_249 : vector<16xi32> to vector<16xi32>
    %swap3A_251 = vector.shape_cast %add3A_247 : vector<16xi32> to vector<16xi32>
    tpu.vector_store %arg4[%swap3A_248], %swap3A_251 {strides = array<i32>} : memref<256xi32, #tpu.memory_space<vmem>>, vector<16xi32>,
    %add3A_252 = arith.constant 192 : i32
    %add3A_253 = arith.addi %mul3A_2, %add3A_252 : i32
    %add3A_254 = arith.constant 32 : i32
    %add3A_255 = arith.addi %add3A_253, %add3A_254 : i32
    %add3A_256 = vector.broadcast %add3A_255 : i32 to vector<16xi32>
    %add3A_257 = arith.addi %add3A_256, %iota3A : vector<16xi32>
    %mul3A_258 = arith.constant 8 : i32
    %mul3A_259 = vector.broadcast %mul3A_258 : i32 to vector<16xi32>
    %mul3A_260 = arith.muli %mul3A_259, %add3A_257 : vector<16xi32>
    %add3A_261 = arith.constant 458759 : i32
    %add3A_262 = vector.broadcast %add3A_261 : i32 to vector<16xi32>
    %add3A_263 = arith.addi %add3A_262, %mul3A_260 : vector<16xi32>
    %swap3A_264 = arith.constant 224 : index
    %swap3A_265 = tpu.vector_load %arg4[%swap3A_264] {strides = array<i32>} : memref<256xi32, #tpu.memory_space<vmem>>, vector<16xi32>,
    %swap3A_266 = vector.shape_cast %swap3A_265 : vector<16xi32> to vector<16xi32>
    %swap3A_267 = vector.shape_cast %add3A_263 : vector<16xi32> to vector<16xi32>
    tpu.vector_store %arg4[%swap3A_264], %swap3A_267 {strides = array<i32>} : memref<256xi32, #tpu.memory_space<vmem>>, vector<16xi32>,
    %add3A_268 = arith.constant 192 : i32
    %add3A_269 = arith.addi %mul3A_2, %add3A_268 : i32
    %add3A_270 = arith.constant 48 : i32
    %add3A_271 = arith.addi %add3A_269, %add3A_270 : i32
    %add3A_272 = vector.broadcast %add3A_271 : i32 to vector<16xi32>
    %add3A_273 = arith.addi %add3A_272, %iota3A : vector<16xi32>
    %mul3A_274 = arith.constant 8 : i32
    %mul3A_275 = vector.broadcast %mul3A_274 : i32 to vector<16xi32>
    %mul3A_276 = arith.muli %mul3A_275, %add3A_273 : vector<16xi32>
    %add3A_277 = arith.constant 458759 : i32
    %add3A_278 = vector.broadcast %add3A_277 : i32 to vector<16xi32>
    %add3A_279 = arith.addi %add3A_278, %mul3A_276 : vector<16xi32>
    %swap3A_280 = arith.constant 240 : index
    %swap3A_281 = tpu.vector_load %arg4[%swap3A_280] {strides = array<i32>} : memref<256xi32, #tpu.memory_space<vmem>>, vector<16xi32>,
    %swap3A_282 = vector.shape_cast %swap3A_281 : vector<16xi32> to vector<16xi32>
    %swap3A_283 = vector.shape_cast %add3A_279 : vector<16xi32> to vector<16xi32>
    tpu.vector_store %arg4[%swap3A_280], %swap3A_283 {strides = array<i32>} : memref<256xi32, #tpu.memory_space<vmem>>, vector<16xi32>,
    %dma_start3A_284 = arith.constant 192 : i32
    %dma_start3A_285 = arith.constant 0 : i32
    %dma_start3A_286 = tpu.memref_slice %arg5[%dma_start3A_284, %dma_start3A_285] : memref<256x128xf32, #tpu.memory_space<vmem>> -> memref<64x128xf32, #tpu.memory_space<vmem>>
    %dma_start3A_287 = arith.constant 192 : i32
    %dma_start3A_288 = tpu.memref_slice %arg4[%dma_start3A_287] : memref<256xi32, #tpu.memory_space<vmem>> -> memref<64xi32, #tpu.memory_space<vmem>>
    %dma_start3A_289 = arith.constant 0 : i32
    %dma_start3A_290 = arith.constant 0 : i32
    %dma_start3A_291 = tpu.memref_slice %arg2[%dma_start3A_289, %dma_start3A_290] : memref<524288x128xf32, #tpu.memory_space<hbm>> -> memref<524288x128xf32, #tpu.memory_space<hbm>>
    tpu.enqueue_indirect_dma source(%dma_start3A_291 : memref<524288x128xf32, #tpu.memory_space<hbm>>) target(%dma_start3A_286 : memref<64x128xf32, #tpu.memory_space<vmem>>) offsets(%dma_start3A_288 : memref<64xi32, #tpu.memory_space<vmem>>) semaphore(%arg7 : memref<!tpu.dma_semaphore, #tpu.memory_space<semaphore_mem>>)
    %mul3A_292 = arith.constant 65536 : i32
    %mul3A_293 = arith.muli %add3A, %mul3A_292 : i32
    %dma_wait3A = arith.constant 0 : i32
    %dma_wait3A_294 = arith.constant 0 : i32
    %dma_wait3A_295 = tpu.memref_slice %arg5[%dma_wait3A, %dma_wait3A_294] : memref<256x128xf32, #tpu.memory_space<vmem>> -> memref<64x128xf32, #tpu.memory_space<vmem>>
    %dma_wait3A_296 = arith.constant 0 : i32
    %dma_wait3A_297 = tpu.memref_slice %arg4[%dma_wait3A_296] : memref<256xi32, #tpu.memory_space<vmem>> -> memref<64xi32, #tpu.memory_space<vmem>>
    %dma_wait3A_298 = arith.constant 0 : i32
    %dma_wait3A_299 = arith.constant 0 : i32
    %dma_wait3A_300 = tpu.memref_slice %arg2[%dma_wait3A_298, %dma_wait3A_299] : memref<524288x128xf32, #tpu.memory_space<hbm>> -> memref<524288x128xf32, #tpu.memory_space<hbm>>
    tpu.wait_indirect_dma semaphore(%arg7 : memref<!tpu.dma_semaphore, #tpu.memory_space<semaphore_mem>>) src(%dma_wait3A_300 : memref<524288x128xf32, #tpu.memory_space<hbm>>) dst(%dma_wait3A_295 : memref<64x128xf32, #tpu.memory_space<vmem>>)
    %parallel_loop3A = arith.constant 0 : i32
    %parallel_loop3A_301 = arith.constant 64 : i32
    %parallel_loop3A_302 = arith.constant 1 : i32
    scf.for %parallel_loop3A_392 = %parallel_loop3A to %parallel_loop3A_301 step %parallel_loop3A_302  : i32 {
      %parallel_loop3A_393 = arith.constant 256 : i32
      %parallel_loop3A_394 = arith.muli %parallel_loop3A_392, %parallel_loop3A_393 : i32
      %parallel_loop3A_395 = arith.index_cast %parallel_loop3A_392 : i32 to index
      %parallel_loop3A_396 = arith.constant 0 : index
      %parallel_loop3A_397 = tpu.vector_load %arg5[%parallel_loop3A_395, %parallel_loop3A_396] {strides = array<i32>} : memref<256x128xf32, #tpu.memory_space<vmem>>, vector<1x16xf32>,
      %parallel_loop3A_398 = vector.shape_cast %parallel_loop3A_397 : vector<1x16xf32> to vector<16xf32>
      %parallel_loop3A_399 = arith.constant 5.000000e-01 : f32
      %parallel_loop3A_400 = vector.broadcast %parallel_loop3A_399 : f32 to vector<16xf32>
      %parallel_loop3A_401 = arith.cmpf oge, %parallel_loop3A_398, %parallel_loop3A_400 : vector<16xf32>
      %parallel_loop3A_402 = arith.select %parallel_loop3A_401, %broadcast_in_dim3A_3, %broadcast_in_dim3A_5 : vector<16xi1>, vector<16xf32>
      %parallel_loop3A_403 = arith.constant 0 : i32
      %parallel_loop3A_404 = arith.addi %parallel_loop3A_394, %parallel_loop3A_403 : i32
      %parallel_loop3A_405 = arith.index_cast %parallel_loop3A_404 : i32 to index
      %parallel_loop3A_406 = tpu.vector_load %arg6[%parallel_loop3A_405] {strides = array<i32>} : memref<65536xf32, #tpu.memory_space<vmem>>, vector<16xf32>,
      %parallel_loop3A_407 = vector.shape_cast %parallel_loop3A_406 : vector<16xf32> to vector<16xf32>
      %parallel_loop3A_408 = vector.shape_cast %parallel_loop3A_402 : vector<16xf32> to vector<16xf32>
      tpu.vector_store %arg6[%parallel_loop3A_405], %parallel_loop3A_408 {strides = array<i32>} : memref<65536xf32, #tpu.memory_space<vmem>>, vector<16xf32>,
      %parallel_loop3A_409 = arith.subf %broadcast_in_dim3A_3, %parallel_loop3A_402 : vector<16xf32>
      %parallel_loop3A_410 = arith.constant 128 : i32
      %parallel_loop3A_411 = arith.addi %parallel_loop3A_394, %parallel_loop3A_410 : i32
      %parallel_loop3A_412 = arith.constant 0 : i32
      %parallel_loop3A_413 = arith.addi %parallel_loop3A_411, %parallel_loop3A_412 : i32
      %parallel_loop3A_414 = arith.index_cast %parallel_loop3A_413 : i32 to index
      %parallel_loop3A_415 = tpu.vector_load %arg6[%parallel_loop3A_414] {strides = array<i32>} : memref<65536xf32, #tpu.memory_space<vmem>>, vector<16xf32>,
      %parallel_loop3A_416 = vector.shape_cast %parallel_loop3A_415 : vector<16xf32> to vector<16xf32>
      %parallel_loop3A_417 = vector.shape_cast %parallel_loop3A_409 : vector<16xf32> to vector<16xf32>
      tpu.vector_store %arg6[%parallel_loop3A_414], %parallel_loop3A_417 {strides = array<i32>} : memref<65536xf32, #tpu.memory_space<vmem>>, vector<16xf32>,
      %parallel_loop3A_418 = arith.index_cast %parallel_loop3A_392 : i32 to index
      %parallel_loop3A_419 = arith.constant 16 : index
      %parallel_loop3A_420 = tpu.vector_load %arg5[%parallel_loop3A_418, %parallel_loop3A_419] {strides = array<i32>} : memref<256x128xf32, #tpu.memory_space<vmem>>, vector<1x16xf32>,
      %parallel_loop3A_421 = vector.shape_cast %parallel_loop3A_420 : vector<1x16xf32> to vector<16xf32>
      %parallel_loop3A_422 = arith.constant 5.000000e-01 : f32
      %parallel_loop3A_423 = vector.broadcast %parallel_loop3A_422 : f32 to vector<16xf32>
      %parallel_loop3A_424 = arith.cmpf oge, %parallel_loop3A_421, %parallel_loop3A_423 : vector<16xf32>
      %parallel_loop3A_425 = arith.select %parallel_loop3A_424, %broadcast_in_dim3A_3, %broadcast_in_dim3A_5 : vector<16xi1>, vector<16xf32>
      %parallel_loop3A_426 = arith.constant 16 : i32
      %parallel_loop3A_427 = arith.addi %parallel_loop3A_394, %parallel_loop3A_426 : i32
      %parallel_loop3A_428 = arith.index_cast %parallel_loop3A_427 : i32 to index
      %parallel_loop3A_429 = tpu.vector_load %arg6[%parallel_loop3A_428] {strides = array<i32>} : memref<65536xf32, #tpu.memory_space<vmem>>, vector<16xf32>,
      %parallel_loop3A_430 = vector.shape_cast %parallel_loop3A_429 : vector<16xf32> to vector<16xf32>
      %parallel_loop3A_431 = vector.shape_cast %parallel_loop3A_425 : vector<16xf32> to vector<16xf32>
      tpu.vector_store %arg6[%parallel_loop3A_428], %parallel_loop3A_431 {strides = array<i32>} : memref<65536xf32, #tpu.memory_space<vmem>>, vector<16xf32>,
      %parallel_loop3A_432 = arith.subf %broadcast_in_dim3A_3, %parallel_loop3A_425 : vector<16xf32>
      %parallel_loop3A_433 = arith.constant 128 : i32
      %parallel_loop3A_434 = arith.addi %parallel_loop3A_394, %parallel_loop3A_433 : i32
      %parallel_loop3A_435 = arith.constant 16 : i32
      %parallel_loop3A_436 = arith.addi %parallel_loop3A_434, %parallel_loop3A_435 : i32
      %parallel_loop3A_437 = arith.index_cast %parallel_loop3A_436 : i32 to index
      %parallel_loop3A_438 = tpu.vector_load %arg6[%parallel_loop3A_437] {strides = array<i32>} : memref<65536xf32, #tpu.memory_space<vmem>>, vector<16xf32>,
      %parallel_loop3A_439 = vector.shape_cast %parallel_loop3A_438 : vector<16xf32> to vector<16xf32>
      %parallel_loop3A_440 = vector.shape_cast %parallel_loop3A_432 : vector<16xf32> to vector<16xf32>
      tpu.vector_store %arg6[%parallel_loop3A_437], %parallel_loop3A_440 {strides = array<i32>} : memref<65536xf32, #tpu.memory_space<vmem>>, vector<16xf32>,
      %parallel_loop3A_441 = arith.index_cast %parallel_loop3A_392 : i32 to index
      %parallel_loop3A_442 = arith.constant 32 : index
      %parallel_loop3A_443 = tpu.vector_load %arg5[%parallel_loop3A_441, %parallel_loop3A_442] {strides = array<i32>} : memref<256x128xf32, #tpu.memory_space<vmem>>, vector<1x16xf32>,
      %parallel_loop3A_444 = vector.shape_cast %parallel_loop3A_443 : vector<1x16xf32> to vector<16xf32>
      %parallel_loop3A_445 = arith.constant 5.000000e-01 : f32
      %parallel_loop3A_446 = vector.broadcast %parallel_loop3A_445 : f32 to vector<16xf32>
      %parallel_loop3A_447 = arith.cmpf oge, %parallel_loop3A_444, %parallel_loop3A_446 : vector<16xf32>
      %parallel_loop3A_448 = arith.select %parallel_loop3A_447, %broadcast_in_dim3A_3, %broadcast_in_dim3A_5 : vector<16xi1>, vector<16xf32>
      %parallel_loop3A_449 = arith.constant 32 : i32
      %parallel_loop3A_450 = arith.addi %parallel_loop3A_394, %parallel_loop3A_449 : i32
      %parallel_loop3A_451 = arith.index_cast %parallel_loop3A_450 : i32 to index
      %parallel_loop3A_452 = tpu.vector_load %arg6[%parallel_loop3A_451] {strides = array<i32>} : memref<65536xf32, #tpu.memory_space<vmem>>, vector<16xf32>,
      %parallel_loop3A_453 = vector.shape_cast %parallel_loop3A_452 : vector<16xf32> to vector<16xf32>
      %parallel_loop3A_454 = vector.shape_cast %parallel_loop3A_448 : vector<16xf32> to vector<16xf32>
      tpu.vector_store %arg6[%parallel_loop3A_451], %parallel_loop3A_454 {strides = array<i32>} : memref<65536xf32, #tpu.memory_space<vmem>>, vector<16xf32>,
      %parallel_loop3A_455 = arith.subf %broadcast_in_dim3A_3, %parallel_loop3A_448 : vector<16xf32>
      %parallel_loop3A_456 = arith.constant 128 : i32
      %parallel_loop3A_457 = arith.addi %parallel_loop3A_394, %parallel_loop3A_456 : i32
      %parallel_loop3A_458 = arith.constant 32 : i32
      %parallel_loop3A_459 = arith.addi %parallel_loop3A_457, %parallel_loop3A_458 : i32
      %parallel_loop3A_460 = arith.index_cast %parallel_loop3A_459 : i32 to index
      %parallel_loop3A_461 = tpu.vector_load %arg6[%parallel_loop3A_460] {strides = array<i32>} : memref<65536xf32, #tpu.memory_space<vmem>>, vector<16xf32>,
      %parallel_loop3A_462 = vector.shape_cast %parallel_loop3A_461 : vector<16xf32> to vector<16xf32>
      %parallel_loop3A_463 = vector.shape_cast %parallel_loop3A_455 : vector<16xf32> to vector<16xf32>
      tpu.vector_store %arg6[%parallel_loop3A_460], %parallel_loop3A_463 {strides = array<i32>} : memref<65536xf32, #tpu.memory_space<vmem>>, vector<16xf32>,
      %parallel_loop3A_464 = arith.index_cast %parallel_loop3A_392 : i32 to index
      %parallel_loop3A_465 = arith.constant 48 : index
      %parallel_loop3A_466 = tpu.vector_load %arg5[%parallel_loop3A_464, %parallel_loop3A_465] {strides = array<i32>} : memref<256x128xf32, #tpu.memory_space<vmem>>, vector<1x16xf32>,
      %parallel_loop3A_467 = vector.shape_cast %parallel_loop3A_466 : vector<1x16xf32> to vector<16xf32>
      %parallel_loop3A_468 = arith.constant 5.000000e-01 : f32
      %parallel_loop3A_469 = vector.broadcast %parallel_loop3A_468 : f32 to vector<16xf32>
      %parallel_loop3A_470 = arith.cmpf oge, %parallel_loop3A_467, %parallel_loop3A_469 : vector<16xf32>
      %parallel_loop3A_471 = arith.select %parallel_loop3A_470, %broadcast_in_dim3A_3, %broadcast_in_dim3A_5 : vector<16xi1>, vector<16xf32>
      %parallel_loop3A_472 = arith.constant 48 : i32
      %parallel_loop3A_473 = arith.addi %parallel_loop3A_394, %parallel_loop3A_472 : i32
      %parallel_loop3A_474 = arith.index_cast %parallel_loop3A_473 : i32 to index
      %parallel_loop3A_475 = tpu.vector_load %arg6[%parallel_loop3A_474] {strides = array<i32>} : memref<65536xf32, #tpu.memory_space<vmem>>, vector<16xf32>,
      %parallel_loop3A_476 = vector.shape_cast %parallel_loop3A_475 : vector<16xf32> to vector<16xf32>
      %parallel_loop3A_477 = vector.shape_cast %parallel_loop3A_471 : vector<16xf32> to vector<16xf32>
      tpu.vector_store %arg6[%parallel_loop3A_474], %parallel_loop3A_477 {strides = array<i32>} : memref<65536xf32, #tpu.memory_space<vmem>>, vector<16xf32>,
      %parallel_loop3A_478 = arith.subf %broadcast_in_dim3A_3, %parallel_loop3A_471 : vector<16xf32>
      %parallel_loop3A_479 = arith.constant 128 : i32
      %parallel_loop3A_480 = arith.addi %parallel_loop3A_394, %parallel_loop3A_479 : i32
      %parallel_loop3A_481 = arith.constant 48 : i32
      %parallel_loop3A_482 = arith.addi %parallel_loop3A_480, %parallel_loop3A_481 : i32
      %parallel_loop3A_483 = arith.index_cast %parallel_loop3A_482 : i32 to index
      %parallel_loop3A_484 = tpu.vector_load %arg6[%parallel_loop3A_483] {strides = array<i32>} : memref<65536xf32, #tpu.memory_space<vmem>>, vector<16xf32>,
      %parallel_loop3A_485 = vector.shape_cast %parallel_loop3A_484 : vector<16xf32> to vector<16xf32>
      %parallel_loop3A_486 = vector.shape_cast %parallel_loop3A_478 : vector<16xf32> to vector<16xf32>
      tpu.vector_store %arg6[%parallel_loop3A_483], %parallel_loop3A_486 {strides = array<i32>} : memref<65536xf32, #tpu.memory_space<vmem>>, vector<16xf32>,
      %parallel_loop3A_487 = arith.index_cast %parallel_loop3A_392 : i32 to index
      %parallel_loop3A_488 = arith.constant 64 : index
      %parallel_loop3A_489 = tpu.vector_load %arg5[%parallel_loop3A_487, %parallel_loop3A_488] {strides = array<i32>} : memref<256x128xf32, #tpu.memory_space<vmem>>, vector<1x16xf32>,
      %parallel_loop3A_490 = vector.shape_cast %parallel_loop3A_489 : vector<1x16xf32> to vector<16xf32>
      %parallel_loop3A_491 = arith.constant 5.000000e-01 : f32
      %parallel_loop3A_492 = vector.broadcast %parallel_loop3A_491 : f32 to vector<16xf32>
      %parallel_loop3A_493 = arith.cmpf oge, %parallel_loop3A_490, %parallel_loop3A_492 : vector<16xf32>
      %parallel_loop3A_494 = arith.select %parallel_loop3A_493, %broadcast_in_dim3A_3, %broadcast_in_dim3A_5 : vector<16xi1>, vector<16xf32>
      %parallel_loop3A_495 = arith.constant 64 : i32
      %parallel_loop3A_496 = arith.addi %parallel_loop3A_394, %parallel_loop3A_495 : i32
      %parallel_loop3A_497 = arith.index_cast %parallel_loop3A_496 : i32 to index
      %parallel_loop3A_498 = tpu.vector_load %arg6[%parallel_loop3A_497] {strides = array<i32>} : memref<65536xf32, #tpu.memory_space<vmem>>, vector<16xf32>,
      %parallel_loop3A_499 = vector.shape_cast %parallel_loop3A_498 : vector<16xf32> to vector<16xf32>
      %parallel_loop3A_500 = vector.shape_cast %parallel_loop3A_494 : vector<16xf32> to vector<16xf32>
      tpu.vector_store %arg6[%parallel_loop3A_497], %parallel_loop3A_500 {strides = array<i32>} : memref<65536xf32, #tpu.memory_space<vmem>>, vector<16xf32>,
      %parallel_loop3A_501 = arith.subf %broadcast_in_dim3A_3, %parallel_loop3A_494 : vector<16xf32>
      %parallel_loop3A_502 = arith.constant 128 : i32
      %parallel_loop3A_503 = arith.addi %parallel_loop3A_394, %parallel_loop3A_502 : i32
      %parallel_loop3A_504 = arith.constant 64 : i32
      %parallel_loop3A_505 = arith.addi %parallel_loop3A_503, %parallel_loop3A_504 : i32
      %parallel_loop3A_506 = arith.index_cast %parallel_loop3A_505 : i32 to index
      %parallel_loop3A_507 = tpu.vector_load %arg6[%parallel_loop3A_506] {strides = array<i32>} : memref<65536xf32, #tpu.memory_space<vmem>>, vector<16xf32>,
      %parallel_loop3A_508 = vector.shape_cast %parallel_loop3A_507 : vector<16xf32> to vector<16xf32>
      %parallel_loop3A_509 = vector.shape_cast %parallel_loop3A_501 : vector<16xf32> to vector<16xf32>
      tpu.vector_store %arg6[%parallel_loop3A_506], %parallel_loop3A_509 {strides = array<i32>} : memref<65536xf32, #tpu.memory_space<vmem>>, vector<16xf32>,
      %parallel_loop3A_510 = arith.index_cast %parallel_loop3A_392 : i32 to index
      %parallel_loop3A_511 = arith.constant 80 : index
      %parallel_loop3A_512 = tpu.vector_load %arg5[%parallel_loop3A_510, %parallel_loop3A_511] {strides = array<i32>} : memref<256x128xf32, #tpu.memory_space<vmem>>, vector<1x16xf32>,
      %parallel_loop3A_513 = vector.shape_cast %parallel_loop3A_512 : vector<1x16xf32> to vector<16xf32>
      %parallel_loop3A_514 = arith.constant 5.000000e-01 : f32
      %parallel_loop3A_515 = vector.broadcast %parallel_loop3A_514 : f32 to vector<16xf32>
      %parallel_loop3A_516 = arith.cmpf oge, %parallel_loop3A_513, %parallel_loop3A_515 : vector<16xf32>
      %parallel_loop3A_517 = arith.select %parallel_loop3A_516, %broadcast_in_dim3A_3, %broadcast_in_dim3A_5 : vector<16xi1>, vector<16xf32>
      %parallel_loop3A_518 = arith.constant 80 : i32
      %parallel_loop3A_519 = arith.addi %parallel_loop3A_394, %parallel_loop3A_518 : i32
      %parallel_loop3A_520 = arith.index_cast %parallel_loop3A_519 : i32 to index
      %parallel_loop3A_521 = tpu.vector_load %arg6[%parallel_loop3A_520] {strides = array<i32>} : memref<65536xf32, #tpu.memory_space<vmem>>, vector<16xf32>,
      %parallel_loop3A_522 = vector.shape_cast %parallel_loop3A_521 : vector<16xf32> to vector<16xf32>
      %parallel_loop3A_523 = vector.shape_cast %parallel_loop3A_517 : vector<16xf32> to vector<16xf32>
      tpu.vector_store %arg6[%parallel_loop3A_520], %parallel_loop3A_523 {strides = array<i32>} : memref<65536xf32, #tpu.memory_space<vmem>>, vector<16xf32>,
      %parallel_loop3A_524 = arith.subf %broadcast_in_dim3A_3, %parallel_loop3A_517 : vector<16xf32>
      %parallel_loop3A_525 = arith.constant 128 : i32
      %parallel_loop3A_526 = arith.addi %parallel_loop3A_394, %parallel_loop3A_525 : i32
      %parallel_loop3A_527 = arith.constant 80 : i32
      %parallel_loop3A_528 = arith.addi %parallel_loop3A_526, %parallel_loop3A_527 : i32
      %parallel_loop3A_529 = arith.index_cast %parallel_loop3A_528 : i32 to index
      %parallel_loop3A_530 = tpu.vector_load %arg6[%parallel_loop3A_529] {strides = array<i32>} : memref<65536xf32, #tpu.memory_space<vmem>>, vector<16xf32>,
      %parallel_loop3A_531 = vector.shape_cast %parallel_loop3A_530 : vector<16xf32> to vector<16xf32>
      %parallel_loop3A_532 = vector.shape_cast %parallel_loop3A_524 : vector<16xf32> to vector<16xf32>
      tpu.vector_store %arg6[%parallel_loop3A_529], %parallel_loop3A_532 {strides = array<i32>} : memref<65536xf32, #tpu.memory_space<vmem>>, vector<16xf32>,
      %parallel_loop3A_533 = arith.index_cast %parallel_loop3A_392 : i32 to index
      %parallel_loop3A_534 = arith.constant 96 : index
      %parallel_loop3A_535 = tpu.vector_load %arg5[%parallel_loop3A_533, %parallel_loop3A_534] {strides = array<i32>} : memref<256x128xf32, #tpu.memory_space<vmem>>, vector<1x16xf32>,
      %parallel_loop3A_536 = vector.shape_cast %parallel_loop3A_535 : vector<1x16xf32> to vector<16xf32>
      %parallel_loop3A_537 = arith.constant 5.000000e-01 : f32
      %parallel_loop3A_538 = vector.broadcast %parallel_loop3A_537 : f32 to vector<16xf32>
      %parallel_loop3A_539 = arith.cmpf oge, %parallel_loop3A_536, %parallel_loop3A_538 : vector<16xf32>
      %parallel_loop3A_540 = arith.select %parallel_loop3A_539, %broadcast_in_dim3A_3, %broadcast_in_dim3A_5 : vector<16xi1>, vector<16xf32>
      %parallel_loop3A_541 = arith.constant 96 : i32
      %parallel_loop3A_542 = arith.addi %parallel_loop3A_394, %parallel_loop3A_541 : i32
      %parallel_loop3A_543 = arith.index_cast %parallel_loop3A_542 : i32 to index
      %parallel_loop3A_544 = tpu.vector_load %arg6[%parallel_loop3A_543] {strides = array<i32>} : memref<65536xf32, #tpu.memory_space<vmem>>, vector<16xf32>,
      %parallel_loop3A_545 = vector.shape_cast %parallel_loop3A_544 : vector<16xf32> to vector<16xf32>
      %parallel_loop3A_546 = vector.shape_cast %parallel_loop3A_540 : vector<16xf32> to vector<16xf32>
      tpu.vector_store %arg6[%parallel_loop3A_543], %parallel_loop3A_546 {strides = array<i32>} : memref<65536xf32, #tpu.memory_space<vmem>>, vector<16xf32>,
      %parallel_loop3A_547 = arith.subf %broadcast_in_dim3A_3, %parallel_loop3A_540 : vector<16xf32>
      %parallel_loop3A_548 = arith.constant 128 : i32
      %parallel_loop3A_549 = arith.addi %parallel_loop3A_394, %parallel_loop3A_548 : i32
      %parallel_loop3A_550 = arith.constant 96 : i32
      %parallel_loop3A_551 = arith.addi %parallel_loop3A_549, %parallel_loop3A_550 : i32
      %parallel_loop3A_552 = arith.index_cast %parallel_loop3A_551 : i32 to index
      %parallel_loop3A_553 = tpu.vector_load %arg6[%parallel_loop3A_552] {strides = array<i32>} : memref<65536xf32, #tpu.memory_space<vmem>>, vector<16xf32>,
      %parallel_loop3A_554 = vector.shape_cast %parallel_loop3A_553 : vector<16xf32> to vector<16xf32>
      %parallel_loop3A_555 = vector.shape_cast %parallel_loop3A_547 : vector<16xf32> to vector<16xf32>
      tpu.vector_store %arg6[%parallel_loop3A_552], %parallel_loop3A_555 {strides = array<i32>} : memref<65536xf32, #tpu.memory_space<vmem>>, vector<16xf32>,
      %parallel_loop3A_556 = arith.index_cast %parallel_loop3A_392 : i32 to index
      %parallel_loop3A_557 = arith.constant 112 : index
      %parallel_loop3A_558 = tpu.vector_load %arg5[%parallel_loop3A_556, %parallel_loop3A_557] {strides = array<i32>} : memref<256x128xf32, #tpu.memory_space<vmem>>, vector<1x16xf32>,
      %parallel_loop3A_559 = vector.shape_cast %parallel_loop3A_558 : vector<1x16xf32> to vector<16xf32>
      %parallel_loop3A_560 = arith.constant 5.000000e-01 : f32
      %parallel_loop3A_561 = vector.broadcast %parallel_loop3A_560 : f32 to vector<16xf32>
      %parallel_loop3A_562 = arith.cmpf oge, %parallel_loop3A_559, %parallel_loop3A_561 : vector<16xf32>
      %parallel_loop3A_563 = arith.select %parallel_loop3A_562, %broadcast_in_dim3A_3, %broadcast_in_dim3A_5 : vector<16xi1>, vector<16xf32>
      %parallel_loop3A_564 = arith.constant 112 : i32
      %parallel_loop3A_565 = arith.addi %parallel_loop3A_394, %parallel_loop3A_564 : i32
      %parallel_loop3A_566 = arith.index_cast %parallel_loop3A_565 : i32 to index
      %parallel_loop3A_567 = tpu.vector_load %arg6[%parallel_loop3A_566] {strides = array<i32>} : memref<65536xf32, #tpu.memory_space<vmem>>, vector<16xf32>,
      %parallel_loop3A_568 = vector.shape_cast %parallel_loop3A_567 : vector<16xf32> to vector<16xf32>
      %parallel_loop3A_569 = vector.shape_cast %parallel_loop3A_563 : vector<16xf32> to vector<16xf32>
      tpu.vector_store %arg6[%parallel_loop3A_566], %parallel_loop3A_569 {strides = array<i32>} : memref<65536xf32, #tpu.memory_space<vmem>>, vector<16xf32>,
      %parallel_loop3A_570 = arith.subf %broadcast_in_dim3A_3, %parallel_loop3A_563 : vector<16xf32>
      %parallel_loop3A_571 = arith.constant 128 : i32
      %parallel_loop3A_572 = arith.addi %parallel_loop3A_394, %parallel_loop3A_571 : i32
      %parallel_loop3A_573 = arith.constant 112 : i32
      %parallel_loop3A_574 = arith.addi %parallel_loop3A_572, %parallel_loop3A_573 : i32
      %parallel_loop3A_575 = arith.index_cast %parallel_loop3A_574 : i32 to index
      %parallel_loop3A_576 = tpu.vector_load %arg6[%parallel_loop3A_575] {strides = array<i32>} : memref<65536xf32, #tpu.memory_space<vmem>>, vector<16xf32>,
      %parallel_loop3A_577 = vector.shape_cast %parallel_loop3A_576 : vector<16xf32> to vector<16xf32>
      %parallel_loop3A_578 = vector.shape_cast %parallel_loop3A_570 : vector<16xf32> to vector<16xf32>
      tpu.vector_store %arg6[%parallel_loop3A_575], %parallel_loop3A_578 {strides = array<i32>} : memref<65536xf32, #tpu.memory_space<vmem>>, vector<16xf32>,
    } {sc.loop_unroll_factor = 4 : i64, sc.parallel_access}
    %add3A_303 = arith.constant 0 : i32
    %add3A_304 = arith.addi %mul3A_293, %add3A_303 : i32
    %dma_start3A_305 = arith.constant 0 : i32
    %dma_start3A_306 = tpu.memref_slice %arg6[%dma_start3A_305] : memref<65536xf32, #tpu.memory_space<vmem>> -> memref<16384xf32, #tpu.memory_space<vmem>>
    %dma_start3A_307 = tpu.memref_slice %arg3[%add3A_304] : memref<2097152xf32, #tpu.memory_space<hbm>> -> memref<16384xf32, #tpu.memory_space<hbm>>
    %dma_start3A_308 = tpu.memref_slice %arg3[%add3A_304] : memref<2097152xf32, #tpu.memory_space<hbm>> -> memref<16384xf32, #tpu.memory_space<hbm>>
    %dma_start3A_309 = arith.constant 0 : i32
    %dma_start3A_310 = tpu.memref_slice %arg6[%dma_start3A_309] : memref<65536xf32, #tpu.memory_space<vmem>> -> memref<16384xf32, #tpu.memory_space<vmem>>
    tpu.enqueue_dma source(%dma_start3A_310 : memref<16384xf32, #tpu.memory_space<vmem>>) target(%dma_start3A_308 : memref<16384xf32, #tpu.memory_space<hbm>>) target_semaphore(%arg8 : memref<!tpu.dma_semaphore, #tpu.memory_space<semaphore_mem>>)
    %dma_wait3A_311 = arith.constant 64 : i32
    %dma_wait3A_312 = arith.constant 0 : i32
    %dma_wait3A_313 = tpu.memref_slice %arg5[%dma_wait3A_311, %dma_wait3A_312] : memref<256x128xf32, #tpu.memory_space<vmem>> -> memref<64x128xf32, #tpu.memory_space<vmem>>
    %dma_wait3A_314 = arith.constant 64 : i32
    %dma_wait3A_315 = tpu.memref_slice %arg4[%dma_wait3A_314] : memref<256xi32, #tpu.memory_space<vmem>> -> memref<64xi32, #tpu.memory_space<vmem>>
    %dma_wait3A_316 = arith.constant 0 : i32
    %dma_wait3A_317 = arith.constant 0 : i32
    %dma_wait3A_318 = tpu.memref_slice %arg2[%dma_wait3A_316, %dma_wait3A_317] : memref<524288x128xf32, #tpu.memory_space<hbm>> -> memref<524288x128xf32, #tpu.memory_space<hbm>>
    tpu.wait_indirect_dma semaphore(%arg7 : memref<!tpu.dma_semaphore, #tpu.memory_space<semaphore_mem>>) src(%dma_wait3A_318 : memref<524288x128xf32, #tpu.memory_space<hbm>>) dst(%dma_wait3A_313 : memref<64x128xf32, #tpu.memory_space<vmem>>)
    %parallel_loop3A_319 = arith.constant 64 : i32
    %parallel_loop3A_320 = arith.constant 128 : i32
    %parallel_loop3A_321 = arith.constant 1 : i32
    scf.for %parallel_loop3A_392 = %parallel_loop3A_319 to %parallel_loop3A_320 step %parallel_loop3A_321  : i32 {
      %parallel_loop3A_393 = arith.constant 256 : i32
      %parallel_loop3A_394 = arith.muli %parallel_loop3A_392, %parallel_loop3A_393 : i32
      %parallel_loop3A_395 = arith.index_cast %parallel_loop3A_392 : i32 to index
      %parallel_loop3A_396 = arith.constant 0 : index
      %parallel_loop3A_397 = tpu.vector_load %arg5[%parallel_loop3A_395, %parallel_loop3A_396] {strides = array<i32>} : memref<256x128xf32, #tpu.memory_space<vmem>>, vector<1x16xf32>,
      %parallel_loop3A_398 = vector.shape_cast %parallel_loop3A_397 : vector<1x16xf32> to vector<16xf32>
      %parallel_loop3A_399 = arith.constant 5.000000e-01 : f32
      %parallel_loop3A_400 = vector.broadcast %parallel_loop3A_399 : f32 to vector<16xf32>
      %parallel_loop3A_401 = arith.cmpf oge, %parallel_loop3A_398, %parallel_loop3A_400 : vector<16xf32>
      %parallel_loop3A_402 = arith.select %parallel_loop3A_401, %broadcast_in_dim3A_3, %broadcast_in_dim3A_5 : vector<16xi1>, vector<16xf32>
      %parallel_loop3A_403 = arith.constant 0 : i32
      %parallel_loop3A_404 = arith.addi %parallel_loop3A_394, %parallel_loop3A_403 : i32
      %parallel_loop3A_405 = arith.index_cast %parallel_loop3A_404 : i32 to index
      %parallel_loop3A_406 = tpu.vector_load %arg6[%parallel_loop3A_405] {strides = array<i32>} : memref<65536xf32, #tpu.memory_space<vmem>>, vector<16xf32>,
      %parallel_loop3A_407 = vector.shape_cast %parallel_loop3A_406 : vector<16xf32> to vector<16xf32>
      %parallel_loop3A_408 = vector.shape_cast %parallel_loop3A_402 : vector<16xf32> to vector<16xf32>
      tpu.vector_store %arg6[%parallel_loop3A_405], %parallel_loop3A_408 {strides = array<i32>} : memref<65536xf32, #tpu.memory_space<vmem>>, vector<16xf32>,
      %parallel_loop3A_409 = arith.subf %broadcast_in_dim3A_3, %parallel_loop3A_402 : vector<16xf32>
      %parallel_loop3A_410 = arith.constant 128 : i32
      %parallel_loop3A_411 = arith.addi %parallel_loop3A_394, %parallel_loop3A_410 : i32
      %parallel_loop3A_412 = arith.constant 0 : i32
      %parallel_loop3A_413 = arith.addi %parallel_loop3A_411, %parallel_loop3A_412 : i32
      %parallel_loop3A_414 = arith.index_cast %parallel_loop3A_413 : i32 to index
      %parallel_loop3A_415 = tpu.vector_load %arg6[%parallel_loop3A_414] {strides = array<i32>} : memref<65536xf32, #tpu.memory_space<vmem>>, vector<16xf32>,
      %parallel_loop3A_416 = vector.shape_cast %parallel_loop3A_415 : vector<16xf32> to vector<16xf32>
      %parallel_loop3A_417 = vector.shape_cast %parallel_loop3A_409 : vector<16xf32> to vector<16xf32>
      tpu.vector_store %arg6[%parallel_loop3A_414], %parallel_loop3A_417 {strides = array<i32>} : memref<65536xf32, #tpu.memory_space<vmem>>, vector<16xf32>,
      %parallel_loop3A_418 = arith.index_cast %parallel_loop3A_392 : i32 to index
      %parallel_loop3A_419 = arith.constant 16 : index
      %parallel_loop3A_420 = tpu.vector_load %arg5[%parallel_loop3A_418, %parallel_loop3A_419] {strides = array<i32>} : memref<256x128xf32, #tpu.memory_space<vmem>>, vector<1x16xf32>,
      %parallel_loop3A_421 = vector.shape_cast %parallel_loop3A_420 : vector<1x16xf32> to vector<16xf32>
      %parallel_loop3A_422 = arith.constant 5.000000e-01 : f32
      %parallel_loop3A_423 = vector.broadcast %parallel_loop3A_422 : f32 to vector<16xf32>
      %parallel_loop3A_424 = arith.cmpf oge, %parallel_loop3A_421, %parallel_loop3A_423 : vector<16xf32>
      %parallel_loop3A_425 = arith.select %parallel_loop3A_424, %broadcast_in_dim3A_3, %broadcast_in_dim3A_5 : vector<16xi1>, vector<16xf32>
      %parallel_loop3A_426 = arith.constant 16 : i32
      %parallel_loop3A_427 = arith.addi %parallel_loop3A_394, %parallel_loop3A_426 : i32
      %parallel_loop3A_428 = arith.index_cast %parallel_loop3A_427 : i32 to index
      %parallel_loop3A_429 = tpu.vector_load %arg6[%parallel_loop3A_428] {strides = array<i32>} : memref<65536xf32, #tpu.memory_space<vmem>>, vector<16xf32>,
      %parallel_loop3A_430 = vector.shape_cast %parallel_loop3A_429 : vector<16xf32> to vector<16xf32>
      %parallel_loop3A_431 = vector.shape_cast %parallel_loop3A_425 : vector<16xf32> to vector<16xf32>
      tpu.vector_store %arg6[%parallel_loop3A_428], %parallel_loop3A_431 {strides = array<i32>} : memref<65536xf32, #tpu.memory_space<vmem>>, vector<16xf32>,
      %parallel_loop3A_432 = arith.subf %broadcast_in_dim3A_3, %parallel_loop3A_425 : vector<16xf32>
      %parallel_loop3A_433 = arith.constant 128 : i32
      %parallel_loop3A_434 = arith.addi %parallel_loop3A_394, %parallel_loop3A_433 : i32
      %parallel_loop3A_435 = arith.constant 16 : i32
      %parallel_loop3A_436 = arith.addi %parallel_loop3A_434, %parallel_loop3A_435 : i32
      %parallel_loop3A_437 = arith.index_cast %parallel_loop3A_436 : i32 to index
      %parallel_loop3A_438 = tpu.vector_load %arg6[%parallel_loop3A_437] {strides = array<i32>} : memref<65536xf32, #tpu.memory_space<vmem>>, vector<16xf32>,
      %parallel_loop3A_439 = vector.shape_cast %parallel_loop3A_438 : vector<16xf32> to vector<16xf32>
      %parallel_loop3A_440 = vector.shape_cast %parallel_loop3A_432 : vector<16xf32> to vector<16xf32>
      tpu.vector_store %arg6[%parallel_loop3A_437], %parallel_loop3A_440 {strides = array<i32>} : memref<65536xf32, #tpu.memory_space<vmem>>, vector<16xf32>,
      %parallel_loop3A_441 = arith.index_cast %parallel_loop3A_392 : i32 to index
      %parallel_loop3A_442 = arith.constant 32 : index
      %parallel_loop3A_443 = tpu.vector_load %arg5[%parallel_loop3A_441, %parallel_loop3A_442] {strides = array<i32>} : memref<256x128xf32, #tpu.memory_space<vmem>>, vector<1x16xf32>,
      %parallel_loop3A_444 = vector.shape_cast %parallel_loop3A_443 : vector<1x16xf32> to vector<16xf32>
      %parallel_loop3A_445 = arith.constant 5.000000e-01 : f32
      %parallel_loop3A_446 = vector.broadcast %parallel_loop3A_445 : f32 to vector<16xf32>
      %parallel_loop3A_447 = arith.cmpf oge, %parallel_loop3A_444, %parallel_loop3A_446 : vector<16xf32>
      %parallel_loop3A_448 = arith.select %parallel_loop3A_447, %broadcast_in_dim3A_3, %broadcast_in_dim3A_5 : vector<16xi1>, vector<16xf32>
      %parallel_loop3A_449 = arith.constant 32 : i32
      %parallel_loop3A_450 = arith.addi %parallel_loop3A_394, %parallel_loop3A_449 : i32
      %parallel_loop3A_451 = arith.index_cast %parallel_loop3A_450 : i32 to index
      %parallel_loop3A_452 = tpu.vector_load %arg6[%parallel_loop3A_451] {strides = array<i32>} : memref<65536xf32, #tpu.memory_space<vmem>>, vector<16xf32>,
      %parallel_loop3A_453 = vector.shape_cast %parallel_loop3A_452 : vector<16xf32> to vector<16xf32>
      %parallel_loop3A_454 = vector.shape_cast %parallel_loop3A_448 : vector<16xf32> to vector<16xf32>
      tpu.vector_store %arg6[%parallel_loop3A_451], %parallel_loop3A_454 {strides = array<i32>} : memref<65536xf32, #tpu.memory_space<vmem>>, vector<16xf32>,
      %parallel_loop3A_455 = arith.subf %broadcast_in_dim3A_3, %parallel_loop3A_448 : vector<16xf32>
      %parallel_loop3A_456 = arith.constant 128 : i32
      %parallel_loop3A_457 = arith.addi %parallel_loop3A_394, %parallel_loop3A_456 : i32
      %parallel_loop3A_458 = arith.constant 32 : i32
      %parallel_loop3A_459 = arith.addi %parallel_loop3A_457, %parallel_loop3A_458 : i32
      %parallel_loop3A_460 = arith.index_cast %parallel_loop3A_459 : i32 to index
      %parallel_loop3A_461 = tpu.vector_load %arg6[%parallel_loop3A_460] {strides = array<i32>} : memref<65536xf32, #tpu.memory_space<vmem>>, vector<16xf32>,
      %parallel_loop3A_462 = vector.shape_cast %parallel_loop3A_461 : vector<16xf32> to vector<16xf32>
      %parallel_loop3A_463 = vector.shape_cast %parallel_loop3A_455 : vector<16xf32> to vector<16xf32>
      tpu.vector_store %arg6[%parallel_loop3A_460], %parallel_loop3A_463 {strides = array<i32>} : memref<65536xf32, #tpu.memory_space<vmem>>, vector<16xf32>,
      %parallel_loop3A_464 = arith.index_cast %parallel_loop3A_392 : i32 to index
      %parallel_loop3A_465 = arith.constant 48 : index
      %parallel_loop3A_466 = tpu.vector_load %arg5[%parallel_loop3A_464, %parallel_loop3A_465] {strides = array<i32>} : memref<256x128xf32, #tpu.memory_space<vmem>>, vector<1x16xf32>,
      %parallel_loop3A_467 = vector.shape_cast %parallel_loop3A_466 : vector<1x16xf32> to vector<16xf32>
      %parallel_loop3A_468 = arith.constant 5.000000e-01 : f32
      %parallel_loop3A_469 = vector.broadcast %parallel_loop3A_468 : f32 to vector<16xf32>
      %parallel_loop3A_470 = arith.cmpf oge, %parallel_loop3A_467, %parallel_loop3A_469 : vector<16xf32>
      %parallel_loop3A_471 = arith.select %parallel_loop3A_470, %broadcast_in_dim3A_3, %broadcast_in_dim3A_5 : vector<16xi1>, vector<16xf32>
      %parallel_loop3A_472 = arith.constant 48 : i32
      %parallel_loop3A_473 = arith.addi %parallel_loop3A_394, %parallel_loop3A_472 : i32
      %parallel_loop3A_474 = arith.index_cast %parallel_loop3A_473 : i32 to index
      %parallel_loop3A_475 = tpu.vector_load %arg6[%parallel_loop3A_474] {strides = array<i32>} : memref<65536xf32, #tpu.memory_space<vmem>>, vector<16xf32>,
      %parallel_loop3A_476 = vector.shape_cast %parallel_loop3A_475 : vector<16xf32> to vector<16xf32>
      %parallel_loop3A_477 = vector.shape_cast %parallel_loop3A_471 : vector<16xf32> to vector<16xf32>
      tpu.vector_store %arg6[%parallel_loop3A_474], %parallel_loop3A_477 {strides = array<i32>} : memref<65536xf32, #tpu.memory_space<vmem>>, vector<16xf32>,
      %parallel_loop3A_478 = arith.subf %broadcast_in_dim3A_3, %parallel_loop3A_471 : vector<16xf32>
      %parallel_loop3A_479 = arith.constant 128 : i32
      %parallel_loop3A_480 = arith.addi %parallel_loop3A_394, %parallel_loop3A_479 : i32
      %parallel_loop3A_481 = arith.constant 48 : i32
      %parallel_loop3A_482 = arith.addi %parallel_loop3A_480, %parallel_loop3A_481 : i32
      %parallel_loop3A_483 = arith.index_cast %parallel_loop3A_482 : i32 to index
      %parallel_loop3A_484 = tpu.vector_load %arg6[%parallel_loop3A_483] {strides = array<i32>} : memref<65536xf32, #tpu.memory_space<vmem>>, vector<16xf32>,
      %parallel_loop3A_485 = vector.shape_cast %parallel_loop3A_484 : vector<16xf32> to vector<16xf32>
      %parallel_loop3A_486 = vector.shape_cast %parallel_loop3A_478 : vector<16xf32> to vector<16xf32>
      tpu.vector_store %arg6[%parallel_loop3A_483], %parallel_loop3A_486 {strides = array<i32>} : memref<65536xf32, #tpu.memory_space<vmem>>, vector<16xf32>,
      %parallel_loop3A_487 = arith.index_cast %parallel_loop3A_392 : i32 to index
      %parallel_loop3A_488 = arith.constant 64 : index
      %parallel_loop3A_489 = tpu.vector_load %arg5[%parallel_loop3A_487, %parallel_loop3A_488] {strides = array<i32>} : memref<256x128xf32, #tpu.memory_space<vmem>>, vector<1x16xf32>,
      %parallel_loop3A_490 = vector.shape_cast %parallel_loop3A_489 : vector<1x16xf32> to vector<16xf32>
      %parallel_loop3A_491 = arith.constant 5.000000e-01 : f32
      %parallel_loop3A_492 = vector.broadcast %parallel_loop3A_491 : f32 to vector<16xf32>
      %parallel_loop3A_493 = arith.cmpf oge, %parallel_loop3A_490, %parallel_loop3A_492 : vector<16xf32>
      %parallel_loop3A_494 = arith.select %parallel_loop3A_493, %broadcast_in_dim3A_3, %broadcast_in_dim3A_5 : vector<16xi1>, vector<16xf32>
      %parallel_loop3A_495 = arith.constant 64 : i32
      %parallel_loop3A_496 = arith.addi %parallel_loop3A_394, %parallel_loop3A_495 : i32
      %parallel_loop3A_497 = arith.index_cast %parallel_loop3A_496 : i32 to index
      %parallel_loop3A_498 = tpu.vector_load %arg6[%parallel_loop3A_497] {strides = array<i32>} : memref<65536xf32, #tpu.memory_space<vmem>>, vector<16xf32>,
      %parallel_loop3A_499 = vector.shape_cast %parallel_loop3A_498 : vector<16xf32> to vector<16xf32>
      %parallel_loop3A_500 = vector.shape_cast %parallel_loop3A_494 : vector<16xf32> to vector<16xf32>
      tpu.vector_store %arg6[%parallel_loop3A_497], %parallel_loop3A_500 {strides = array<i32>} : memref<65536xf32, #tpu.memory_space<vmem>>, vector<16xf32>,
      %parallel_loop3A_501 = arith.subf %broadcast_in_dim3A_3, %parallel_loop3A_494 : vector<16xf32>
      %parallel_loop3A_502 = arith.constant 128 : i32
      %parallel_loop3A_503 = arith.addi %parallel_loop3A_394, %parallel_loop3A_502 : i32
      %parallel_loop3A_504 = arith.constant 64 : i32
      %parallel_loop3A_505 = arith.addi %parallel_loop3A_503, %parallel_loop3A_504 : i32
      %parallel_loop3A_506 = arith.index_cast %parallel_loop3A_505 : i32 to index
      %parallel_loop3A_507 = tpu.vector_load %arg6[%parallel_loop3A_506] {strides = array<i32>} : memref<65536xf32, #tpu.memory_space<vmem>>, vector<16xf32>,
      %parallel_loop3A_508 = vector.shape_cast %parallel_loop3A_507 : vector<16xf32> to vector<16xf32>
      %parallel_loop3A_509 = vector.shape_cast %parallel_loop3A_501 : vector<16xf32> to vector<16xf32>
      tpu.vector_store %arg6[%parallel_loop3A_506], %parallel_loop3A_509 {strides = array<i32>} : memref<65536xf32, #tpu.memory_space<vmem>>, vector<16xf32>,
      %parallel_loop3A_510 = arith.index_cast %parallel_loop3A_392 : i32 to index
      %parallel_loop3A_511 = arith.constant 80 : index
      %parallel_loop3A_512 = tpu.vector_load %arg5[%parallel_loop3A_510, %parallel_loop3A_511] {strides = array<i32>} : memref<256x128xf32, #tpu.memory_space<vmem>>, vector<1x16xf32>,
      %parallel_loop3A_513 = vector.shape_cast %parallel_loop3A_512 : vector<1x16xf32> to vector<16xf32>
      %parallel_loop3A_514 = arith.constant 5.000000e-01 : f32
      %parallel_loop3A_515 = vector.broadcast %parallel_loop3A_514 : f32 to vector<16xf32>
      %parallel_loop3A_516 = arith.cmpf oge, %parallel_loop3A_513, %parallel_loop3A_515 : vector<16xf32>
      %parallel_loop3A_517 = arith.select %parallel_loop3A_516, %broadcast_in_dim3A_3, %broadcast_in_dim3A_5 : vector<16xi1>, vector<16xf32>
      %parallel_loop3A_518 = arith.constant 80 : i32
      %parallel_loop3A_519 = arith.addi %parallel_loop3A_394, %parallel_loop3A_518 : i32
      %parallel_loop3A_520 = arith.index_cast %parallel_loop3A_519 : i32 to index
      %parallel_loop3A_521 = tpu.vector_load %arg6[%parallel_loop3A_520] {strides = array<i32>} : memref<65536xf32, #tpu.memory_space<vmem>>, vector<16xf32>,
      %parallel_loop3A_522 = vector.shape_cast %parallel_loop3A_521 : vector<16xf32> to vector<16xf32>
      %parallel_loop3A_523 = vector.shape_cast %parallel_loop3A_517 : vector<16xf32> to vector<16xf32>
      tpu.vector_store %arg6[%parallel_loop3A_520], %parallel_loop3A_523 {strides = array<i32>} : memref<65536xf32, #tpu.memory_space<vmem>>, vector<16xf32>,
      %parallel_loop3A_524 = arith.subf %broadcast_in_dim3A_3, %parallel_loop3A_517 : vector<16xf32>
      %parallel_loop3A_525 = arith.constant 128 : i32
      %parallel_loop3A_526 = arith.addi %parallel_loop3A_394, %parallel_loop3A_525 : i32
      %parallel_loop3A_527 = arith.constant 80 : i32
      %parallel_loop3A_528 = arith.addi %parallel_loop3A_526, %parallel_loop3A_527 : i32
      %parallel_loop3A_529 = arith.index_cast %parallel_loop3A_528 : i32 to index
      %parallel_loop3A_530 = tpu.vector_load %arg6[%parallel_loop3A_529] {strides = array<i32>} : memref<65536xf32, #tpu.memory_space<vmem>>, vector<16xf32>,
      %parallel_loop3A_531 = vector.shape_cast %parallel_loop3A_530 : vector<16xf32> to vector<16xf32>
      %parallel_loop3A_532 = vector.shape_cast %parallel_loop3A_524 : vector<16xf32> to vector<16xf32>
      tpu.vector_store %arg6[%parallel_loop3A_529], %parallel_loop3A_532 {strides = array<i32>} : memref<65536xf32, #tpu.memory_space<vmem>>, vector<16xf32>,
      %parallel_loop3A_533 = arith.index_cast %parallel_loop3A_392 : i32 to index
      %parallel_loop3A_534 = arith.constant 96 : index
      %parallel_loop3A_535 = tpu.vector_load %arg5[%parallel_loop3A_533, %parallel_loop3A_534] {strides = array<i32>} : memref<256x128xf32, #tpu.memory_space<vmem>>, vector<1x16xf32>,
      %parallel_loop3A_536 = vector.shape_cast %parallel_loop3A_535 : vector<1x16xf32> to vector<16xf32>
      %parallel_loop3A_537 = arith.constant 5.000000e-01 : f32
      %parallel_loop3A_538 = vector.broadcast %parallel_loop3A_537 : f32 to vector<16xf32>
      %parallel_loop3A_539 = arith.cmpf oge, %parallel_loop3A_536, %parallel_loop3A_538 : vector<16xf32>
      %parallel_loop3A_540 = arith.select %parallel_loop3A_539, %broadcast_in_dim3A_3, %broadcast_in_dim3A_5 : vector<16xi1>, vector<16xf32>
      %parallel_loop3A_541 = arith.constant 96 : i32
      %parallel_loop3A_542 = arith.addi %parallel_loop3A_394, %parallel_loop3A_541 : i32
      %parallel_loop3A_543 = arith.index_cast %parallel_loop3A_542 : i32 to index
      %parallel_loop3A_544 = tpu.vector_load %arg6[%parallel_loop3A_543] {strides = array<i32>} : memref<65536xf32, #tpu.memory_space<vmem>>, vector<16xf32>,
      %parallel_loop3A_545 = vector.shape_cast %parallel_loop3A_544 : vector<16xf32> to vector<16xf32>
      %parallel_loop3A_546 = vector.shape_cast %parallel_loop3A_540 : vector<16xf32> to vector<16xf32>
      tpu.vector_store %arg6[%parallel_loop3A_543], %parallel_loop3A_546 {strides = array<i32>} : memref<65536xf32, #tpu.memory_space<vmem>>, vector<16xf32>,
      %parallel_loop3A_547 = arith.subf %broadcast_in_dim3A_3, %parallel_loop3A_540 : vector<16xf32>
      %parallel_loop3A_548 = arith.constant 128 : i32
      %parallel_loop3A_549 = arith.addi %parallel_loop3A_394, %parallel_loop3A_548 : i32
      %parallel_loop3A_550 = arith.constant 96 : i32
      %parallel_loop3A_551 = arith.addi %parallel_loop3A_549, %parallel_loop3A_550 : i32
      %parallel_loop3A_552 = arith.index_cast %parallel_loop3A_551 : i32 to index
      %parallel_loop3A_553 = tpu.vector_load %arg6[%parallel_loop3A_552] {strides = array<i32>} : memref<65536xf32, #tpu.memory_space<vmem>>, vector<16xf32>,
      %parallel_loop3A_554 = vector.shape_cast %parallel_loop3A_553 : vector<16xf32> to vector<16xf32>
      %parallel_loop3A_555 = vector.shape_cast %parallel_loop3A_547 : vector<16xf32> to vector<16xf32>
      tpu.vector_store %arg6[%parallel_loop3A_552], %parallel_loop3A_555 {strides = array<i32>} : memref<65536xf32, #tpu.memory_space<vmem>>, vector<16xf32>,
      %parallel_loop3A_556 = arith.index_cast %parallel_loop3A_392 : i32 to index
      %parallel_loop3A_557 = arith.constant 112 : index
      %parallel_loop3A_558 = tpu.vector_load %arg5[%parallel_loop3A_556, %parallel_loop3A_557] {strides = array<i32>} : memref<256x128xf32, #tpu.memory_space<vmem>>, vector<1x16xf32>,
      %parallel_loop3A_559 = vector.shape_cast %parallel_loop3A_558 : vector<1x16xf32> to vector<16xf32>
      %parallel_loop3A_560 = arith.constant 5.000000e-01 : f32
      %parallel_loop3A_561 = vector.broadcast %parallel_loop3A_560 : f32 to vector<16xf32>
      %parallel_loop3A_562 = arith.cmpf oge, %parallel_loop3A_559, %parallel_loop3A_561 : vector<16xf32>
      %parallel_loop3A_563 = arith.select %parallel_loop3A_562, %broadcast_in_dim3A_3, %broadcast_in_dim3A_5 : vector<16xi1>, vector<16xf32>
      %parallel_loop3A_564 = arith.constant 112 : i32
      %parallel_loop3A_565 = arith.addi %parallel_loop3A_394, %parallel_loop3A_564 : i32
      %parallel_loop3A_566 = arith.index_cast %parallel_loop3A_565 : i32 to index
      %parallel_loop3A_567 = tpu.vector_load %arg6[%parallel_loop3A_566] {strides = array<i32>} : memref<65536xf32, #tpu.memory_space<vmem>>, vector<16xf32>,
      %parallel_loop3A_568 = vector.shape_cast %parallel_loop3A_567 : vector<16xf32> to vector<16xf32>
      %parallel_loop3A_569 = vector.shape_cast %parallel_loop3A_563 : vector<16xf32> to vector<16xf32>
      tpu.vector_store %arg6[%parallel_loop3A_566], %parallel_loop3A_569 {strides = array<i32>} : memref<65536xf32, #tpu.memory_space<vmem>>, vector<16xf32>,
      %parallel_loop3A_570 = arith.subf %broadcast_in_dim3A_3, %parallel_loop3A_563 : vector<16xf32>
      %parallel_loop3A_571 = arith.constant 128 : i32
      %parallel_loop3A_572 = arith.addi %parallel_loop3A_394, %parallel_loop3A_571 : i32
      %parallel_loop3A_573 = arith.constant 112 : i32
      %parallel_loop3A_574 = arith.addi %parallel_loop3A_572, %parallel_loop3A_573 : i32
      %parallel_loop3A_575 = arith.index_cast %parallel_loop3A_574 : i32 to index
      %parallel_loop3A_576 = tpu.vector_load %arg6[%parallel_loop3A_575] {strides = array<i32>} : memref<65536xf32, #tpu.memory_space<vmem>>, vector<16xf32>,
      %parallel_loop3A_577 = vector.shape_cast %parallel_loop3A_576 : vector<16xf32> to vector<16xf32>
      %parallel_loop3A_578 = vector.shape_cast %parallel_loop3A_570 : vector<16xf32> to vector<16xf32>
      tpu.vector_store %arg6[%parallel_loop3A_575], %parallel_loop3A_578 {strides = array<i32>} : memref<65536xf32, #tpu.memory_space<vmem>>, vector<16xf32>,
    } {sc.loop_unroll_factor = 4 : i64, sc.parallel_access}
    %add3A_322 = arith.constant 16384 : i32
    %add3A_323 = arith.addi %mul3A_293, %add3A_322 : i32
    %dma_start3A_324 = arith.constant 16384 : i32
    %dma_start3A_325 = tpu.memref_slice %arg6[%dma_start3A_324] : memref<65536xf32, #tpu.memory_space<vmem>> -> memref<16384xf32, #tpu.memory_space<vmem>>
    %dma_start3A_326 = tpu.memref_slice %arg3[%add3A_323] : memref<2097152xf32, #tpu.memory_space<hbm>> -> memref<16384xf32, #tpu.memory_space<hbm>>
    %dma_start3A_327 = tpu.memref_slice %arg3[%add3A_323] : memref<2097152xf32, #tpu.memory_space<hbm>> -> memref<16384xf32, #tpu.memory_space<hbm>>
    %dma_start3A_328 = arith.constant 16384 : i32
    %dma_start3A_329 = tpu.memref_slice %arg6[%dma_start3A_328] : memref<65536xf32, #tpu.memory_space<vmem>> -> memref<16384xf32, #tpu.memory_space<vmem>>
    tpu.enqueue_dma source(%dma_start3A_329 : memref<16384xf32, #tpu.memory_space<vmem>>) target(%dma_start3A_327 : memref<16384xf32, #tpu.memory_space<hbm>>) target_semaphore(%arg8 : memref<!tpu.dma_semaphore, #tpu.memory_space<semaphore_mem>>)
    %dma_wait3A_330 = arith.constant 128 : i32
    %dma_wait3A_331 = arith.constant 0 : i32
    %dma_wait3A_332 = tpu.memref_slice %arg5[%dma_wait3A_330, %dma_wait3A_331] : memref<256x128xf32, #tpu.memory_space<vmem>> -> memref<64x128xf32, #tpu.memory_space<vmem>>
    %dma_wait3A_333 = arith.constant 128 : i32
    %dma_wait3A_334 = tpu.memref_slice %arg4[%dma_wait3A_333] : memref<256xi32, #tpu.memory_space<vmem>> -> memref<64xi32, #tpu.memory_space<vmem>>
    %dma_wait3A_335 = arith.constant 0 : i32
    %dma_wait3A_336 = arith.constant 0 : i32
    %dma_wait3A_337 = tpu.memref_slice %arg2[%dma_wait3A_335, %dma_wait3A_336] : memref<524288x128xf32, #tpu.memory_space<hbm>> -> memref<524288x128xf32, #tpu.memory_space<hbm>>
    tpu.wait_indirect_dma semaphore(%arg7 : memref<!tpu.dma_semaphore, #tpu.memory_space<semaphore_mem>>) src(%dma_wait3A_337 : memref<524288x128xf32, #tpu.memory_space<hbm>>) dst(%dma_wait3A_332 : memref<64x128xf32, #tpu.memory_space<vmem>>)
    %parallel_loop3A_338 = arith.constant 128 : i32
    %parallel_loop3A_339 = arith.constant 192 : i32
    %parallel_loop3A_340 = arith.constant 1 : i32
    scf.for %parallel_loop3A_392 = %parallel_loop3A_338 to %parallel_loop3A_339 step %parallel_loop3A_340  : i32 {
      %parallel_loop3A_393 = arith.constant 256 : i32
      %parallel_loop3A_394 = arith.muli %parallel_loop3A_392, %parallel_loop3A_393 : i32
      %parallel_loop3A_395 = arith.index_cast %parallel_loop3A_392 : i32 to index
      %parallel_loop3A_396 = arith.constant 0 : index
      %parallel_loop3A_397 = tpu.vector_load %arg5[%parallel_loop3A_395, %parallel_loop3A_396] {strides = array<i32>} : memref<256x128xf32, #tpu.memory_space<vmem>>, vector<1x16xf32>,
      %parallel_loop3A_398 = vector.shape_cast %parallel_loop3A_397 : vector<1x16xf32> to vector<16xf32>
      %parallel_loop3A_399 = arith.constant 5.000000e-01 : f32
      %parallel_loop3A_400 = vector.broadcast %parallel_loop3A_399 : f32 to vector<16xf32>
      %parallel_loop3A_401 = arith.cmpf oge, %parallel_loop3A_398, %parallel_loop3A_400 : vector<16xf32>
      %parallel_loop3A_402 = arith.select %parallel_loop3A_401, %broadcast_in_dim3A_3, %broadcast_in_dim3A_5 : vector<16xi1>, vector<16xf32>
      %parallel_loop3A_403 = arith.constant 0 : i32
      %parallel_loop3A_404 = arith.addi %parallel_loop3A_394, %parallel_loop3A_403 : i32
      %parallel_loop3A_405 = arith.index_cast %parallel_loop3A_404 : i32 to index
      %parallel_loop3A_406 = tpu.vector_load %arg6[%parallel_loop3A_405] {strides = array<i32>} : memref<65536xf32, #tpu.memory_space<vmem>>, vector<16xf32>,
      %parallel_loop3A_407 = vector.shape_cast %parallel_loop3A_406 : vector<16xf32> to vector<16xf32>
      %parallel_loop3A_408 = vector.shape_cast %parallel_loop3A_402 : vector<16xf32> to vector<16xf32>
      tpu.vector_store %arg6[%parallel_loop3A_405], %parallel_loop3A_408 {strides = array<i32>} : memref<65536xf32, #tpu.memory_space<vmem>>, vector<16xf32>,
      %parallel_loop3A_409 = arith.subf %broadcast_in_dim3A_3, %parallel_loop3A_402 : vector<16xf32>
      %parallel_loop3A_410 = arith.constant 128 : i32
      %parallel_loop3A_411 = arith.addi %parallel_loop3A_394, %parallel_loop3A_410 : i32
      %parallel_loop3A_412 = arith.constant 0 : i32
      %parallel_loop3A_413 = arith.addi %parallel_loop3A_411, %parallel_loop3A_412 : i32
      %parallel_loop3A_414 = arith.index_cast %parallel_loop3A_413 : i32 to index
      %parallel_loop3A_415 = tpu.vector_load %arg6[%parallel_loop3A_414] {strides = array<i32>} : memref<65536xf32, #tpu.memory_space<vmem>>, vector<16xf32>,
      %parallel_loop3A_416 = vector.shape_cast %parallel_loop3A_415 : vector<16xf32> to vector<16xf32>
      %parallel_loop3A_417 = vector.shape_cast %parallel_loop3A_409 : vector<16xf32> to vector<16xf32>
      tpu.vector_store %arg6[%parallel_loop3A_414], %parallel_loop3A_417 {strides = array<i32>} : memref<65536xf32, #tpu.memory_space<vmem>>, vector<16xf32>,
      %parallel_loop3A_418 = arith.index_cast %parallel_loop3A_392 : i32 to index
      %parallel_loop3A_419 = arith.constant 16 : index
      %parallel_loop3A_420 = tpu.vector_load %arg5[%parallel_loop3A_418, %parallel_loop3A_419] {strides = array<i32>} : memref<256x128xf32, #tpu.memory_space<vmem>>, vector<1x16xf32>,
      %parallel_loop3A_421 = vector.shape_cast %parallel_loop3A_420 : vector<1x16xf32> to vector<16xf32>
      %parallel_loop3A_422 = arith.constant 5.000000e-01 : f32
      %parallel_loop3A_423 = vector.broadcast %parallel_loop3A_422 : f32 to vector<16xf32>
      %parallel_loop3A_424 = arith.cmpf oge, %parallel_loop3A_421, %parallel_loop3A_423 : vector<16xf32>
      %parallel_loop3A_425 = arith.select %parallel_loop3A_424, %broadcast_in_dim3A_3, %broadcast_in_dim3A_5 : vector<16xi1>, vector<16xf32>
      %parallel_loop3A_426 = arith.constant 16 : i32
      %parallel_loop3A_427 = arith.addi %parallel_loop3A_394, %parallel_loop3A_426 : i32
      %parallel_loop3A_428 = arith.index_cast %parallel_loop3A_427 : i32 to index
      %parallel_loop3A_429 = tpu.vector_load %arg6[%parallel_loop3A_428] {strides = array<i32>} : memref<65536xf32, #tpu.memory_space<vmem>>, vector<16xf32>,
      %parallel_loop3A_430 = vector.shape_cast %parallel_loop3A_429 : vector<16xf32> to vector<16xf32>
      %parallel_loop3A_431 = vector.shape_cast %parallel_loop3A_425 : vector<16xf32> to vector<16xf32>
      tpu.vector_store %arg6[%parallel_loop3A_428], %parallel_loop3A_431 {strides = array<i32>} : memref<65536xf32, #tpu.memory_space<vmem>>, vector<16xf32>,
      %parallel_loop3A_432 = arith.subf %broadcast_in_dim3A_3, %parallel_loop3A_425 : vector<16xf32>
      %parallel_loop3A_433 = arith.constant 128 : i32
      %parallel_loop3A_434 = arith.addi %parallel_loop3A_394, %parallel_loop3A_433 : i32
      %parallel_loop3A_435 = arith.constant 16 : i32
      %parallel_loop3A_436 = arith.addi %parallel_loop3A_434, %parallel_loop3A_435 : i32
      %parallel_loop3A_437 = arith.index_cast %parallel_loop3A_436 : i32 to index
      %parallel_loop3A_438 = tpu.vector_load %arg6[%parallel_loop3A_437] {strides = array<i32>} : memref<65536xf32, #tpu.memory_space<vmem>>, vector<16xf32>,
      %parallel_loop3A_439 = vector.shape_cast %parallel_loop3A_438 : vector<16xf32> to vector<16xf32>
      %parallel_loop3A_440 = vector.shape_cast %parallel_loop3A_432 : vector<16xf32> to vector<16xf32>
      tpu.vector_store %arg6[%parallel_loop3A_437], %parallel_loop3A_440 {strides = array<i32>} : memref<65536xf32, #tpu.memory_space<vmem>>, vector<16xf32>,
      %parallel_loop3A_441 = arith.index_cast %parallel_loop3A_392 : i32 to index
      %parallel_loop3A_442 = arith.constant 32 : index
      %parallel_loop3A_443 = tpu.vector_load %arg5[%parallel_loop3A_441, %parallel_loop3A_442] {strides = array<i32>} : memref<256x128xf32, #tpu.memory_space<vmem>>, vector<1x16xf32>,
      %parallel_loop3A_444 = vector.shape_cast %parallel_loop3A_443 : vector<1x16xf32> to vector<16xf32>
      %parallel_loop3A_445 = arith.constant 5.000000e-01 : f32
      %parallel_loop3A_446 = vector.broadcast %parallel_loop3A_445 : f32 to vector<16xf32>
      %parallel_loop3A_447 = arith.cmpf oge, %parallel_loop3A_444, %parallel_loop3A_446 : vector<16xf32>
      %parallel_loop3A_448 = arith.select %parallel_loop3A_447, %broadcast_in_dim3A_3, %broadcast_in_dim3A_5 : vector<16xi1>, vector<16xf32>
      %parallel_loop3A_449 = arith.constant 32 : i32
      %parallel_loop3A_450 = arith.addi %parallel_loop3A_394, %parallel_loop3A_449 : i32
      %parallel_loop3A_451 = arith.index_cast %parallel_loop3A_450 : i32 to index
      %parallel_loop3A_452 = tpu.vector_load %arg6[%parallel_loop3A_451] {strides = array<i32>} : memref<65536xf32, #tpu.memory_space<vmem>>, vector<16xf32>,
      %parallel_loop3A_453 = vector.shape_cast %parallel_loop3A_452 : vector<16xf32> to vector<16xf32>
      %parallel_loop3A_454 = vector.shape_cast %parallel_loop3A_448 : vector<16xf32> to vector<16xf32>
      tpu.vector_store %arg6[%parallel_loop3A_451], %parallel_loop3A_454 {strides = array<i32>} : memref<65536xf32, #tpu.memory_space<vmem>>, vector<16xf32>,
      %parallel_loop3A_455 = arith.subf %broadcast_in_dim3A_3, %parallel_loop3A_448 : vector<16xf32>
      %parallel_loop3A_456 = arith.constant 128 : i32
      %parallel_loop3A_457 = arith.addi %parallel_loop3A_394, %parallel_loop3A_456 : i32
      %parallel_loop3A_458 = arith.constant 32 : i32
      %parallel_loop3A_459 = arith.addi %parallel_loop3A_457, %parallel_loop3A_458 : i32
      %parallel_loop3A_460 = arith.index_cast %parallel_loop3A_459 : i32 to index
      %parallel_loop3A_461 = tpu.vector_load %arg6[%parallel_loop3A_460] {strides = array<i32>} : memref<65536xf32, #tpu.memory_space<vmem>>, vector<16xf32>,
      %parallel_loop3A_462 = vector.shape_cast %parallel_loop3A_461 : vector<16xf32> to vector<16xf32>
      %parallel_loop3A_463 = vector.shape_cast %parallel_loop3A_455 : vector<16xf32> to vector<16xf32>
      tpu.vector_store %arg6[%parallel_loop3A_460], %parallel_loop3A_463 {strides = array<i32>} : memref<65536xf32, #tpu.memory_space<vmem>>, vector<16xf32>,
      %parallel_loop3A_464 = arith.index_cast %parallel_loop3A_392 : i32 to index
      %parallel_loop3A_465 = arith.constant 48 : index
      %parallel_loop3A_466 = tpu.vector_load %arg5[%parallel_loop3A_464, %parallel_loop3A_465] {strides = array<i32>} : memref<256x128xf32, #tpu.memory_space<vmem>>, vector<1x16xf32>,
      %parallel_loop3A_467 = vector.shape_cast %parallel_loop3A_466 : vector<1x16xf32> to vector<16xf32>
      %parallel_loop3A_468 = arith.constant 5.000000e-01 : f32
      %parallel_loop3A_469 = vector.broadcast %parallel_loop3A_468 : f32 to vector<16xf32>
      %parallel_loop3A_470 = arith.cmpf oge, %parallel_loop3A_467, %parallel_loop3A_469 : vector<16xf32>
      %parallel_loop3A_471 = arith.select %parallel_loop3A_470, %broadcast_in_dim3A_3, %broadcast_in_dim3A_5 : vector<16xi1>, vector<16xf32>
      %parallel_loop3A_472 = arith.constant 48 : i32
      %parallel_loop3A_473 = arith.addi %parallel_loop3A_394, %parallel_loop3A_472 : i32
      %parallel_loop3A_474 = arith.index_cast %parallel_loop3A_473 : i32 to index
      %parallel_loop3A_475 = tpu.vector_load %arg6[%parallel_loop3A_474] {strides = array<i32>} : memref<65536xf32, #tpu.memory_space<vmem>>, vector<16xf32>,
      %parallel_loop3A_476 = vector.shape_cast %parallel_loop3A_475 : vector<16xf32> to vector<16xf32>
      %parallel_loop3A_477 = vector.shape_cast %parallel_loop3A_471 : vector<16xf32> to vector<16xf32>
      tpu.vector_store %arg6[%parallel_loop3A_474], %parallel_loop3A_477 {strides = array<i32>} : memref<65536xf32, #tpu.memory_space<vmem>>, vector<16xf32>,
      %parallel_loop3A_478 = arith.subf %broadcast_in_dim3A_3, %parallel_loop3A_471 : vector<16xf32>
      %parallel_loop3A_479 = arith.constant 128 : i32
      %parallel_loop3A_480 = arith.addi %parallel_loop3A_394, %parallel_loop3A_479 : i32
      %parallel_loop3A_481 = arith.constant 48 : i32
      %parallel_loop3A_482 = arith.addi %parallel_loop3A_480, %parallel_loop3A_481 : i32
      %parallel_loop3A_483 = arith.index_cast %parallel_loop3A_482 : i32 to index
      %parallel_loop3A_484 = tpu.vector_load %arg6[%parallel_loop3A_483] {strides = array<i32>} : memref<65536xf32, #tpu.memory_space<vmem>>, vector<16xf32>,
      %parallel_loop3A_485 = vector.shape_cast %parallel_loop3A_484 : vector<16xf32> to vector<16xf32>
      %parallel_loop3A_486 = vector.shape_cast %parallel_loop3A_478 : vector<16xf32> to vector<16xf32>
      tpu.vector_store %arg6[%parallel_loop3A_483], %parallel_loop3A_486 {strides = array<i32>} : memref<65536xf32, #tpu.memory_space<vmem>>, vector<16xf32>,
      %parallel_loop3A_487 = arith.index_cast %parallel_loop3A_392 : i32 to index
      %parallel_loop3A_488 = arith.constant 64 : index
      %parallel_loop3A_489 = tpu.vector_load %arg5[%parallel_loop3A_487, %parallel_loop3A_488] {strides = array<i32>} : memref<256x128xf32, #tpu.memory_space<vmem>>, vector<1x16xf32>,
      %parallel_loop3A_490 = vector.shape_cast %parallel_loop3A_489 : vector<1x16xf32> to vector<16xf32>
      %parallel_loop3A_491 = arith.constant 5.000000e-01 : f32
      %parallel_loop3A_492 = vector.broadcast %parallel_loop3A_491 : f32 to vector<16xf32>
      %parallel_loop3A_493 = arith.cmpf oge, %parallel_loop3A_490, %parallel_loop3A_492 : vector<16xf32>
      %parallel_loop3A_494 = arith.select %parallel_loop3A_493, %broadcast_in_dim3A_3, %broadcast_in_dim3A_5 : vector<16xi1>, vector<16xf32>
      %parallel_loop3A_495 = arith.constant 64 : i32
      %parallel_loop3A_496 = arith.addi %parallel_loop3A_394, %parallel_loop3A_495 : i32
      %parallel_loop3A_497 = arith.index_cast %parallel_loop3A_496 : i32 to index
      %parallel_loop3A_498 = tpu.vector_load %arg6[%parallel_loop3A_497] {strides = array<i32>} : memref<65536xf32, #tpu.memory_space<vmem>>, vector<16xf32>,
      %parallel_loop3A_499 = vector.shape_cast %parallel_loop3A_498 : vector<16xf32> to vector<16xf32>
      %parallel_loop3A_500 = vector.shape_cast %parallel_loop3A_494 : vector<16xf32> to vector<16xf32>
      tpu.vector_store %arg6[%parallel_loop3A_497], %parallel_loop3A_500 {strides = array<i32>} : memref<65536xf32, #tpu.memory_space<vmem>>, vector<16xf32>,
      %parallel_loop3A_501 = arith.subf %broadcast_in_dim3A_3, %parallel_loop3A_494 : vector<16xf32>
      %parallel_loop3A_502 = arith.constant 128 : i32
      %parallel_loop3A_503 = arith.addi %parallel_loop3A_394, %parallel_loop3A_502 : i32
      %parallel_loop3A_504 = arith.constant 64 : i32
      %parallel_loop3A_505 = arith.addi %parallel_loop3A_503, %parallel_loop3A_504 : i32
      %parallel_loop3A_506 = arith.index_cast %parallel_loop3A_505 : i32 to index
      %parallel_loop3A_507 = tpu.vector_load %arg6[%parallel_loop3A_506] {strides = array<i32>} : memref<65536xf32, #tpu.memory_space<vmem>>, vector<16xf32>,
      %parallel_loop3A_508 = vector.shape_cast %parallel_loop3A_507 : vector<16xf32> to vector<16xf32>
      %parallel_loop3A_509 = vector.shape_cast %parallel_loop3A_501 : vector<16xf32> to vector<16xf32>
      tpu.vector_store %arg6[%parallel_loop3A_506], %parallel_loop3A_509 {strides = array<i32>} : memref<65536xf32, #tpu.memory_space<vmem>>, vector<16xf32>,
      %parallel_loop3A_510 = arith.index_cast %parallel_loop3A_392 : i32 to index
      %parallel_loop3A_511 = arith.constant 80 : index
      %parallel_loop3A_512 = tpu.vector_load %arg5[%parallel_loop3A_510, %parallel_loop3A_511] {strides = array<i32>} : memref<256x128xf32, #tpu.memory_space<vmem>>, vector<1x16xf32>,
      %parallel_loop3A_513 = vector.shape_cast %parallel_loop3A_512 : vector<1x16xf32> to vector<16xf32>
      %parallel_loop3A_514 = arith.constant 5.000000e-01 : f32
      %parallel_loop3A_515 = vector.broadcast %parallel_loop3A_514 : f32 to vector<16xf32>
      %parallel_loop3A_516 = arith.cmpf oge, %parallel_loop3A_513, %parallel_loop3A_515 : vector<16xf32>
      %parallel_loop3A_517 = arith.select %parallel_loop3A_516, %broadcast_in_dim3A_3, %broadcast_in_dim3A_5 : vector<16xi1>, vector<16xf32>
      %parallel_loop3A_518 = arith.constant 80 : i32
      %parallel_loop3A_519 = arith.addi %parallel_loop3A_394, %parallel_loop3A_518 : i32
      %parallel_loop3A_520 = arith.index_cast %parallel_loop3A_519 : i32 to index
      %parallel_loop3A_521 = tpu.vector_load %arg6[%parallel_loop3A_520] {strides = array<i32>} : memref<65536xf32, #tpu.memory_space<vmem>>, vector<16xf32>,
      %parallel_loop3A_522 = vector.shape_cast %parallel_loop3A_521 : vector<16xf32> to vector<16xf32>
      %parallel_loop3A_523 = vector.shape_cast %parallel_loop3A_517 : vector<16xf32> to vector<16xf32>
      tpu.vector_store %arg6[%parallel_loop3A_520], %parallel_loop3A_523 {strides = array<i32>} : memref<65536xf32, #tpu.memory_space<vmem>>, vector<16xf32>,
      %parallel_loop3A_524 = arith.subf %broadcast_in_dim3A_3, %parallel_loop3A_517 : vector<16xf32>
      %parallel_loop3A_525 = arith.constant 128 : i32
      %parallel_loop3A_526 = arith.addi %parallel_loop3A_394, %parallel_loop3A_525 : i32
      %parallel_loop3A_527 = arith.constant 80 : i32
      %parallel_loop3A_528 = arith.addi %parallel_loop3A_526, %parallel_loop3A_527 : i32
      %parallel_loop3A_529 = arith.index_cast %parallel_loop3A_528 : i32 to index
      %parallel_loop3A_530 = tpu.vector_load %arg6[%parallel_loop3A_529] {strides = array<i32>} : memref<65536xf32, #tpu.memory_space<vmem>>, vector<16xf32>,
      %parallel_loop3A_531 = vector.shape_cast %parallel_loop3A_530 : vector<16xf32> to vector<16xf32>
      %parallel_loop3A_532 = vector.shape_cast %parallel_loop3A_524 : vector<16xf32> to vector<16xf32>
      tpu.vector_store %arg6[%parallel_loop3A_529], %parallel_loop3A_532 {strides = array<i32>} : memref<65536xf32, #tpu.memory_space<vmem>>, vector<16xf32>,
      %parallel_loop3A_533 = arith.index_cast %parallel_loop3A_392 : i32 to index
      %parallel_loop3A_534 = arith.constant 96 : index
      %parallel_loop3A_535 = tpu.vector_load %arg5[%parallel_loop3A_533, %parallel_loop3A_534] {strides = array<i32>} : memref<256x128xf32, #tpu.memory_space<vmem>>, vector<1x16xf32>,
      %parallel_loop3A_536 = vector.shape_cast %parallel_loop3A_535 : vector<1x16xf32> to vector<16xf32>
      %parallel_loop3A_537 = arith.constant 5.000000e-01 : f32
      %parallel_loop3A_538 = vector.broadcast %parallel_loop3A_537 : f32 to vector<16xf32>
      %parallel_loop3A_539 = arith.cmpf oge, %parallel_loop3A_536, %parallel_loop3A_538 : vector<16xf32>
      %parallel_loop3A_540 = arith.select %parallel_loop3A_539, %broadcast_in_dim3A_3, %broadcast_in_dim3A_5 : vector<16xi1>, vector<16xf32>
      %parallel_loop3A_541 = arith.constant 96 : i32
      %parallel_loop3A_542 = arith.addi %parallel_loop3A_394, %parallel_loop3A_541 : i32
      %parallel_loop3A_543 = arith.index_cast %parallel_loop3A_542 : i32 to index
      %parallel_loop3A_544 = tpu.vector_load %arg6[%parallel_loop3A_543] {strides = array<i32>} : memref<65536xf32, #tpu.memory_space<vmem>>, vector<16xf32>,
      %parallel_loop3A_545 = vector.shape_cast %parallel_loop3A_544 : vector<16xf32> to vector<16xf32>
      %parallel_loop3A_546 = vector.shape_cast %parallel_loop3A_540 : vector<16xf32> to vector<16xf32>
      tpu.vector_store %arg6[%parallel_loop3A_543], %parallel_loop3A_546 {strides = array<i32>} : memref<65536xf32, #tpu.memory_space<vmem>>, vector<16xf32>,
      %parallel_loop3A_547 = arith.subf %broadcast_in_dim3A_3, %parallel_loop3A_540 : vector<16xf32>
      %parallel_loop3A_548 = arith.constant 128 : i32
      %parallel_loop3A_549 = arith.addi %parallel_loop3A_394, %parallel_loop3A_548 : i32
      %parallel_loop3A_550 = arith.constant 96 : i32
      %parallel_loop3A_551 = arith.addi %parallel_loop3A_549, %parallel_loop3A_550 : i32
      %parallel_loop3A_552 = arith.index_cast %parallel_loop3A_551 : i32 to index
      %parallel_loop3A_553 = tpu.vector_load %arg6[%parallel_loop3A_552] {strides = array<i32>} : memref<65536xf32, #tpu.memory_space<vmem>>, vector<16xf32>,
      %parallel_loop3A_554 = vector.shape_cast %parallel_loop3A_553 : vector<16xf32> to vector<16xf32>
      %parallel_loop3A_555 = vector.shape_cast %parallel_loop3A_547 : vector<16xf32> to vector<16xf32>
      tpu.vector_store %arg6[%parallel_loop3A_552], %parallel_loop3A_555 {strides = array<i32>} : memref<65536xf32, #tpu.memory_space<vmem>>, vector<16xf32>,
      %parallel_loop3A_556 = arith.index_cast %parallel_loop3A_392 : i32 to index
      %parallel_loop3A_557 = arith.constant 112 : index
      %parallel_loop3A_558 = tpu.vector_load %arg5[%parallel_loop3A_556, %parallel_loop3A_557] {strides = array<i32>} : memref<256x128xf32, #tpu.memory_space<vmem>>, vector<1x16xf32>,
      %parallel_loop3A_559 = vector.shape_cast %parallel_loop3A_558 : vector<1x16xf32> to vector<16xf32>
      %parallel_loop3A_560 = arith.constant 5.000000e-01 : f32
      %parallel_loop3A_561 = vector.broadcast %parallel_loop3A_560 : f32 to vector<16xf32>
      %parallel_loop3A_562 = arith.cmpf oge, %parallel_loop3A_559, %parallel_loop3A_561 : vector<16xf32>
      %parallel_loop3A_563 = arith.select %parallel_loop3A_562, %broadcast_in_dim3A_3, %broadcast_in_dim3A_5 : vector<16xi1>, vector<16xf32>
      %parallel_loop3A_564 = arith.constant 112 : i32
      %parallel_loop3A_565 = arith.addi %parallel_loop3A_394, %parallel_loop3A_564 : i32
      %parallel_loop3A_566 = arith.index_cast %parallel_loop3A_565 : i32 to index
      %parallel_loop3A_567 = tpu.vector_load %arg6[%parallel_loop3A_566] {strides = array<i32>} : memref<65536xf32, #tpu.memory_space<vmem>>, vector<16xf32>,
      %parallel_loop3A_568 = vector.shape_cast %parallel_loop3A_567 : vector<16xf32> to vector<16xf32>
      %parallel_loop3A_569 = vector.shape_cast %parallel_loop3A_563 : vector<16xf32> to vector<16xf32>
      tpu.vector_store %arg6[%parallel_loop3A_566], %parallel_loop3A_569 {strides = array<i32>} : memref<65536xf32, #tpu.memory_space<vmem>>, vector<16xf32>,
      %parallel_loop3A_570 = arith.subf %broadcast_in_dim3A_3, %parallel_loop3A_563 : vector<16xf32>
      %parallel_loop3A_571 = arith.constant 128 : i32
      %parallel_loop3A_572 = arith.addi %parallel_loop3A_394, %parallel_loop3A_571 : i32
      %parallel_loop3A_573 = arith.constant 112 : i32
      %parallel_loop3A_574 = arith.addi %parallel_loop3A_572, %parallel_loop3A_573 : i32
      %parallel_loop3A_575 = arith.index_cast %parallel_loop3A_574 : i32 to index
      %parallel_loop3A_576 = tpu.vector_load %arg6[%parallel_loop3A_575] {strides = array<i32>} : memref<65536xf32, #tpu.memory_space<vmem>>, vector<16xf32>,
      %parallel_loop3A_577 = vector.shape_cast %parallel_loop3A_576 : vector<16xf32> to vector<16xf32>
      %parallel_loop3A_578 = vector.shape_cast %parallel_loop3A_570 : vector<16xf32> to vector<16xf32>
      tpu.vector_store %arg6[%parallel_loop3A_575], %parallel_loop3A_578 {strides = array<i32>} : memref<65536xf32, #tpu.memory_space<vmem>>, vector<16xf32>,
    } {sc.loop_unroll_factor = 4 : i64, sc.parallel_access}
    %add3A_341 = arith.constant 32768 : i32
    %add3A_342 = arith.addi %mul3A_293, %add3A_341 : i32
    %dma_start3A_343 = arith.constant 32768 : i32
    %dma_start3A_344 = tpu.memref_slice %arg6[%dma_start3A_343] : memref<65536xf32, #tpu.memory_space<vmem>> -> memref<16384xf32, #tpu.memory_space<vmem>>
    %dma_start3A_345 = tpu.memref_slice %arg3[%add3A_342] : memref<2097152xf32, #tpu.memory_space<hbm>> -> memref<16384xf32, #tpu.memory_space<hbm>>
    %dma_start3A_346 = tpu.memref_slice %arg3[%add3A_342] : memref<2097152xf32, #tpu.memory_space<hbm>> -> memref<16384xf32, #tpu.memory_space<hbm>>
    %dma_start3A_347 = arith.constant 32768 : i32
    %dma_start3A_348 = tpu.memref_slice %arg6[%dma_start3A_347] : memref<65536xf32, #tpu.memory_space<vmem>> -> memref<16384xf32, #tpu.memory_space<vmem>>
    tpu.enqueue_dma source(%dma_start3A_348 : memref<16384xf32, #tpu.memory_space<vmem>>) target(%dma_start3A_346 : memref<16384xf32, #tpu.memory_space<hbm>>) target_semaphore(%arg8 : memref<!tpu.dma_semaphore, #tpu.memory_space<semaphore_mem>>)
    %dma_wait3A_349 = arith.constant 192 : i32
    %dma_wait3A_350 = arith.constant 0 : i32
    %dma_wait3A_351 = tpu.memref_slice %arg5[%dma_wait3A_349, %dma_wait3A_350] : memref<256x128xf32, #tpu.memory_space<vmem>> -> memref<64x128xf32, #tpu.memory_space<vmem>>
    %dma_wait3A_352 = arith.constant 192 : i32
    %dma_wait3A_353 = tpu.memref_slice %arg4[%dma_wait3A_352] : memref<256xi32, #tpu.memory_space<vmem>> -> memref<64xi32, #tpu.memory_space<vmem>>
    %dma_wait3A_354 = arith.constant 0 : i32
    %dma_wait3A_355 = arith.constant 0 : i32
    %dma_wait3A_356 = tpu.memref_slice %arg2[%dma_wait3A_354, %dma_wait3A_355] : memref<524288x128xf32, #tpu.memory_space<hbm>> -> memref<524288x128xf32, #tpu.memory_space<hbm>>
    tpu.wait_indirect_dma semaphore(%arg7 : memref<!tpu.dma_semaphore, #tpu.memory_space<semaphore_mem>>) src(%dma_wait3A_356 : memref<524288x128xf32, #tpu.memory_space<hbm>>) dst(%dma_wait3A_351 : memref<64x128xf32, #tpu.memory_space<vmem>>)
    %parallel_loop3A_357 = arith.constant 192 : i32
    %parallel_loop3A_358 = arith.constant 256 : i32
    %parallel_loop3A_359 = arith.constant 1 : i32
    scf.for %parallel_loop3A_392 = %parallel_loop3A_357 to %parallel_loop3A_358 step %parallel_loop3A_359  : i32 {
      %parallel_loop3A_393 = arith.constant 256 : i32
      %parallel_loop3A_394 = arith.muli %parallel_loop3A_392, %parallel_loop3A_393 : i32
      %parallel_loop3A_395 = arith.index_cast %parallel_loop3A_392 : i32 to index
      %parallel_loop3A_396 = arith.constant 0 : index
      %parallel_loop3A_397 = tpu.vector_load %arg5[%parallel_loop3A_395, %parallel_loop3A_396] {strides = array<i32>} : memref<256x128xf32, #tpu.memory_space<vmem>>, vector<1x16xf32>,
      %parallel_loop3A_398 = vector.shape_cast %parallel_loop3A_397 : vector<1x16xf32> to vector<16xf32>
      %parallel_loop3A_399 = arith.constant 5.000000e-01 : f32
      %parallel_loop3A_400 = vector.broadcast %parallel_loop3A_399 : f32 to vector<16xf32>
      %parallel_loop3A_401 = arith.cmpf oge, %parallel_loop3A_398, %parallel_loop3A_400 : vector<16xf32>
      %parallel_loop3A_402 = arith.select %parallel_loop3A_401, %broadcast_in_dim3A_3, %broadcast_in_dim3A_5 : vector<16xi1>, vector<16xf32>
      %parallel_loop3A_403 = arith.constant 0 : i32
      %parallel_loop3A_404 = arith.addi %parallel_loop3A_394, %parallel_loop3A_403 : i32
      %parallel_loop3A_405 = arith.index_cast %parallel_loop3A_404 : i32 to index
      %parallel_loop3A_406 = tpu.vector_load %arg6[%parallel_loop3A_405] {strides = array<i32>} : memref<65536xf32, #tpu.memory_space<vmem>>, vector<16xf32>,
      %parallel_loop3A_407 = vector.shape_cast %parallel_loop3A_406 : vector<16xf32> to vector<16xf32>
      %parallel_loop3A_408 = vector.shape_cast %parallel_loop3A_402 : vector<16xf32> to vector<16xf32>
      tpu.vector_store %arg6[%parallel_loop3A_405], %parallel_loop3A_408 {strides = array<i32>} : memref<65536xf32, #tpu.memory_space<vmem>>, vector<16xf32>,
      %parallel_loop3A_409 = arith.subf %broadcast_in_dim3A_3, %parallel_loop3A_402 : vector<16xf32>
      %parallel_loop3A_410 = arith.constant 128 : i32
      %parallel_loop3A_411 = arith.addi %parallel_loop3A_394, %parallel_loop3A_410 : i32
      %parallel_loop3A_412 = arith.constant 0 : i32
      %parallel_loop3A_413 = arith.addi %parallel_loop3A_411, %parallel_loop3A_412 : i32
      %parallel_loop3A_414 = arith.index_cast %parallel_loop3A_413 : i32 to index
      %parallel_loop3A_415 = tpu.vector_load %arg6[%parallel_loop3A_414] {strides = array<i32>} : memref<65536xf32, #tpu.memory_space<vmem>>, vector<16xf32>,
      %parallel_loop3A_416 = vector.shape_cast %parallel_loop3A_415 : vector<16xf32> to vector<16xf32>
      %parallel_loop3A_417 = vector.shape_cast %parallel_loop3A_409 : vector<16xf32> to vector<16xf32>
      tpu.vector_store %arg6[%parallel_loop3A_414], %parallel_loop3A_417 {strides = array<i32>} : memref<65536xf32, #tpu.memory_space<vmem>>, vector<16xf32>,
      %parallel_loop3A_418 = arith.index_cast %parallel_loop3A_392 : i32 to index
      %parallel_loop3A_419 = arith.constant 16 : index
      %parallel_loop3A_420 = tpu.vector_load %arg5[%parallel_loop3A_418, %parallel_loop3A_419] {strides = array<i32>} : memref<256x128xf32, #tpu.memory_space<vmem>>, vector<1x16xf32>,
      %parallel_loop3A_421 = vector.shape_cast %parallel_loop3A_420 : vector<1x16xf32> to vector<16xf32>
      %parallel_loop3A_422 = arith.constant 5.000000e-01 : f32
      %parallel_loop3A_423 = vector.broadcast %parallel_loop3A_422 : f32 to vector<16xf32>
      %parallel_loop3A_424 = arith.cmpf oge, %parallel_loop3A_421, %parallel_loop3A_423 : vector<16xf32>
      %parallel_loop3A_425 = arith.select %parallel_loop3A_424, %broadcast_in_dim3A_3, %broadcast_in_dim3A_5 : vector<16xi1>, vector<16xf32>
      %parallel_loop3A_426 = arith.constant 16 : i32
      %parallel_loop3A_427 = arith.addi %parallel_loop3A_394, %parallel_loop3A_426 : i32
      %parallel_loop3A_428 = arith.index_cast %parallel_loop3A_427 : i32 to index
      %parallel_loop3A_429 = tpu.vector_load %arg6[%parallel_loop3A_428] {strides = array<i32>} : memref<65536xf32, #tpu.memory_space<vmem>>, vector<16xf32>,
      %parallel_loop3A_430 = vector.shape_cast %parallel_loop3A_429 : vector<16xf32> to vector<16xf32>
      %parallel_loop3A_431 = vector.shape_cast %parallel_loop3A_425 : vector<16xf32> to vector<16xf32>
      tpu.vector_store %arg6[%parallel_loop3A_428], %parallel_loop3A_431 {strides = array<i32>} : memref<65536xf32, #tpu.memory_space<vmem>>, vector<16xf32>,
      %parallel_loop3A_432 = arith.subf %broadcast_in_dim3A_3, %parallel_loop3A_425 : vector<16xf32>
      %parallel_loop3A_433 = arith.constant 128 : i32
      %parallel_loop3A_434 = arith.addi %parallel_loop3A_394, %parallel_loop3A_433 : i32
      %parallel_loop3A_435 = arith.constant 16 : i32
      %parallel_loop3A_436 = arith.addi %parallel_loop3A_434, %parallel_loop3A_435 : i32
      %parallel_loop3A_437 = arith.index_cast %parallel_loop3A_436 : i32 to index
      %parallel_loop3A_438 = tpu.vector_load %arg6[%parallel_loop3A_437] {strides = array<i32>} : memref<65536xf32, #tpu.memory_space<vmem>>, vector<16xf32>,
      %parallel_loop3A_439 = vector.shape_cast %parallel_loop3A_438 : vector<16xf32> to vector<16xf32>
      %parallel_loop3A_440 = vector.shape_cast %parallel_loop3A_432 : vector<16xf32> to vector<16xf32>
      tpu.vector_store %arg6[%parallel_loop3A_437], %parallel_loop3A_440 {strides = array<i32>} : memref<65536xf32, #tpu.memory_space<vmem>>, vector<16xf32>,
      %parallel_loop3A_441 = arith.index_cast %parallel_loop3A_392 : i32 to index
      %parallel_loop3A_442 = arith.constant 32 : index
      %parallel_loop3A_443 = tpu.vector_load %arg5[%parallel_loop3A_441, %parallel_loop3A_442] {strides = array<i32>} : memref<256x128xf32, #tpu.memory_space<vmem>>, vector<1x16xf32>,
      %parallel_loop3A_444 = vector.shape_cast %parallel_loop3A_443 : vector<1x16xf32> to vector<16xf32>
      %parallel_loop3A_445 = arith.constant 5.000000e-01 : f32
      %parallel_loop3A_446 = vector.broadcast %parallel_loop3A_445 : f32 to vector<16xf32>
      %parallel_loop3A_447 = arith.cmpf oge, %parallel_loop3A_444, %parallel_loop3A_446 : vector<16xf32>
      %parallel_loop3A_448 = arith.select %parallel_loop3A_447, %broadcast_in_dim3A_3, %broadcast_in_dim3A_5 : vector<16xi1>, vector<16xf32>
      %parallel_loop3A_449 = arith.constant 32 : i32
      %parallel_loop3A_450 = arith.addi %parallel_loop3A_394, %parallel_loop3A_449 : i32
      %parallel_loop3A_451 = arith.index_cast %parallel_loop3A_450 : i32 to index
      %parallel_loop3A_452 = tpu.vector_load %arg6[%parallel_loop3A_451] {strides = array<i32>} : memref<65536xf32, #tpu.memory_space<vmem>>, vector<16xf32>,
      %parallel_loop3A_453 = vector.shape_cast %parallel_loop3A_452 : vector<16xf32> to vector<16xf32>
      %parallel_loop3A_454 = vector.shape_cast %parallel_loop3A_448 : vector<16xf32> to vector<16xf32>
      tpu.vector_store %arg6[%parallel_loop3A_451], %parallel_loop3A_454 {strides = array<i32>} : memref<65536xf32, #tpu.memory_space<vmem>>, vector<16xf32>,
      %parallel_loop3A_455 = arith.subf %broadcast_in_dim3A_3, %parallel_loop3A_448 : vector<16xf32>
      %parallel_loop3A_456 = arith.constant 128 : i32
      %parallel_loop3A_457 = arith.addi %parallel_loop3A_394, %parallel_loop3A_456 : i32
      %parallel_loop3A_458 = arith.constant 32 : i32
      %parallel_loop3A_459 = arith.addi %parallel_loop3A_457, %parallel_loop3A_458 : i32
      %parallel_loop3A_460 = arith.index_cast %parallel_loop3A_459 : i32 to index
      %parallel_loop3A_461 = tpu.vector_load %arg6[%parallel_loop3A_460] {strides = array<i32>} : memref<65536xf32, #tpu.memory_space<vmem>>, vector<16xf32>,
      %parallel_loop3A_462 = vector.shape_cast %parallel_loop3A_461 : vector<16xf32> to vector<16xf32>
      %parallel_loop3A_463 = vector.shape_cast %parallel_loop3A_455 : vector<16xf32> to vector<16xf32>
      tpu.vector_store %arg6[%parallel_loop3A_460], %parallel_loop3A_463 {strides = array<i32>} : memref<65536xf32, #tpu.memory_space<vmem>>, vector<16xf32>,
      %parallel_loop3A_464 = arith.index_cast %parallel_loop3A_392 : i32 to index
      %parallel_loop3A_465 = arith.constant 48 : index
      %parallel_loop3A_466 = tpu.vector_load %arg5[%parallel_loop3A_464, %parallel_loop3A_465] {strides = array<i32>} : memref<256x128xf32, #tpu.memory_space<vmem>>, vector<1x16xf32>,
      %parallel_loop3A_467 = vector.shape_cast %parallel_loop3A_466 : vector<1x16xf32> to vector<16xf32>
      %parallel_loop3A_468 = arith.constant 5.000000e-01 : f32
      %parallel_loop3A_469 = vector.broadcast %parallel_loop3A_468 : f32 to vector<16xf32>
      %parallel_loop3A_470 = arith.cmpf oge, %parallel_loop3A_467, %parallel_loop3A_469 : vector<16xf32>
      %parallel_loop3A_471 = arith.select %parallel_loop3A_470, %broadcast_in_dim3A_3, %broadcast_in_dim3A_5 : vector<16xi1>, vector<16xf32>
      %parallel_loop3A_472 = arith.constant 48 : i32
      %parallel_loop3A_473 = arith.addi %parallel_loop3A_394, %parallel_loop3A_472 : i32
      %parallel_loop3A_474 = arith.index_cast %parallel_loop3A_473 : i32 to index
      %parallel_loop3A_475 = tpu.vector_load %arg6[%parallel_loop3A_474] {strides = array<i32>} : memref<65536xf32, #tpu.memory_space<vmem>>, vector<16xf32>,
      %parallel_loop3A_476 = vector.shape_cast %parallel_loop3A_475 : vector<16xf32> to vector<16xf32>
      %parallel_loop3A_477 = vector.shape_cast %parallel_loop3A_471 : vector<16xf32> to vector<16xf32>
      tpu.vector_store %arg6[%parallel_loop3A_474], %parallel_loop3A_477 {strides = array<i32>} : memref<65536xf32, #tpu.memory_space<vmem>>, vector<16xf32>,
      %parallel_loop3A_478 = arith.subf %broadcast_in_dim3A_3, %parallel_loop3A_471 : vector<16xf32>
      %parallel_loop3A_479 = arith.constant 128 : i32
      %parallel_loop3A_480 = arith.addi %parallel_loop3A_394, %parallel_loop3A_479 : i32
      %parallel_loop3A_481 = arith.constant 48 : i32
      %parallel_loop3A_482 = arith.addi %parallel_loop3A_480, %parallel_loop3A_481 : i32
      %parallel_loop3A_483 = arith.index_cast %parallel_loop3A_482 : i32 to index
      %parallel_loop3A_484 = tpu.vector_load %arg6[%parallel_loop3A_483] {strides = array<i32>} : memref<65536xf32, #tpu.memory_space<vmem>>, vector<16xf32>,
      %parallel_loop3A_485 = vector.shape_cast %parallel_loop3A_484 : vector<16xf32> to vector<16xf32>
      %parallel_loop3A_486 = vector.shape_cast %parallel_loop3A_478 : vector<16xf32> to vector<16xf32>
      tpu.vector_store %arg6[%parallel_loop3A_483], %parallel_loop3A_486 {strides = array<i32>} : memref<65536xf32, #tpu.memory_space<vmem>>, vector<16xf32>,
      %parallel_loop3A_487 = arith.index_cast %parallel_loop3A_392 : i32 to index
      %parallel_loop3A_488 = arith.constant 64 : index
      %parallel_loop3A_489 = tpu.vector_load %arg5[%parallel_loop3A_487, %parallel_loop3A_488] {strides = array<i32>} : memref<256x128xf32, #tpu.memory_space<vmem>>, vector<1x16xf32>,
      %parallel_loop3A_490 = vector.shape_cast %parallel_loop3A_489 : vector<1x16xf32> to vector<16xf32>
      %parallel_loop3A_491 = arith.constant 5.000000e-01 : f32
      %parallel_loop3A_492 = vector.broadcast %parallel_loop3A_491 : f32 to vector<16xf32>
      %parallel_loop3A_493 = arith.cmpf oge, %parallel_loop3A_490, %parallel_loop3A_492 : vector<16xf32>
      %parallel_loop3A_494 = arith.select %parallel_loop3A_493, %broadcast_in_dim3A_3, %broadcast_in_dim3A_5 : vector<16xi1>, vector<16xf32>
      %parallel_loop3A_495 = arith.constant 64 : i32
      %parallel_loop3A_496 = arith.addi %parallel_loop3A_394, %parallel_loop3A_495 : i32
      %parallel_loop3A_497 = arith.index_cast %parallel_loop3A_496 : i32 to index
      %parallel_loop3A_498 = tpu.vector_load %arg6[%parallel_loop3A_497] {strides = array<i32>} : memref<65536xf32, #tpu.memory_space<vmem>>, vector<16xf32>,
      %parallel_loop3A_499 = vector.shape_cast %parallel_loop3A_498 : vector<16xf32> to vector<16xf32>
      %parallel_loop3A_500 = vector.shape_cast %parallel_loop3A_494 : vector<16xf32> to vector<16xf32>
      tpu.vector_store %arg6[%parallel_loop3A_497], %parallel_loop3A_500 {strides = array<i32>} : memref<65536xf32, #tpu.memory_space<vmem>>, vector<16xf32>,
      %parallel_loop3A_501 = arith.subf %broadcast_in_dim3A_3, %parallel_loop3A_494 : vector<16xf32>
      %parallel_loop3A_502 = arith.constant 128 : i32
      %parallel_loop3A_503 = arith.addi %parallel_loop3A_394, %parallel_loop3A_502 : i32
      %parallel_loop3A_504 = arith.constant 64 : i32
      %parallel_loop3A_505 = arith.addi %parallel_loop3A_503, %parallel_loop3A_504 : i32
      %parallel_loop3A_506 = arith.index_cast %parallel_loop3A_505 : i32 to index
      %parallel_loop3A_507 = tpu.vector_load %arg6[%parallel_loop3A_506] {strides = array<i32>} : memref<65536xf32, #tpu.memory_space<vmem>>, vector<16xf32>,
      %parallel_loop3A_508 = vector.shape_cast %parallel_loop3A_507 : vector<16xf32> to vector<16xf32>
      %parallel_loop3A_509 = vector.shape_cast %parallel_loop3A_501 : vector<16xf32> to vector<16xf32>
      tpu.vector_store %arg6[%parallel_loop3A_506], %parallel_loop3A_509 {strides = array<i32>} : memref<65536xf32, #tpu.memory_space<vmem>>, vector<16xf32>,
      %parallel_loop3A_510 = arith.index_cast %parallel_loop3A_392 : i32 to index
      %parallel_loop3A_511 = arith.constant 80 : index
      %parallel_loop3A_512 = tpu.vector_load %arg5[%parallel_loop3A_510, %parallel_loop3A_511] {strides = array<i32>} : memref<256x128xf32, #tpu.memory_space<vmem>>, vector<1x16xf32>,
      %parallel_loop3A_513 = vector.shape_cast %parallel_loop3A_512 : vector<1x16xf32> to vector<16xf32>
      %parallel_loop3A_514 = arith.constant 5.000000e-01 : f32
      %parallel_loop3A_515 = vector.broadcast %parallel_loop3A_514 : f32 to vector<16xf32>
      %parallel_loop3A_516 = arith.cmpf oge, %parallel_loop3A_513, %parallel_loop3A_515 : vector<16xf32>
      %parallel_loop3A_517 = arith.select %parallel_loop3A_516, %broadcast_in_dim3A_3, %broadcast_in_dim3A_5 : vector<16xi1>, vector<16xf32>
      %parallel_loop3A_518 = arith.constant 80 : i32
      %parallel_loop3A_519 = arith.addi %parallel_loop3A_394, %parallel_loop3A_518 : i32
      %parallel_loop3A_520 = arith.index_cast %parallel_loop3A_519 : i32 to index
      %parallel_loop3A_521 = tpu.vector_load %arg6[%parallel_loop3A_520] {strides = array<i32>} : memref<65536xf32, #tpu.memory_space<vmem>>, vector<16xf32>,
      %parallel_loop3A_522 = vector.shape_cast %parallel_loop3A_521 : vector<16xf32> to vector<16xf32>
      %parallel_loop3A_523 = vector.shape_cast %parallel_loop3A_517 : vector<16xf32> to vector<16xf32>
      tpu.vector_store %arg6[%parallel_loop3A_520], %parallel_loop3A_523 {strides = array<i32>} : memref<65536xf32, #tpu.memory_space<vmem>>, vector<16xf32>,
      %parallel_loop3A_524 = arith.subf %broadcast_in_dim3A_3, %parallel_loop3A_517 : vector<16xf32>
      %parallel_loop3A_525 = arith.constant 128 : i32
      %parallel_loop3A_526 = arith.addi %parallel_loop3A_394, %parallel_loop3A_525 : i32
      %parallel_loop3A_527 = arith.constant 80 : i32
      %parallel_loop3A_528 = arith.addi %parallel_loop3A_526, %parallel_loop3A_527 : i32
      %parallel_loop3A_529 = arith.index_cast %parallel_loop3A_528 : i32 to index
      %parallel_loop3A_530 = tpu.vector_load %arg6[%parallel_loop3A_529] {strides = array<i32>} : memref<65536xf32, #tpu.memory_space<vmem>>, vector<16xf32>,
      %parallel_loop3A_531 = vector.shape_cast %parallel_loop3A_530 : vector<16xf32> to vector<16xf32>
      %parallel_loop3A_532 = vector.shape_cast %parallel_loop3A_524 : vector<16xf32> to vector<16xf32>
      tpu.vector_store %arg6[%parallel_loop3A_529], %parallel_loop3A_532 {strides = array<i32>} : memref<65536xf32, #tpu.memory_space<vmem>>, vector<16xf32>,
      %parallel_loop3A_533 = arith.index_cast %parallel_loop3A_392 : i32 to index
      %parallel_loop3A_534 = arith.constant 96 : index
      %parallel_loop3A_535 = tpu.vector_load %arg5[%parallel_loop3A_533, %parallel_loop3A_534] {strides = array<i32>} : memref<256x128xf32, #tpu.memory_space<vmem>>, vector<1x16xf32>,
      %parallel_loop3A_536 = vector.shape_cast %parallel_loop3A_535 : vector<1x16xf32> to vector<16xf32>
      %parallel_loop3A_537 = arith.constant 5.000000e-01 : f32
      %parallel_loop3A_538 = vector.broadcast %parallel_loop3A_537 : f32 to vector<16xf32>
      %parallel_loop3A_539 = arith.cmpf oge, %parallel_loop3A_536, %parallel_loop3A_538 : vector<16xf32>
      %parallel_loop3A_540 = arith.select %parallel_loop3A_539, %broadcast_in_dim3A_3, %broadcast_in_dim3A_5 : vector<16xi1>, vector<16xf32>
      %parallel_loop3A_541 = arith.constant 96 : i32
      %parallel_loop3A_542 = arith.addi %parallel_loop3A_394, %parallel_loop3A_541 : i32
      %parallel_loop3A_543 = arith.index_cast %parallel_loop3A_542 : i32 to index
      %parallel_loop3A_544 = tpu.vector_load %arg6[%parallel_loop3A_543] {strides = array<i32>} : memref<65536xf32, #tpu.memory_space<vmem>>, vector<16xf32>,
      %parallel_loop3A_545 = vector.shape_cast %parallel_loop3A_544 : vector<16xf32> to vector<16xf32>
      %parallel_loop3A_546 = vector.shape_cast %parallel_loop3A_540 : vector<16xf32> to vector<16xf32>
      tpu.vector_store %arg6[%parallel_loop3A_543], %parallel_loop3A_546 {strides = array<i32>} : memref<65536xf32, #tpu.memory_space<vmem>>, vector<16xf32>,
      %parallel_loop3A_547 = arith.subf %broadcast_in_dim3A_3, %parallel_loop3A_540 : vector<16xf32>
      %parallel_loop3A_548 = arith.constant 128 : i32
      %parallel_loop3A_549 = arith.addi %parallel_loop3A_394, %parallel_loop3A_548 : i32
      %parallel_loop3A_550 = arith.constant 96 : i32
      %parallel_loop3A_551 = arith.addi %parallel_loop3A_549, %parallel_loop3A_550 : i32
      %parallel_loop3A_552 = arith.index_cast %parallel_loop3A_551 : i32 to index
      %parallel_loop3A_553 = tpu.vector_load %arg6[%parallel_loop3A_552] {strides = array<i32>} : memref<65536xf32, #tpu.memory_space<vmem>>, vector<16xf32>,
      %parallel_loop3A_554 = vector.shape_cast %parallel_loop3A_553 : vector<16xf32> to vector<16xf32>
      %parallel_loop3A_555 = vector.shape_cast %parallel_loop3A_547 : vector<16xf32> to vector<16xf32>
      tpu.vector_store %arg6[%parallel_loop3A_552], %parallel_loop3A_555 {strides = array<i32>} : memref<65536xf32, #tpu.memory_space<vmem>>, vector<16xf32>,
      %parallel_loop3A_556 = arith.index_cast %parallel_loop3A_392 : i32 to index
      %parallel_loop3A_557 = arith.constant 112 : index
      %parallel_loop3A_558 = tpu.vector_load %arg5[%parallel_loop3A_556, %parallel_loop3A_557] {strides = array<i32>} : memref<256x128xf32, #tpu.memory_space<vmem>>, vector<1x16xf32>,
      %parallel_loop3A_559 = vector.shape_cast %parallel_loop3A_558 : vector<1x16xf32> to vector<16xf32>
      %parallel_loop3A_560 = arith.constant 5.000000e-01 : f32
      %parallel_loop3A_561 = vector.broadcast %parallel_loop3A_560 : f32 to vector<16xf32>
      %parallel_loop3A_562 = arith.cmpf oge, %parallel_loop3A_559, %parallel_loop3A_561 : vector<16xf32>
      %parallel_loop3A_563 = arith.select %parallel_loop3A_562, %broadcast_in_dim3A_3, %broadcast_in_dim3A_5 : vector<16xi1>, vector<16xf32>
      %parallel_loop3A_564 = arith.constant 112 : i32
      %parallel_loop3A_565 = arith.addi %parallel_loop3A_394, %parallel_loop3A_564 : i32
      %parallel_loop3A_566 = arith.index_cast %parallel_loop3A_565 : i32 to index
      %parallel_loop3A_567 = tpu.vector_load %arg6[%parallel_loop3A_566] {strides = array<i32>} : memref<65536xf32, #tpu.memory_space<vmem>>, vector<16xf32>,
      %parallel_loop3A_568 = vector.shape_cast %parallel_loop3A_567 : vector<16xf32> to vector<16xf32>
      %parallel_loop3A_569 = vector.shape_cast %parallel_loop3A_563 : vector<16xf32> to vector<16xf32>
      tpu.vector_store %arg6[%parallel_loop3A_566], %parallel_loop3A_569 {strides = array<i32>} : memref<65536xf32, #tpu.memory_space<vmem>>, vector<16xf32>,
      %parallel_loop3A_570 = arith.subf %broadcast_in_dim3A_3, %parallel_loop3A_563 : vector<16xf32>
      %parallel_loop3A_571 = arith.constant 128 : i32
      %parallel_loop3A_572 = arith.addi %parallel_loop3A_394, %parallel_loop3A_571 : i32
      %parallel_loop3A_573 = arith.constant 112 : i32
      %parallel_loop3A_574 = arith.addi %parallel_loop3A_572, %parallel_loop3A_573 : i32
      %parallel_loop3A_575 = arith.index_cast %parallel_loop3A_574 : i32 to index
      %parallel_loop3A_576 = tpu.vector_load %arg6[%parallel_loop3A_575] {strides = array<i32>} : memref<65536xf32, #tpu.memory_space<vmem>>, vector<16xf32>,
      %parallel_loop3A_577 = vector.shape_cast %parallel_loop3A_576 : vector<16xf32> to vector<16xf32>
      %parallel_loop3A_578 = vector.shape_cast %parallel_loop3A_570 : vector<16xf32> to vector<16xf32>
      tpu.vector_store %arg6[%parallel_loop3A_575], %parallel_loop3A_578 {strides = array<i32>} : memref<65536xf32, #tpu.memory_space<vmem>>, vector<16xf32>,
    } {sc.loop_unroll_factor = 4 : i64, sc.parallel_access}
    %add3A_360 = arith.constant 49152 : i32
    %add3A_361 = arith.addi %mul3A_293, %add3A_360 : i32
    %dma_start3A_362 = arith.constant 49152 : i32
    %dma_start3A_363 = tpu.memref_slice %arg6[%dma_start3A_362] : memref<65536xf32, #tpu.memory_space<vmem>> -> memref<16384xf32, #tpu.memory_space<vmem>>
    %dma_start3A_364 = tpu.memref_slice %arg3[%add3A_361] : memref<2097152xf32, #tpu.memory_space<hbm>> -> memref<16384xf32, #tpu.memory_space<hbm>>
    %dma_start3A_365 = tpu.memref_slice %arg3[%add3A_361] : memref<2097152xf32, #tpu.memory_space<hbm>> -> memref<16384xf32, #tpu.memory_space<hbm>>
    %dma_start3A_366 = arith.constant 49152 : i32
    %dma_start3A_367 = tpu.memref_slice %arg6[%dma_start3A_366] : memref<65536xf32, #tpu.memory_space<vmem>> -> memref<16384xf32, #tpu.memory_space<vmem>>
    tpu.enqueue_dma source(%dma_start3A_367 : memref<16384xf32, #tpu.memory_space<vmem>>) target(%dma_start3A_365 : memref<16384xf32, #tpu.memory_space<hbm>>) target_semaphore(%arg8 : memref<!tpu.dma_semaphore, #tpu.memory_space<semaphore_mem>>)
    %dma_wait3A_368 = arith.constant 0 : i32
    %dma_wait3A_369 = tpu.memref_slice %arg6[%dma_wait3A_368] : memref<65536xf32, #tpu.memory_space<vmem>> -> memref<16384xf32, #tpu.memory_space<vmem>>
    %dma_wait3A_370 = tpu.memref_slice %arg3[%add3A_304] : memref<2097152xf32, #tpu.memory_space<hbm>> -> memref<16384xf32, #tpu.memory_space<hbm>>
    %dma_wait3A_371 = tpu.memref_slice %arg3[%add3A_304] : memref<2097152xf32, #tpu.memory_space<hbm>> -> memref<16384xf32, #tpu.memory_space<hbm>>
    %dma_wait3A_372 = arith.constant 0 : i32
    %dma_wait3A_373 = tpu.memref_slice %arg6[%dma_wait3A_372] : memref<65536xf32, #tpu.memory_space<vmem>> -> memref<16384xf32, #tpu.memory_space<vmem>>
    tpu.wait_dma2 semaphore(%arg8 : memref<!tpu.dma_semaphore, #tpu.memory_space<semaphore_mem>>) src(%dma_wait3A_373 : memref<16384xf32, #tpu.memory_space<vmem>>) dst(%dma_wait3A_371 : memref<16384xf32, #tpu.memory_space<hbm>>)
    %dma_wait3A_374 = arith.constant 16384 : i32
    %dma_wait3A_375 = tpu.memref_slice %arg6[%dma_wait3A_374] : memref<65536xf32, #tpu.memory_space<vmem>> -> memref<16384xf32, #tpu.memory_space<vmem>>
    %dma_wait3A_376 = tpu.memref_slice %arg3[%add3A_323] : memref<2097152xf32, #tpu.memory_space<hbm>> -> memref<16384xf32, #tpu.memory_space<hbm>>
    %dma_wait3A_377 = tpu.memref_slice %arg3[%add3A_323] : memref<2097152xf32, #tpu.memory_space<hbm>> -> memref<16384xf32, #tpu.memory_space<hbm>>
    %dma_wait3A_378 = arith.constant 16384 : i32
    %dma_wait3A_379 = tpu.memref_slice %arg6[%dma_wait3A_378] : memref<65536xf32, #tpu.memory_space<vmem>> -> memref<16384xf32, #tpu.memory_space<vmem>>
    tpu.wait_dma2 semaphore(%arg8 : memref<!tpu.dma_semaphore, #tpu.memory_space<semaphore_mem>>) src(%dma_wait3A_379 : memref<16384xf32, #tpu.memory_space<vmem>>) dst(%dma_wait3A_377 : memref<16384xf32, #tpu.memory_space<hbm>>)
    %dma_wait3A_380 = arith.constant 32768 : i32
    %dma_wait3A_381 = tpu.memref_slice %arg6[%dma_wait3A_380] : memref<65536xf32, #tpu.memory_space<vmem>> -> memref<16384xf32, #tpu.memory_space<vmem>>
    %dma_wait3A_382 = tpu.memref_slice %arg3[%add3A_342] : memref<2097152xf32, #tpu.memory_space<hbm>> -> memref<16384xf32, #tpu.memory_space<hbm>>
    %dma_wait3A_383 = tpu.memref_slice %arg3[%add3A_342] : memref<2097152xf32, #tpu.memory_space<hbm>> -> memref<16384xf32, #tpu.memory_space<hbm>>
    %dma_wait3A_384 = arith.constant 32768 : i32
    %dma_wait3A_385 = tpu.memref_slice %arg6[%dma_wait3A_384] : memref<65536xf32, #tpu.memory_space<vmem>> -> memref<16384xf32, #tpu.memory_space<vmem>>
    tpu.wait_dma2 semaphore(%arg8 : memref<!tpu.dma_semaphore, #tpu.memory_space<semaphore_mem>>) src(%dma_wait3A_385 : memref<16384xf32, #tpu.memory_space<vmem>>) dst(%dma_wait3A_383 : memref<16384xf32, #tpu.memory_space<hbm>>)
    %dma_wait3A_386 = arith.constant 49152 : i32
    %dma_wait3A_387 = tpu.memref_slice %arg6[%dma_wait3A_386] : memref<65536xf32, #tpu.memory_space<vmem>> -> memref<16384xf32, #tpu.memory_space<vmem>>
    %dma_wait3A_388 = tpu.memref_slice %arg3[%add3A_361] : memref<2097152xf32, #tpu.memory_space<hbm>> -> memref<16384xf32, #tpu.memory_space<hbm>>
    %dma_wait3A_389 = tpu.memref_slice %arg3[%add3A_361] : memref<2097152xf32, #tpu.memory_space<hbm>> -> memref<16384xf32, #tpu.memory_space<hbm>>
    %dma_wait3A_390 = arith.constant 49152 : i32
    %dma_wait3A_391 = tpu.memref_slice %arg6[%dma_wait3A_390] : memref<65536xf32, #tpu.memory_space<vmem>> -> memref<16384xf32, #tpu.memory_space<vmem>>
    tpu.wait_dma2 semaphore(%arg8 : memref<!tpu.dma_semaphore, #tpu.memory_space<semaphore_mem>>) src(%dma_wait3A_391 : memref<16384xf32, #tpu.memory_space<vmem>>) dst(%dma_wait3A_389 : memref<16384xf32, #tpu.memory_space<hbm>>)
    return
  }
}

</mosaic_0001>

<sc_bundles>
// kernel: _run.3.cloned.1.call-start
scs
__scs_entry_jumppad:
0x0: {  	(pc) =	sbr.rel $0x88, $3  }
0x1: {  	(tag) =	ssettag $0x0;
	lr =	simm.s32 $0x1  }
0x2: {  	[smem:$0x3FA0] =	sst lr;
	_ =	strace $0xD0000000  }
0x3: {  	_ = 	snop  }
0x4: {  	_ = 	snop  }
0x5: {  	_ = 	snop  }
0x6: {  	_ = 	snop  }
0x7: {  	_ = 	snop  }
__scs_overlays_trampoline_lowered:
0x8: {  	[smem:$0x3FAF] =	sst s0  }
0x9: {  	[smem:$0x3FB0] =	sst s1  }
0xa: {  	[smem:$0x3FB1] =	sst s2  }
0xb: {  	[smem:$0x3FB2] =	sst s3  }
0xc: {  	[smem:$0x3FB3] =	sst s4  }
0xd: {  	[smem:$0x3FB4] =	sst s5  }
0xe: {  	[smem:$0x3FB5] =	sst s6  }
0xf: {  	[smem:$0x3FB6] =	sst s7  }
0x10: {  	[smem:$0x3FB7] =	sst s8  }
0x11: {  	[smem:$0x3FB8] =	sst s9;
	s0 =	simm.s32 @!p0 $0x0  }
0x12: {  	s1 =	sld [smem:$0x3F9E];
	s0 =	simm.s32 @p0 $0x1  }
0x13: {  	[smem:$0x3FB9] =	sst s0;
	s0 =	simm.s32 @!p1 $0x0  }
0x14: {  	s2 =	sld [smem:$0x3F9D];
	s0 =	simm.s32 @p1 $0x1  }
0x15: {  	[smem:$0x3FBA] =	sst s0;
	s0 =	simm.s32 @!p2 $0x0  }
0x16: {  	s3 =	sld [smem:$0x3FDB];
	s0 =	simm.s32 @p2 $0x1  }
0x17: {  	s4 =	simm.s32 $0x1BF5;
	[smem:$0x3FBC] =	sst s0  }
0x18: {  	s0 =	sld [smem:$0x3F9F];
	_ =	swait.ge [sflag:s4], $0x0  }
0x19: {  	s7 =	sld [smem:$0x3FA0]  }
0x1a: {  	s8 =	sadd.s32 $0xFFFFE003, lr  }
0x1b: {  	s9 =	sadd.s32 $0xFFFFFEF7, lr;
	s5 =	simm.s32 $0xFFFFFFFF;
	p2 =	slt.u32 s8, $0xFFFFF086  }
0x1c: {  	p1 =	slt.u32 s9, $0xF7A;
	s5 =	simm.s32 @!p2 $0x0  }
0x1d: {  	s5 =	simm.s32 @p1 $0x1;
	p0 =	seq.s32 s7, s2  }
0x1e: {  	s7 =	smul.u32 @!p0 $0xF7A, s2;
	p2 =	seq.s32 @!p0 s5, $0x0  }
0x1f: {  	s9 =	smul.u32 $0xF7A, s1;
	s8 =	simm.s32 @!p0 $0x1BF5;
	p2 =	por !p2, p0  }
0x20: {  	[sflag:s8] =	ssyncset.s32 @!p0 $0xFFFFF086;
	s6 =	sadd.s32 @!p0 s3, s7;
	s7 =	simm.s32 @!p0 $0x108  }
0x21: {  	s3 =	sadd.s32 s3, s9;
	s6 =	sadd.s32 @!p0 $0x88, s6;
	s7 =	simm.s32 @p2 $0x1082  }
0x22: {  	[simem:s7], [sflag:s8] =	dma.local @!p0 [hbm:s6], $0xF7A  }
0x23: {  	s9 =	sor.u32 $0xD0000000, s2;
	s6 =	simm.s32 $0x108;
	_ =	swait.ge @!p0 [sflag:s8], $0x0  }
0x24: {  	s3 =	sadd.s32 $0x88, s3;
	s6 =	simm.s32 @!p1 $0x1082;
	[sflag:s4] =	ssyncset.s32 $0xFFFFF086  }
0x25: {  	[simem:s6], [sflag:s4] =	dma.local [hbm:s3], $0xF7A  }
0x26: {  	[smem:$0x3FA0] =	sst s1;
	(tag) =	ssettag s2;
	_ =	strace s9  }
0x27: {  	s1 =	sld [smem:$0x3FB0]  }
0x28: {  	s2 =	sld [smem:$0x3FB1]  }
0x29: {  	s4 =	sld [smem:$0x3FB3]  }
0x2a: {  	p0 =	seq.s32 s5, $0x0;
	s5 =	sld [smem:$0x3FB4]  }
0x2b: {  	s6 =	sld [smem:$0x3FB5]  }
0x2c: {  	s7 =	sld [smem:$0x3FB6]  }
0x2d: {  	s3 =	simm.s32 $0x108;
	s8 =	sld [smem:$0x3FB7]  }
0x2e: {  	s3 =	simm.s32 @!p0 $0x1082;
	s9 =	sld [smem:$0x3FB8]  }
0x2f: {  	lr =	sadd.s32 s0, s3;
	s0 =	sld [smem:$0x3FAF]  }
0x30: {  	s3 =	sld [smem:$0x3FB2]  }
0x31: {  	[smem:$0x3FBB] =	sst s10  }
0x32: {  	s10 =	sld [smem:$0x3FB9];
	_ =	sdelay $0x3  }
0x33: {  	p0 =	seq.s32 s10, $0x1;
	s10 =	sld [smem:$0x3FBB];
	_ =	sdelay $0x3  }
0x34: {  	[smem:$0x3FBB] =	sst s10  }
0x35: {  	s10 =	sld [smem:$0x3FBA];
	_ =	sdelay $0x3  }
0x36: {  	p1 =	seq.s32 s10, $0x1;
	s10 =	sld [smem:$0x3FBB];
	_ =	sdelay $0x3  }
0x37: {  	[smem:$0x3FBB] =	sst s10  }
0x38: {  	s10 =	sld [smem:$0x3FBC]  }
0x39: {  	_ = 	snop;
	(pc) =	sbr.ind lr, $3  }
0x3a: {  	_ = 	snop  }
0x3b: {  	_ = 	snop  }
0x3c: {  	p2 =	seq.s32 s10, $0x1;
	s10 =	sld [smem:$0x3FBB]  }
0x3d: {  	_ =	shalt  }
0x3e: {  	_ =	shalt  }
0x3f: {  	_ =	shalt  }
0x40: {  	_ =	shalt  }
0x41: {  	_ =	shalt  }
0x42: {  	_ =	shalt  }
0x43: {  	_ =	shalt  }
0x44: {  	_ =	shalt  }
0x45: {  	_ =	shalt  }
0x46: {  	_ =	shalt  }
0x47: {  	_ =	shalt  }
0x48: {  	_ =	shalt  }
0x49: {  	_ =	shalt  }
0x4a: {  	_ =	shalt  }
0x4b: {  	_ =	shalt  }
0x4c: {  	_ =	shalt  }
0x4d: {  	_ =	shalt  }
0x4e: {  	_ =	shalt  }
0x4f: {  	_ =	shalt  }
0x50: {  	_ =	shalt  }
0x51: {  	_ =	shalt  }
0x52: {  	_ =	shalt  }
0x53: {  	_ =	shalt  }
0x54: {  	_ =	shalt  }
0x55: {  	_ =	shalt  }
0x56: {  	_ =	shalt  }
0x57: {  	_ =	shalt  }
0x58: {  	_ =	shalt  }
0x59: {  	_ =	shalt  }
0x5a: {  	_ =	shalt  }
0x5b: {  	_ =	shalt  }
0x5c: {  	_ =	shalt  }
0x5d: {  	_ =	shalt  }
0x5e: {  	_ =	shalt  }
0x5f: {  	_ =	shalt  }
0x60: {  	_ =	shalt  }
0x61: {  	_ =	shalt  }
0x62: {  	_ =	shalt  }
0x63: {  	_ =	shalt  }
0x64: {  	_ =	shalt  }
0x65: {  	_ =	shalt  }
0x66: {  	_ =	shalt  }
0x67: {  	_ =	shalt  }
0x68: {  	_ =	shalt  }
0x69: {  	_ =	shalt  }
0x6a: {  	_ =	shalt  }
0x6b: {  	_ =	shalt  }
0x6c: {  	_ =	shalt  }
0x6d: {  	_ =	shalt  }
0x6e: {  	_ =	shalt  }
0x6f: {  	_ =	shalt  }
0x70: {  	_ =	shalt  }
0x71: {  	_ =	shalt  }
0x72: {  	_ =	shalt  }
0x73: {  	_ =	shalt  }
0x74: {  	_ =	shalt  }
0x75: {  	_ =	shalt  }
0x76: {  	_ =	shalt  }
0x77: {  	_ =	shalt  }
0x78: {  	_ =	shalt  }
0x79: {  	_ =	shalt  }
0x7a: {  	_ =	shalt  }
0x7b: {  	_ =	shalt  }
0x7c: {  	_ =	shalt  }
0x7d: {  	_ =	shalt  }
0x7e: {  	_ =	shalt  }
0x7f: {  	_ =	shalt  }
0x80: {  	_ =	shalt  }
0x81: {  	_ =	shalt  }
0x82: {  	_ =	shalt  }
0x83: {  	_ =	shalt  }
0x84: {  	_ =	shalt  }
0x85: {  	_ =	shalt  }
0x86: {  	_ =	shalt  }
0x87: {  	_ =	shalt  }
.Lfunc_end0:
.L_simem_size_0:
called_computation_lowered:
.L_overlay_start_0:
0x88: {  	s2 =	sld [smem:$0x3FD9]  }
0x89: {  	s3 =	sld [smem:$0x3FFE];
	_ =	sdelay $0x1  }
0x8a: {  	s1 =	srdreg.scid  }
0x8b: {  	s0 =	sand.u32 $0x1, s1  }
0x8c: {  	s18 =	sshll.u32 s0, $0xA;
	s2 =	sadd.s32 s3, s2  }
0x8d: {  	s2 =	sadd.s32 s2, s18  }
0x8e: {  	[smem:$0x3FC7] =	sst s2  }
0x8f: {  	_ = 	snop  }
0x90: {  	s2 =	sld [smem:$0x3FC9]  }
0x91: {  	s19 =	sld [smem:$0x3FD0];
	(tm) =	ssettm $0x1  }
0x92: {  	s4 =	sld [smem:$0x3FFB];
	_ =	sdelay $0x3  }
0x93: {  	_ =	strace s4  }
0x94: {  	s4 =	sld [smem:$0x3FFC];
	_ =	sdelay $0x3  }
0x95: {  	_ =	strace s4  }
0x96: {  	s4 =	sld [smem:$0x3FFD];
	_ =	sdelay $0x3  }
0x97: {  	_ =	strace s4  }
0x98: {  	_ =	strace $0x8FFFFFFF  }
0x99: {  	s20 =	sld [smem:$0x3FDB];
	_ =	sdelay $0x1  }
0x9a: {  	s5 =	simm.s32 $_scs_section_size  }
0x9b: {  	s6 =	simm.s32 $_size__tile_overlayer_lowered;
	s7 =	simm.s32 $_tile_overlayer_lowered  }
0x9c: {  	s23 =	simm.s32 $0x1BFF;
	s22 =	sshll.u32 s7, $0x1;
	s4 =	sadd.s32 s5, s20  }
0x9d: {  	s8 =	simm.s32 $0x0;
	s21 =	sshll.u32 s6, $0x1;
	s6 =	sadd.s32 s22, s4  }
0x9e: {  	[timem:s8], [sflag:s23] =	dma.local [hbm:s6], s21  }
0x9f: {  	_ =	swait.ge [sflag:s23], s21  }
0xa0: {  	s5 =	ssub.s32 $0x0, s21;
	[sflag:s23] =	ssyncset.done $0x0  }
0xa1: {  	[sflag:s23] =	ssyncadd.s32 s5;
	_ =	sdelay $0x1  }
0xa2: {  	s24 =	simm.s32 $0x1B8B  }
0xa3: {  	_ =	swait.ge [sflag:s24], $0x1  }
0xa4: {  	[sflag:s24] =	ssyncset.done $0x0  }
0xa5: {  	s25 =	simm.s32 $0x1B8E;
	[sflag:s24] =	ssyncadd.s32 $0xFFFFFFFF  }
0xa6: {  	s26 =	simm.s32 $execute0_lowered;
	[smem:$0x3FD2] =	sst s25  }
0xa7: {  	s5 =	sshll.u32 s26, $0x1;
	_ =	strace $0x80000046;
	[dreg:$0x1] =	wrdreg $0xFFFFFFFF  }
0xa8: {  	s28 =	simm.s32 $_size_execute0_lowered;
	s4 =	sadd.s32 s4, s5;
	[dreg:$0x0] =	wrdreg $0x0  }
0xa9: {  	s5 =	sshll.u32 s28, $0x1;
	[dreg:$0x2] =	wrdreg s4  }
0xaa: {  	[dreg:$0x3] =	wrdreg s5  }
0xab: {  	[dreg:$0x4] =	wrdreg $0xC0  }
0xac: {  	_ =	task [dreg:s8], $0x5FFFF  }
0xad: {  	[dreg:$0x1] =	wrdreg $0xFFFFFFFF  }
0xae: {  	[dreg:$0x0] =	wrdreg $0x60  }
0xaf: {  	[dreg:$0x2] =	wrdreg s2  }
0xb0: {  	[dreg:$0x3] =	wrdreg s19  }
0xb1: {  	[dreg:$0x4] =	wrdreg $0x9  }
0xb2: {  	_ =	task.clear_ibuf [dreg:s8], $0x5FFFF;
	_ =	strace $0x90000046  }
0xb3: {  	s29 =	simm.s32 $0x9;
	_ =	strace $0x80000048  }
0xb4: {  	_ =	swait.ge [sflag:s29], $0x1  }
0xb5: {  	[sflag:s29] =	ssyncadd.s32 $0xFFFFFFFF  }
0xb6: {  	_ =	strace $0x90000048  }
0xb7: {  	_ =	sfence  }
0xb8: {  	s30 =	sld [smem:$0x0];
	_ =	sdelay $0x2  }
0xb9: {  	s31 =	sshll.u32 s1, $0xD;
	s1 =	sshrl.u32 s1, $0x2  }
0xba: {  	s3 =	sand.u32 $0x4000, s31;
	s1 =	sadd.s32 s1, s30  }
0xbb: {  	s0 =	sor.u32 s3, s0;
	s1 =	sshll.u32 s1, $0x11  }
0xbc: {  	s0 =	sor.u32 s1, s0  }
0xbd: {  	s0 =	sadd.s32 $0x8F2B, s0  }
0xbe: {  	[sflag:s0] =	ssyncadd.remote.s32 $0x1  }
0xbf: {  	_ =	sfence.sel $0xFFFF  }
0xc0: {  	[dreg:$0x0] =	wrdreg $0xFFFFFFFF;
	(pc) =	sbr.abs _section_cstart, $3  }
0xc1: {  	[dreg:$0x1] =	wrdreg $0xFFFFFFFF  }
0xc2: {  	_ =	task.clear_ibuf [dreg:s8], $0x2FFFF;
	_ =	strace $0x9FFFFFFF  }
0xc3: {  	(tm) =	ssettm $0x7FFFFFFF  }
tec
execute0_lowered:
.L_overlay_start_1:
0x0: {  	(tag) =	ssettag $0x1  }
0x1: {  	s1 =	srdreg.scid;
	s0 =	stileid.u32  }
0x2: {  	s6 =	sand.u32 $0x1, s1;
	s20 =	sshll.u32 s0, $0x1  }
0x3: {  	s5 =	sor.u32 s6, s20  }
0x4: {  	s4 =	sshll.u32 s5, $0x8  }
0x5: {  	v0 =	vlaneseq.u32;
	v1 =	vmov s4  }
0x6: {  	v14 =	vmul.u32 $0x8, v0;
	s21 =	sor.u32 $0x10, s4;
	s22 =	sor.u32 $0x20, s4;
	s2 =	sor.u32 $0x30, s4;
	v0 =	vshll.u32 v1, $0x3  }
0x7: {  	s23 =	sor.u32 $0x40, s4;
	s24 =	sor.u32 $0x50, s4;
	s25 =	sor.u32 $0x60, s4;
	v1 =	vmov s21;
	v2 =	vmov s22;
	v3 =	vmov s2  }
0x8: {  	s26 =	sor.u32 $0x70, s4;
	s8 =	sor.u32 $0x80, s4;
	s9 =	sor.u32 $0x90, s4;
	v4 =	vmov s23;
	v5 =	vmov s24;
	v6 =	vmov s25  }
0x9: {  	s28 =	sor.u32 $0xA0, s4;
	s30 =	sor.u32 $0xB0, s4;
	s10 =	sor.u32 $0xC0, s4;
	v7 =	vmov s26;
	v8 =	vmov s8;
	v9 =	vmov s9  }
0xa: {  	s31 =	sor.u32 $0xD0, s4;
	s11 =	sor.u32 $0xE0, s4;
	s12 =	sor.u32 $0xF0, s4;
	v10 =	vmov s28;
	v11 =	vmov s30;
	v12 =	vmov s10  }
0xb: {  	v13 =	vmov s31;
	v15 =	vmov s11;
	v16 =	vmov s12  }
0xc: {  	v0 =	vor.u32 v14, v0;
	v1 =	vshll.u32 v1, $0x3;
	v2 =	vshll.u32 v2, $0x3  }
0xd: {  	v3 =	vshll.u32 v3, $0x3;
	v4 =	vshll.u32 v4, $0x3;
	v5 =	vshll.u32 v5, $0x3  }
0xe: {  	v6 =	vshll.u32 v6, $0x3;
	v7 =	vshll.u32 v7, $0x3;
	v8 =	vshll.u32 v8, $0x3  }
0xf: {  	v9 =	vshll.u32 v9, $0x3;
	v10 =	vshll.u32 v10, $0x3;
	v11 =	vshll.u32 v11, $0x3  }
0x10: {  	v12 =	vshll.u32 v12, $0x3;
	v13 =	vshll.u32 v13, $0x3;
	v15 =	vshll.u32 v15, $0x3  }
0x11: {  	v16 =	vshll.u32 v16, $0x3;
	v0 =	vadd.s32 $0x70007, v0;
	v1 =	vor.u32 v14, v1  }
0x12: {  	s7 =	rddreg [dreg:$0x1];
	s3 =	simm.s32 $0x0;
	v2 =	vor.u32 v14, v2;
	v3 =	vor.u32 v14, v3;
	v4 =	vor.u32 v14, v4  }
0x13: {  	s13 =	simm.s32 $0x4100;
	s14 =	simm.s32 $0xC0;
	s15 =	simm.s32 $0x6100;
	v5 =	vor.u32 v14, v5;
	v6 =	vor.u32 v14, v6;
	v7 =	vor.u32 v14, v7  }
0x14: {  	s16 =	simm.s32 $0x1;
	s17 =	simm.s32 $0x8100;
	s1 =	rddreg [dreg:$0x0];
	v8 =	vor.u32 v14, v8;
	v9 =	vor.u32 v14, v9;
	v10 =	vor.u32 v14, v10  }
0x15: {  	s18 =	simm.s32 $0xC100;
	s19 =	simm.s32 $0x10100;
	[smem:$0x7FF] =	sst s3;
	v11 =	vor.u32 v14, v11;
	v12 =	vor.u32 v14, v12;
	v13 =	vor.u32 v14, v13  }
0x16: {  	s6 =	ssub.s32 $0x2, s6;
	s20 =	simm.s32 $0x14100;
	s5 =	sshll.u32 s5, $0xD;
	v15 =	vor.u32 v14, v15;
	v16 =	vor.u32 v14, v16;
	v1 =	vadd.s32 $0x70007, v1  }
0x17: {  	s29 =	sshrl.u32 s6, $0x1;
	s4 =	sadd.s32 s7, s5;
	s2 =	rddreg [dreg:$0x2];
	v2 =	vadd.s32 $0x70007, v2;
	v3 =	vadd.s32 $0x70007, v3;
	v4 =	vadd.s32 $0x70007, v4  }
0x18: {  	_ =	strace $0x80000047;
	s9 =	ssub.s32 s6, s29;
	s5 =	sadd.s32 $0x800, s4;
	v5 =	vadd.s32 $0x70007, v5;
	v6 =	vadd.s32 $0x70007, v6;
	v7 =	vadd.s32 $0x70007, v7  }
0x19: {  	s6 =	sadd.s32 $0x1000, s4;
	s7 =	sadd.s32 $0x1800, s4;
	s10 =	simm.s32 $0x100;
	v8 =	vadd.s32 $0x70007, v8;
	v9 =	vadd.s32 $0x70007, v9;
	v10 =	vadd.s32 $0x70007, v10  }
0x1a: {  	s11 =	simm.s32 $0x2100;
	s12 =	simm.s32 $0x80;
	s21 =	simm.s32 $0x2;
	v11 =	vadd.s32 $0x70007, v11;
	v12 =	vadd.s32 $0x70007, v12;
	v13 =	vadd.s32 $0x70007, v13  }
0x1b: {  	s22 =	simm.s32 $0x0;
	s8 =	smax.u32 s9, $0x1;
	s9 =	simm.s32 $0x40;
	v14 =	vadd.s32 $0x70007, v15;
	v15 =	vadd.s32 $0x70007, v16;
	v16 =	vimm.f32 $0.0e+00  }
.LBB2_1:
0x1c: {  	[tilespmem:$0x0] =	vst v0  }
0x1d: {  	[tilespmem:$0x10] =	vst v1  }
0x1e: {  	[tilespmem:$0x20] =	vst v2  }
0x1f: {  	[tilespmem:$0x30] =	vst v3  }
0x20: {  	[tilespmem:s10], [sflag:$0x1] =	stream.indirect.gather [hbm4b:s1+s9], $0x80, s3, s9, $0xb8;
	[tilespmem:$0x18100] =	vst v63  }
0x21: {  	[tilespmem:$0x40] =	vst v4  }
0x22: {  	[tilespmem:$0x50] =	vst v5  }
0x23: {  	[tilespmem:$0x60] =	vst v6  }
0x24: {  	[tilespmem:$0x70] =	vst v7  }
0x25: {  	[tilespmem:s11], [sflag:$0x1] =	stream.indirect.gather [hbm4b:s1+s9], $0x80, s9, s9, $0xb8;
	[tilespmem:$0x18100] =	vst v63  }
0x26: {  	[tilespmem:$0x80] =	vst v8  }
0x27: {  	[tilespmem:$0x90] =	vst v9  }
0x28: {  	[tilespmem:$0xA0] =	vst v10  }
0x29: {  	[tilespmem:$0xB0] =	vst v11  }
0x2a: {  	[tilespmem:s13], [sflag:$0x1] =	stream.indirect.gather [hbm4b:s1+s9], $0x80, s12, s9, $0xb8;
	[tilespmem:$0x18100] =	vst v63  }
0x2b: {  	[tilespmem:$0xC0] =	vst v12  }
0x2c: {  	[tilespmem:$0xD0] =	vst v13  }
0x2d: {  	[tilespmem:$0xE0] =	vst v14  }
0x2e: {  	[tilespmem:$0xF0] =	vst v15  }
0x2f: {  	[tilespmem:s15], [sflag:$0x1] =	stream.indirect.gather [hbm4b:s1+s9], $0x80, s14, s9, $0xb8;
	[tilespmem:$0x18100] =	vst v63  }
0x30: {  	_ =	swait.ge [sflag:s16], $0x2000  }
0x31: {  	[sflag:s16] =	ssyncset.done $0x0  }
0x32: {  	s26 =	simm.s32 $0x200;
	[sflag:s16] =	ssyncadd.s32 $0xFFFFE000  }
0x33: {  	v17 =	vld [tilespmem:s26+$0x80];
	_ =	sdelay $0x3  }
0x34: {  	v18 =	vld [tilespmem:s26+$0xFFFFFF80]  }
0x35: {  	vm0 =	vge.f32 v17, $5.000000000e-01  }
0x36: {  	v17 =	vld [tilespmem:s26+$0xFFFFFF00];
	v19 =	vsel vm0, $0x3F800000, v16  }
0x37: {  	s23 =	simm.s32 $0x8300;
	v20 =	vsub.f32 $1.000000000e+00, v19  }
0x38: {  	[tilespmem:s23+$0x100] =	vst v19  }
0x39: {  	vm10 =	vge.f32 v18, $5.000000000e-01;
	v19 =	vld [tilespmem:s26+$0x0];
	[tilespmem:s23+$0x180] =	vst v20  }
0x3a: {  	v20 =	vsel vm10, $0x3F800000, v16;
	v18 =	vld [tilespmem:s26+$0x90]  }
0x3b: {  	vm11 =	vge.f32 v17, $5.000000000e-01;
	v17 =	vsub.f32 $1.000000000e+00, v20  }
0x3c: {  	[tilespmem:s23+$0xFFFFFF00] =	vst v20;
	v21 =	vsel vm11, $0x3F800000, v16  }
0x3d: {  	v22 =	vsub.f32 $1.000000000e+00, v21;
	[tilespmem:s23+$0xFFFFFF80] =	vst v17  }
0x3e: {  	vm1 =	vge.f32 v19, $5.000000000e-01;
	[tilespmem:s23+$0xFFFFFE00] =	vst v21  }
0x3f: {  	[tilespmem:s23+$0xFFFFFE80] =	vst v22;
	vm12 =	vge.f32 v18, $5.000000000e-01;
	v18 =	vsel vm1, $0x3F800000, v16  }
0x40: {  	v19 =	vld [tilespmem:s26+$0xFFFFFF10];
	v17 =	vsel vm12, $0x3F800000, v16;
	v21 =	vsub.f32 $1.000000000e+00, v18;
	[tilespmem:s23+$0x0] =	vst v18  }
0x41: {  	v22 =	vld [tilespmem:s26+$0xFFFFFF90];
	v20 =	vsub.f32 $1.000000000e+00, v17;
	[tilespmem:s23+$0x110] =	vst v17  }
0x42: {  	[tilespmem:s23+$0x80] =	vst v21  }
0x43: {  	[tilespmem:s23+$0x190] =	vst v20;
	v18 =	vld [tilespmem:s26+$0x10]  }
0x44: {  	v17 =	vld [tilespmem:s26+$0xA0]  }
0x45: {  	vm13 =	vge.f32 v19, $5.000000000e-01  }
0x46: {  	vm14 =	vge.f32 v22, $5.000000000e-01;
	v19 =	vsel vm13, $0x3F800000, v16  }
0x47: {  	v20 =	vsel vm14, $0x3F800000, v16;
	[tilespmem:s23+$0xFFFFFE10] =	vst v19;
	v19 =	vsub.f32 $1.000000000e+00, v19  }
0x48: {  	[tilespmem:s23+$0xFFFFFF10] =	vst v20;
	v20 =	vsub.f32 $1.000000000e+00, v20  }
0x49: {  	[tilespmem:s23+$0xFFFFFE90] =	vst v19;
	vm4 =	vge.f32 v18, $5.000000000e-01;
	vm15 =	vge.f32 v17, $5.000000000e-01  }
0x4a: {  	[tilespmem:s23+$0xFFFFFF90] =	vst v20;
	v18 =	vld [tilespmem:s26+$0xFFFFFF20];
	v20 =	vsel vm4, $0x3F800000, v16;
	v17 =	vsel vm15, $0x3F800000, v16  }
0x4b: {  	v21 =	vld [tilespmem:s26+$0xFFFFFFA0];
	[tilespmem:s23+$0x10] =	vst v20;
	v19 =	vsub.f32 $1.000000000e+00, v17  }
0x4c: {  	[tilespmem:s23+$0x120] =	vst v17;
	v17 =	vsub.f32 $1.000000000e+00, v20  }
0x4d: {  	[tilespmem:s23+$0x1A0] =	vst v19  }
0x4e: {  	[tilespmem:s23+$0x90] =	vst v17;
	v19 =	vld [tilespmem:s26+$0xB0]  }
0x4f: {  	v17 =	vld [tilespmem:s26+$0x20];
	vm5 =	vge.f32 v18, $5.000000000e-01  }
0x50: {  	vm6 =	vge.f32 v21, $5.000000000e-01;
	v18 =	vsel vm5, $0x3F800000, v16  }
0x51: {  	v20 =	vsel vm6, $0x3F800000, v16;
	[tilespmem:s23+$0xFFFFFE20] =	vst v18;
	v18 =	vsub.f32 $1.000000000e+00, v18  }
0x52: {  	[tilespmem:s23+$0xFFFFFF20] =	vst v20;
	v20 =	vsub.f32 $1.000000000e+00, v20  }
0x53: {  	[tilespmem:s23+$0xFFFFFEA0] =	vst v18;
	vm7 =	vge.f32 v19, $5.000000000e-01  }
0x54: {  	[tilespmem:s23+$0xFFFFFFA0] =	vst v20;
	vm8 =	vge.f32 v17, $5.000000000e-01;
	v17 =	vld [tilespmem:s26+$0xFFFFFF30];
	v18 =	vsel vm7, $0x3F800000, v16  }
0x55: {  	v21 =	vld [tilespmem:s26+$0xFFFFFFB0];
	v20 =	vsel vm8, $0x3F800000, v16;
	v19 =	vsub.f32 $1.000000000e+00, v18;
	[tilespmem:s23+$0x130] =	vst v18  }
0x56: {  	v18 =	vsub.f32 $1.000000000e+00, v20;
	[tilespmem:s23+$0x20] =	vst v20  }
0x57: {  	[tilespmem:s23+$0x1B0] =	vst v19  }
0x58: {  	[tilespmem:s23+$0xA0] =	vst v18;
	v19 =	vld [tilespmem:s26+$0xC0]  }
0x59: {  	v18 =	vld [tilespmem:s26+$0x30];
	vm9 =	vge.f32 v17, $5.000000000e-01  }
0x5a: {  	vm10 =	vge.f32 v21, $5.000000000e-01;
	v17 =	vsel vm9, $0x3F800000, v16  }
0x5b: {  	v20 =	vsel vm10, $0x3F800000, v16;
	[tilespmem:s23+$0xFFFFFE30] =	vst v17;
	v17 =	vsub.f32 $1.000000000e+00, v17  }
0x5c: {  	[tilespmem:s23+$0xFFFFFF30] =	vst v20;
	v20 =	vsub.f32 $1.000000000e+00, v20  }
0x5d: {  	[tilespmem:s23+$0xFFFFFEB0] =	vst v17;
	vm11 =	vge.f32 v19, $5.000000000e-01  }
0x5e: {  	[tilespmem:s23+$0xFFFFFFB0] =	vst v20;
	vm12 =	vge.f32 v18, $5.000000000e-01;
	v18 =	vld [tilespmem:s26+$0xFFFFFF40];
	v17 =	vsel vm11, $0x3F800000, v16  }
0x5f: {  	v21 =	vld [tilespmem:s26+$0xFFFFFFC0];
	v20 =	vsel vm12, $0x3F800000, v16;
	v19 =	vsub.f32 $1.000000000e+00, v17;
	[tilespmem:s23+$0x140] =	vst v17  }
0x60: {  	v17 =	vsub.f32 $1.000000000e+00, v20;
	[tilespmem:s23+$0x30] =	vst v20  }
0x61: {  	[tilespmem:s23+$0x1C0] =	vst v19  }
0x62: {  	[tilespmem:s23+$0xB0] =	vst v17;
	v19 =	vld [tilespmem:s26+$0xD0]  }
0x63: {  	v17 =	vld [tilespmem:s26+$0x40];
	vm13 =	vge.f32 v18, $5.000000000e-01  }
0x64: {  	vm14 =	vge.f32 v21, $5.000000000e-01;
	v18 =	vsel vm13, $0x3F800000, v16  }
0x65: {  	v20 =	vsel vm14, $0x3F800000, v16;
	[tilespmem:s23+$0xFFFFFE40] =	vst v18;
	v18 =	vsub.f32 $1.000000000e+00, v18  }
0x66: {  	[tilespmem:s23+$0xFFFFFF40] =	vst v20;
	v20 =	vsub.f32 $1.000000000e+00, v20  }
0x67: {  	[tilespmem:s23+$0xFFFFFEC0] =	vst v18;
	vm15 =	vge.f32 v19, $5.000000000e-01  }
0x68: {  	[tilespmem:s23+$0xFFFFFFC0] =	vst v20;
	vm4 =	vge.f32 v17, $5.000000000e-01;
	v17 =	vld [tilespmem:s26+$0xFFFFFF50];
	v18 =	vsel vm15, $0x3F800000, v16  }
0x69: {  	v21 =	vld [tilespmem:s26+$0xFFFFFFD0];
	v20 =	vsel vm4, $0x3F800000, v16;
	v19 =	vsub.f32 $1.000000000e+00, v18;
	[tilespmem:s23+$0x150] =	vst v18  }
0x6a: {  	v18 =	vsub.f32 $1.000000000e+00, v20;
	[tilespmem:s23+$0x40] =	vst v20  }
0x6b: {  	[tilespmem:s23+$0x1D0] =	vst v19  }
0x6c: {  	[tilespmem:s23+$0xC0] =	vst v18;
	v19 =	vld [tilespmem:s26+$0xE0]  }
0x6d: {  	v18 =	vld [tilespmem:s26+$0x50];
	vm5 =	vge.f32 v17, $5.000000000e-01  }
0x6e: {  	s24 =	simm.s32 $0x400;
	vm6 =	vge.f32 v21, $5.000000000e-01;
	v17 =	vsel vm5, $0x3F800000, v16  }
0x6f: {  	v21 =	vld [tilespmem:s24+$0x80];
	v20 =	vsel vm6, $0x3F800000, v16;
	[tilespmem:s23+$0xFFFFFE50] =	vst v17;
	v17 =	vsub.f32 $1.000000000e+00, v17  }
0x70: {  	v22 =	vld [tilespmem:s24+$0xFFFFFF80];
	[tilespmem:s23+$0xFFFFFF50] =	vst v20;
	v20 =	vsub.f32 $1.000000000e+00, v20  }
0x71: {  	[tilespmem:s23+$0xFFFFFED0] =	vst v17;
	v17 =	vld [tilespmem:s24+$0x0];
	vm7 =	vge.f32 v19, $5.000000000e-01  }
0x72: {  	[tilespmem:s23+$0xFFFFFFD0] =	vst v20;
	vm8 =	vge.f32 v18, $5.000000000e-01;
	v18 =	vld [tilespmem:s24+$0xFFFFFF00];
	v19 =	vsel vm7, $0x3F800000, v16  }
0x73: {  	v23 =	vsel vm8, $0x3F800000, v16;
	v20 =	vsub.f32 $1.000000000e+00, v19;
	[tilespmem:s23+$0x160] =	vst v19  }
0x74: {  	vm9 =	vge.f32 v21, $5.000000000e-01;
	v19 =	vsub.f32 $1.000000000e+00, v23;
	[tilespmem:s23+$0x50] =	vst v23  }
0x75: {  	vm10 =	vge.f32 v22, $5.000000000e-01;
	[tilespmem:s23+$0x1E0] =	vst v20;
	v20 =	vsel vm9, $0x3F800000, v16  }
0x76: {  	s25 =	simm.s32 $0x8700;
	[tilespmem:s23+$0xD0] =	vst v19;
	v19 =	vsel vm10, $0x3F800000, v16;
	vm11 =	vge.f32 v17, $5.000000000e-01;
	v17 =	vsub.f32 $1.000000000e+00, v20  }
0x77: {  	v22 =	vld [tilespmem:s26+$0xFFFFFF60];
	vm12 =	vge.f32 v18, $5.000000000e-01;
	v18 =	vsub.f32 $1.000000000e+00, v19;
	[tilespmem:s25+$0x100] =	vst v20  }
0x78: {  	v21 =	vld [tilespmem:s26+$0xF0];
	[tilespmem:s25+$0x180] =	vst v17  }
0x79: {  	v20 =	vsel vm12, $0x3F800000, v16;
	[tilespmem:s25+$0xFFFFFF80] =	vst v18;
	v18 =	vld [tilespmem:s24+$0x90]  }
0x7a: {  	[tilespmem:s25+$0xFFFFFF00] =	vst v19;
	v17 =	vsub.f32 $1.000000000e+00, v20  }
0x7b: {  	v23 =	vsel vm11, $0x3F800000, v16;
	[tilespmem:s25+$0xFFFFFE00] =	vst v20  }
0x7c: {  	vm14 =	vge.f32 v22, $5.000000000e-01;
	v24 =	vsub.f32 $1.000000000e+00, v23;
	[tilespmem:s25+$0xFFFFFE80] =	vst v17  }
0x7d: {  	[tilespmem:s25+$0x0] =	vst v23;
	vm13 =	vge.f32 v21, $5.000000000e-01;
	v21 =	vsel vm14, $0x3F800000, v16;
	v22 =	vld [tilespmem:s24+$0xFFFFFF10]  }
0x7e: {  	[tilespmem:s25+$0x80] =	vst v24;
	v50 =	vld [tilespmem:s24+$0xFFFFFF90];
	v19 =	vsub.f32 $1.000000000e+00, v21;
	vm15 =	vge.f32 v18, $5.000000000e-01  }
0x7f: {  	[tilespmem:s23+$0xFFFFFE60] =	vst v21;
	v18 =	vsel vm15, $0x3F800000, v16  }
0x80: {  	v23 =	vld [tilespmem:s24+$0x10];
	v17 =	vsel vm13, $0x3F800000, v16;
	[tilespmem:s23+$0xFFFFFEE0] =	vst v19;
	v51 =	vsub.f32 $1.000000000e+00, v18  }
0x81: {  	v20 =	vsub.f32 $1.000000000e+00, v17;
	[tilespmem:s25+$0x110] =	vst v18  }
0x82: {  	v25 =	vld [tilespmem:s26+$0xFFFFFFE0];
	vm5 =	vge.f32 v22, $5.000000000e-01;
	[tilespmem:s25+$0x190] =	vst v51  }
0x83: {  	vm6 =	vge.f32 v50, $5.000000000e-01;
	[tilespmem:s23+$0x1F0] =	vst v20;
	v18 =	vsel vm5, $0x3F800000, v16;
	v22 =	vld [tilespmem:s24+$0xA0]  }
0x84: {  	v24 =	vsel vm6, $0x3F800000, v16;
	[tilespmem:s25+$0xFFFFFE10] =	vst v18;
	v18 =	vsub.f32 $1.000000000e+00, v18  }
0x85: {  	vm7 =	vge.f32 v23, $5.000000000e-01;
	[tilespmem:s25+$0xFFFFFF10] =	vst v24;
	v24 =	vsub.f32 $1.000000000e+00, v24  }
0x86: {  	[tilespmem:s25+$0xFFFFFE90] =	vst v18;
	v18 =	vsel vm7, $0x3F800000, v16  }
0x87: {  	[tilespmem:s25+$0xFFFFFF90] =	vst v24;
	v23 =	vld [tilespmem:s24+$0xFFFFFF20];
	v52 =	vsub.f32 $1.000000000e+00, v18  }
0x88: {  	vm4 =	vge.f32 v25, $5.000000000e-01;
	v54 =	vld [tilespmem:s24+$0xFFFFFFA0];
	[tilespmem:s25+$0x10] =	vst v18;
	vm9 =	vge.f32 v22, $5.000000000e-01  }
0x89: {  	v20 =	vsel vm4, $0x3F800000, v16;
	[tilespmem:s25+$0x90] =	vst v52;
	v18 =	vsel vm9, $0x3F800000, v16  }
0x8a: {  	[tilespmem:s23+$0xFFFFFF60] =	vst v20;
	v22 =	vld [tilespmem:s24+$0x20];
	v55 =	vsub.f32 $1.000000000e+00, v18  }
0x8b: {  	v26 =	vsub.f32 $1.000000000e+00, v20;
	[tilespmem:s25+$0x120] =	vst v18  }
0x8c: {  	v19 =	vld [tilespmem:s26+$0x60];
	vm10 =	vge.f32 v23, $5.000000000e-01;
	[tilespmem:s25+$0x1A0] =	vst v55  }
0x8d: {  	[tilespmem:s23+$0xFFFFFFE0] =	vst v26;
	vm11 =	vge.f32 v54, $5.000000000e-01;
	v18 =	vsel vm10, $0x3F800000, v16;
	v23 =	vld [tilespmem:s24+$0xB0]  }
0x8e: {  	v21 =	vsel vm11, $0x3F800000, v16;
	[tilespmem:s25+$0xFFFFFE20] =	vst v18;
	v18 =	vsub.f32 $1.000000000e+00, v18  }
0x8f: {  	[tilespmem:s25+$0xFFFFFF20] =	vst v21;
	v21 =	vsub.f32 $1.000000000e+00, v21;
	vm12 =	vge.f32 v22, $5.000000000e-01  }
0x90: {  	[tilespmem:s25+$0xFFFFFEA0] =	vst v18;
	v18 =	vsel vm12, $0x3F800000, v16  }
0x91: {  	[tilespmem:s25+$0xFFFFFFA0] =	vst v21;
	v22 =	vld [tilespmem:s24+$0xFFFFFF30];
	v21 =	vsub.f32 $1.000000000e+00, v18  }
0x92: {  	vm8 =	vge.f32 v19, $5.000000000e-01;
	v56 =	vld [tilespmem:s24+$0xFFFFFFB0];
	[tilespmem:s25+$0x20] =	vst v18;
	vm13 =	vge.f32 v23, $5.000000000e-01  }
0x93: {  	v19 =	vsel vm8, $0x3F800000, v16;
	[tilespmem:s25+$0xA0] =	vst v21;
	v18 =	vsel vm13, $0x3F800000, v16  }
0x94: {  	[tilespmem:s23+$0x60] =	vst v19;
	v21 =	vld [tilespmem:s24+$0x30];
	v23 =	vsub.f32 $1.000000000e+00, v18  }
0x95: {  	v53 =	vsub.f32 $1.000000000e+00, v19;
	[tilespmem:s25+$0x130] =	vst v18  }
0x96: {  	v20 =	vld [tilespmem:s26+$0xFFFFFF70];
	vm14 =	vge.f32 v22, $5.000000000e-01;
	[tilespmem:s25+$0x1B0] =	vst v23  }
0x97: {  	[tilespmem:s23+$0xE0] =	vst v53;
	vm15 =	vge.f32 v56, $5.000000000e-01;
	v18 =	vsel vm14, $0x3F800000, v16;
	v22 =	vld [tilespmem:s24+$0xC0]  }
0x98: {  	v19 =	vld [tilespmem:s26+$0xFFFFFFF0];
	[tilespmem:s25+$0xFFFFFE30] =	vst v18;
	v18 =	vsub.f32 $1.000000000e+00, v18;
	v23 =	vsel vm15, $0x3F800000, v16  }
0x99: {  	[tilespmem:s25+$0xFFFFFF30] =	vst v23;
	v23 =	vsub.f32 $1.000000000e+00, v23;
	vm4 =	vge.f32 v21, $5.000000000e-01  }
0x9a: {  	[tilespmem:s25+$0xFFFFFEB0] =	vst v18;
	v18 =	vsel vm4, $0x3F800000, v16  }
0x9b: {  	v21 =	vld [tilespmem:s24+$0xFFFFFF40];
	[tilespmem:s25+$0xFFFFFFB0] =	vst v23;
	v23 =	vsub.f32 $1.000000000e+00, v18  }
0x9c: {  	vm5 =	vge.f32 v20, $5.000000000e-01;
	[tilespmem:s25+$0x30] =	vst v18;
	v58 =	vld [tilespmem:s24+$0xFFFFFFC0];
	vm6 =	vge.f32 v22, $5.000000000e-01  }
0x9d: {  	v20 =	vsel vm5, $0x3F800000, v16;
	vm7 =	vge.f32 v19, $5.000000000e-01;
	[tilespmem:s25+$0xB0] =	vst v23;
	v19 =	vsel vm6, $0x3F800000, v16  }
0x9e: {  	[tilespmem:s23+$0xFFFFFE70] =	vst v20;
	v22 =	vld [tilespmem:s24+$0x40];
	v23 =	vsub.f32 $1.000000000e+00, v19  }
0x9f: {  	v57 =	vsub.f32 $1.000000000e+00, v20;
	[tilespmem:s25+$0x140] =	vst v19  }
0xa0: {  	vm8 =	vge.f32 v21, $5.000000000e-01;
	[tilespmem:s25+$0x1C0] =	vst v23  }
0xa1: {  	[tilespmem:s23+$0xFFFFFEF0] =	vst v57;
	v19 =	vsel vm8, $0x3F800000, v16;
	vm9 =	vge.f32 v58, $5.000000000e-01;
	v21 =	vld [tilespmem:s24+$0xD0]  }
0xa2: {  	v59 =	vld [tilespmem:s26+$0x70];
	[tilespmem:s25+$0xFFFFFE40] =	vst v19;
	v19 =	vsub.f32 $1.000000000e+00, v19;
	v23 =	vsel vm9, $0x3F800000, v16  }
0xa3: {  	[tilespmem:s25+$0xFFFFFF40] =	vst v23;
	v23 =	vsub.f32 $1.000000000e+00, v23;
	vm10 =	vge.f32 v22, $5.000000000e-01  }
0xa4: {  	[tilespmem:s25+$0xFFFFFEC0] =	vst v19;
	v22 =	vsel vm10, $0x3F800000, v16  }
0xa5: {  	v18 =	vsel vm7, $0x3F800000, v16;
	v61 =	vld [tilespmem:s24+$0xFFFFFF50];
	[tilespmem:s25+$0xFFFFFFC0] =	vst v23;
	v23 =	vsub.f32 $1.000000000e+00, v22  }
0xa6: {  	v60 =	vsub.f32 $1.000000000e+00, v18;
	[tilespmem:s25+$0x40] =	vst v22;
	v63 =	vld [tilespmem:s24+$0xFFFFFFD0];
	vm12 =	vge.f32 v21, $5.000000000e-01  }
0xa7: {  	vm11 =	vge.f32 v59, $5.000000000e-01;
	[tilespmem:s25+$0xC0] =	vst v23;
	v21 =	vsel vm12, $0x3F800000, v16  }
0xa8: {  	[tilespmem:s23+$0xFFFFFFF0] =	vst v60;
	v19 =	vsel vm11, $0x3F800000, v16;
	v22 =	vld [tilespmem:s24+$0x50];
	v23 =	vsub.f32 $1.000000000e+00, v21  }
0xa9: {  	v62 =	vsub.f32 $1.000000000e+00, v19;
	[tilespmem:s25+$0x150] =	vst v21  }
0xaa: {  	vm13 =	vge.f32 v61, $5.000000000e-01;
	[tilespmem:s25+$0x1D0] =	vst v23  }
0xab: {  	[tilespmem:s23+$0xF0] =	vst v62;
	v21 =	vsel vm13, $0x3F800000, v16;
	vm14 =	vge.f32 v63, $5.000000000e-01;
	v20 =	vld [tilespmem:s24+$0xE0]  }
0xac: {  	[tilespmem:s25+$0xFFFFFE50] =	vst v21;
	v21 =	vsub.f32 $1.000000000e+00, v21;
	v23 =	vsel vm14, $0x3F800000, v16  }
0xad: {  	[tilespmem:s25+$0xFFFFFF50] =	vst v23;
	vm15 =	vge.f32 v22, $5.000000000e-01;
	v22 =	vsub.f32 $1.000000000e+00, v23  }
0xae: {  	s28 =	simm.s32 $0x600;
	s26 =	simm.s32 $0x4;
	[tilespmem:s25+$0xFFFFFED0] =	vst v21;
	v21 =	vsel vm15, $0x3F800000, v16  }
.LBB2_2:
0xaf: {  	v23 =	vld [tilespmem:s28+$0x80];
	s26 =	sadd.s32 $0x4, s26;
	[tilespmem:s25+$0xFFFFFFD0] =	vst v22;
	v22 =	vsub.f32 $1.000000000e+00, v21  }
0xb0: {  	v24 =	vld [tilespmem:s28+$0xFFFFFF80];
	p0 =	slt.u32 s26, $0x3C;
	[tilespmem:s25+$0x50] =	vst v21;
	vm0 =	vge.f32 v20, $5.000000000e-01  }
0xb1: {  	v20 =	vld [tilespmem:s28+$0x0];
	[tilespmem:s25+$0xD0] =	vst v22;
	v21 =	vsel vm0, $0x3F800000, v16  }
0xb2: {  	v22 =	vld [tilespmem:s28+$0xFFFFFF00];
	v25 =	vsub.f32 $1.000000000e+00, v21;
	[tilespmem:s23+$0xFFFFFF70] =	vst v18  }
0xb3: {  	v18 =	vld [tilespmem:s24+$0xFFFFFF60];
	[tilespmem:s25+$0x160] =	vst v21  }
0xb4: {  	vm0 =	vge.f32 v23, $5.000000000e-01;
	v21 =	vld [tilespmem:s24+$0xFFFFFFE0];
	[tilespmem:s25+$0x1E0] =	vst v25  }
0xb5: {  	vm1 =	vge.f32 v24, $5.000000000e-01;
	v23 =	vsel vm0, $0x3F800000, v16;
	v24 =	vld [tilespmem:s24+$0xF0];
	[tilespmem:s23+$0x70] =	vst v19  }
0xb6: {  	v19 =	vsel vm1, $0x3F800000, v16;
	vm0 =	vge.f32 v20, $5.000000000e-01;
	v20 =	vsub.f32 $1.000000000e+00, v23;
	v25 =	vld [tilespmem:s24+$0x60];
	[tilespmem:s23+$0x170] =	vst v17;
	s23 =	smov.u32 s25;
	s25 =	sadd.s32 $0x400, s25  }
0xb7: {  	vm1 =	vge.f32 v22, $5.000000000e-01;
	v17 =	vsub.f32 $1.000000000e+00, v19;
	v22 =	vsel vm0, $0x3F800000, v16;
	[tilespmem:s25+$0x100] =	vst v23  }
0xb8: {  	v23 =	vsel vm1, $0x3F800000, v16;
	v26 =	vsub.f32 $1.000000000e+00, v22;
	[tilespmem:s25+$0x180] =	vst v20;
	vm0 =	vge.f32 v18, $5.000000000e-01  }
0xb9: {  	v18 =	vsub.f32 $1.000000000e+00, v23;
	[tilespmem:s25+$0xFFFFFF80] =	vst v17;
	v20 =	vld [tilespmem:s28+$0x90];
	v27 =	vsel vm0, $0x3F800000, v16;
	vm0 =	vge.f32 v21, $5.000000000e-01  }
0xba: {  	[tilespmem:s25+$0x80] =	vst v26;
	v21 =	vsub.f32 $1.000000000e+00, v27;
	v26 =	vsel vm0, $0x3F800000, v16;
	vm0 =	vge.f32 v24, $5.000000000e-01  }
0xbb: {  	[tilespmem:s25+$0xFFFFFE80] =	vst v18;
	v18 =	vsub.f32 $1.000000000e+00, v26;
	vm1 =	vge.f32 v25, $5.000000000e-01;
	v17 =	vsel vm0, $0x3F800000, v16  }
0xbc: {  	[tilespmem:s25+$0xFFFFFE00] =	vst v23;
	v23 =	vsel vm1, $0x3F800000, v16;
	v24 =	vsub.f32 $1.000000000e+00, v17  }
0xbd: {  	v25 =	vld [tilespmem:s28+$0xFFFFFF10];
	[tilespmem:s25+$0xFFFFFF00] =	vst v19;
	v19 =	vsub.f32 $1.000000000e+00, v23  }
0xbe: {  	v28 =	vld [tilespmem:s28+$0xFFFFFF90];
	vm0 =	vge.f32 v20, $5.000000000e-01;
	[tilespmem:s23+$0x1F0] =	vst v24  }
0xbf: {  	[tilespmem:s25+$0x0] =	vst v22;
	v20 =	vsel vm0, $0x3F800000, v16  }
0xc0: {  	v22 =	vld [tilespmem:s28+$0x10];
	v24 =	vsub.f32 $1.000000000e+00, v20;
	[tilespmem:s23+$0xFFFFFEE0] =	vst v21  }
0xc1: {  	[tilespmem:s25+$0x110] =	vst v20  }
0xc2: {  	vm0 =	vge.f32 v25, $5.000000000e-01;
	[tilespmem:s25+$0x190] =	vst v24  }
0xc3: {  	v20 =	vsel vm0, $0x3F800000, v16;
	vm0 =	vge.f32 v28, $5.000000000e-01;
	v21 =	vld [tilespmem:s28+$0xA0];
	[tilespmem:s23+$0xFFFFFFE0] =	vst v18  }
0xc4: {  	[tilespmem:s25+$0xFFFFFE10] =	vst v20;
	v18 =	vsub.f32 $1.000000000e+00, v20;
	v20 =	vsel vm0, $0x3F800000, v16  }
0xc5: {  	[tilespmem:s25+$0xFFFFFF10] =	vst v20;
	v20 =	vsub.f32 $1.000000000e+00, v20;
	vm0 =	vge.f32 v22, $5.000000000e-01  }
0xc6: {  	[tilespmem:s25+$0xFFFFFE90] =	vst v18;
	v18 =	vsel vm0, $0x3F800000, v16  }
0xc7: {  	v22 =	vld [tilespmem:s28+$0xFFFFFF20];
	[tilespmem:s25+$0xFFFFFF90] =	vst v20;
	v20 =	vsub.f32 $1.000000000e+00, v18  }
0xc8: {  	v24 =	vld [tilespmem:s28+$0xFFFFFFA0];
	[tilespmem:s25+$0x10] =	vst v18;
	vm0 =	vge.f32 v21, $5.000000000e-01  }
0xc9: {  	[tilespmem:s25+$0x90] =	vst v20;
	v18 =	vsel vm0, $0x3F800000, v16  }
0xca: {  	v20 =	vld [tilespmem:s28+$0x20];
	v21 =	vsub.f32 $1.000000000e+00, v18;
	[tilespmem:s23+$0xE0] =	vst v19  }
0xcb: {  	[tilespmem:s25+$0x120] =	vst v18  }
0xcc: {  	vm0 =	vge.f32 v22, $5.000000000e-01;
	[tilespmem:s25+$0x1A0] =	vst v21  }
0xcd: {  	v18 =	vsel vm0, $0x3F800000, v16;
	vm0 =	vge.f32 v24, $5.000000000e-01;
	v19 =	vld [tilespmem:s28+$0xB0];
	[tilespmem:s23+$0xFFFFFE60] =	vst v27  }
0xce: {  	[tilespmem:s25+$0xFFFFFE20] =	vst v18;
	v18 =	vsub.f32 $1.000000000e+00, v18;
	v21 =	vsel vm0, $0x3F800000, v16;
	v22 =	vld [tilespmem:s24+$0xFFFFFF70]  }
0xcf: {  	[tilespmem:s25+$0xFFFFFF20] =	vst v21;
	v21 =	vsub.f32 $1.000000000e+00, v21;
	vm0 =	vge.f32 v20, $5.000000000e-01  }
0xd0: {  	[tilespmem:s25+$0xFFFFFEA0] =	vst v18;
	v18 =	vsel vm0, $0x3F800000, v16  }
0xd1: {  	v20 =	vld [tilespmem:s28+$0xFFFFFF30];
	[tilespmem:s25+$0xFFFFFFA0] =	vst v21;
	v21 =	vsub.f32 $1.000000000e+00, v18  }
0xd2: {  	v24 =	vld [tilespmem:s28+$0xFFFFFFB0];
	[tilespmem:s25+$0x20] =	vst v18;
	vm0 =	vge.f32 v19, $5.000000000e-01  }
0xd3: {  	[tilespmem:s25+$0xA0] =	vst v21;
	v18 =	vsel vm0, $0x3F800000, v16;
	vm0 =	vge.f32 v22, $5.000000000e-01  }
0xd4: {  	v19 =	vld [tilespmem:s28+$0x30];
	v21 =	vsub.f32 $1.000000000e+00, v18;
	v22 =	vsel vm0, $0x3F800000, v16;
	[tilespmem:s23+$0xFFFFFF60] =	vst v26  }
0xd5: {  	[tilespmem:s25+$0x130] =	vst v18;
	v25 =	vsub.f32 $1.000000000e+00, v22;
	v18 =	vld [tilespmem:s24+$0xFFFFFFF0]  }
0xd6: {  	vm0 =	vge.f32 v20, $5.000000000e-01;
	[tilespmem:s25+$0x1B0] =	vst v21  }
0xd7: {  	v20 =	vsel vm0, $0x3F800000, v16;
	vm0 =	vge.f32 v24, $5.000000000e-01;
	v21 =	vld [tilespmem:s28+$0xC0];
	[tilespmem:s23+$0x60] =	vst v23  }
0xd8: {  	[tilespmem:s25+$0xFFFFFE30] =	vst v20;
	v20 =	vsub.f32 $1.000000000e+00, v20;
	v23 =	vsel vm0, $0x3F800000, v16;
	v24 =	vld [tilespmem:s24+$0x70];
	s24 =	smov.u32 s28  }
0xd9: {  	[tilespmem:s25+$0xFFFFFF30] =	vst v23;
	v23 =	vsub.f32 $1.000000000e+00, v23;
	vm0 =	vge.f32 v19, $5.000000000e-01  }
0xda: {  	[tilespmem:s25+$0xFFFFFEB0] =	vst v20;
	v19 =	vsel vm0, $0x3F800000, v16;
	vm0 =	vge.f32 v18, $5.000000000e-01  }
0xdb: {  	v20 =	vld [tilespmem:s28+$0xFFFFFF40];
	[tilespmem:s25+$0xFFFFFFB0] =	vst v23;
	v23 =	vsub.f32 $1.000000000e+00, v19;
	v18 =	vsel vm0, $0x3F800000, v16  }
0xdc: {  	v26 =	vld [tilespmem:s28+$0xFFFFFFC0];
	[tilespmem:s25+$0x30] =	vst v19;
	vm0 =	vge.f32 v21, $5.000000000e-01;
	v21 =	vsub.f32 $1.000000000e+00, v18  }
0xdd: {  	[tilespmem:s25+$0xB0] =	vst v23;
	v23 =	vsel vm0, $0x3F800000, v16;
	vm0 =	vge.f32 v24, $5.000000000e-01  }
0xde: {  	v24 =	vld [tilespmem:s28+$0x40];
	v27 =	vsub.f32 $1.000000000e+00, v23;
	[tilespmem:s23+$0xFFFFFEF0] =	vst v25;
	v19 =	vsel vm0, $0x3F800000, v16  }
0xdf: {  	[tilespmem:s25+$0x140] =	vst v23;
	v23 =	vsub.f32 $1.000000000e+00, v19  }
0xe0: {  	vm0 =	vge.f32 v20, $5.000000000e-01;
	[tilespmem:s25+$0x1C0] =	vst v27  }
0xe1: {  	v20 =	vsel vm0, $0x3F800000, v16;
	vm0 =	vge.f32 v26, $5.000000000e-01;
	v25 =	vld [tilespmem:s28+$0xD0];
	[tilespmem:s23+$0xFFFFFFF0] =	vst v21  }
0xe2: {  	[tilespmem:s25+$0xFFFFFE40] =	vst v20;
	v20 =	vsub.f32 $1.000000000e+00, v20;
	v21 =	vsel vm0, $0x3F800000, v16  }
0xe3: {  	[tilespmem:s25+$0xFFFFFF40] =	vst v21;
	v21 =	vsub.f32 $1.000000000e+00, v21;
	vm0 =	vge.f32 v24, $5.000000000e-01  }
0xe4: {  	[tilespmem:s25+$0xFFFFFEC0] =	vst v20;
	v20 =	vsel vm0, $0x3F800000, v16  }
0xe5: {  	v24 =	vld [tilespmem:s28+$0xFFFFFF50];
	[tilespmem:s25+$0xFFFFFFC0] =	vst v21;
	v21 =	vsub.f32 $1.000000000e+00, v20  }
0xe6: {  	v26 =	vld [tilespmem:s28+$0xFFFFFFD0];
	[tilespmem:s25+$0x40] =	vst v20;
	vm0 =	vge.f32 v25, $5.000000000e-01  }
0xe7: {  	[tilespmem:s25+$0xC0] =	vst v21;
	v20 =	vsel vm0, $0x3F800000, v16  }
0xe8: {  	v21 =	vld [tilespmem:s28+$0x50];
	v25 =	vsub.f32 $1.000000000e+00, v20;
	[tilespmem:s23+$0xF0] =	vst v23  }
0xe9: {  	[tilespmem:s25+$0x150] =	vst v20  }
.Ltmp0:
0xea: {  	vm0 =	vge.f32 v24, $5.000000000e-01;
	[tilespmem:s25+$0x1D0] =	vst v25;
	(pc) =	sbr.rel @p0 .LBB2_2-.Ltmp0, $4  }
0xeb: {  	v23 =	vsel vm0, $0x3F800000, v16;
	vm0 =	vge.f32 v26, $5.000000000e-01;
	v20 =	vld [tilespmem:s28+$0xE0];
	[tilespmem:s23+$0xFFFFFE70] =	vst v22  }
0xec: {  	[tilespmem:s25+$0xFFFFFE50] =	vst v23;
	v23 =	vsub.f32 $1.000000000e+00, v23;
	v22 =	vsel vm0, $0x3F800000, v16  }
0xed: {  	[tilespmem:s25+$0xFFFFFF50] =	vst v22;
	v22 =	vsub.f32 $1.000000000e+00, v22;
	vm0 =	vge.f32 v21, $5.000000000e-01  }
0xee: {  	s28 =	sadd.s32 $0x200, s28;
	[tilespmem:s25+$0xFFFFFED0] =	vst v23;
	v21 =	vsel vm0, $0x3F800000, v16  }
0xef: {  	[tilespmem:s25+$0xFFFFFFD0] =	vst v22  }
0xf0: {  	v22 =	vsub.f32 $1.000000000e+00, v21;
	[tilespmem:s25+$0x50] =	vst v21;
	v21 =	vld [tilespmem:s24+$0xFFFFFF60];
	_ =	sdelay $0x2  }
0xf1: {  	[tilespmem:s25+$0xD0] =	vst v22;
	v22 =	vld [tilespmem:s24+$0xFFFFFFE0]  }
0xf2: {  	vm0 =	vge.f32 v20, $5.000000000e-01  }
0xf3: {  	v20 =	vsel vm0, $0x3F800000, v16;
	v23 =	vld [tilespmem:s24+$0x60];
	vm14 =	vge.f32 v21, $5.000000000e-01  }
0xf4: {  	[tilespmem:s23+$0xFFFFFF70] =	vst v18;
	v21 =	vsub.f32 $1.000000000e+00, v20;
	v24 =	vsel vm14, $0x3F800000, v16  }
0xf5: {  	[tilespmem:s25+$0x160] =	vst v20;
	v20 =	vsub.f32 $1.000000000e+00, v24  }
0xf6: {  	vm15 =	vge.f32 v22, $5.000000000e-01;
	[tilespmem:s25+$0x1E0] =	vst v21  }
0xf7: {  	v22 =	vsel vm15, $0x3F800000, v16;
	[tilespmem:s25+$0xFFFFFEE0] =	vst v20;
	v20 =	vld [tilespmem:s24+$0xF0]  }
0xf8: {  	[tilespmem:s25+$0xFFFFFE60] =	vst v24;
	vm4 =	vge.f32 v23, $5.000000000e-01;
	v21 =	vsub.f32 $1.000000000e+00, v22  }
0xf9: {  	v23 =	vsel vm4, $0x3F800000, v16;
	[tilespmem:s25+$0xFFFFFF60] =	vst v22  }
0xfa: {  	v25 =	vsub.f32 $1.000000000e+00, v23;
	[tilespmem:s25+$0xFFFFFFE0] =	vst v21;
	v21 =	vld [tilespmem:s24+$0xFFFFFF70]  }
0xfb: {  	[tilespmem:s25+$0x60] =	vst v23;
	v22 =	vld [tilespmem:s24+$0xFFFFFFF0]  }
0xfc: {  	[tilespmem:s25+$0xE0] =	vst v25;
	vm5 =	vge.f32 v20, $5.000000000e-01  }
0xfd: {  	[tilespmem:s23+$0x70] =	vst v19;
	v23 =	vld [tilespmem:s24+$0x70];
	v18 =	vsel vm5, $0x3F800000, v16  }
0xfe: {  	[tilespmem:s23+$0x170] =	vst v17;
	v19 =	vsub.f32 $1.000000000e+00, v18  }
0xff: {  	vm6 =	vge.f32 v21, $5.000000000e-01;
	[tilespmem:s25+$0x170] =	vst v18  }
0x100: {  	v20 =	vsel vm6, $0x3F800000, v16;
	vm7 =	vge.f32 v22, $5.000000000e-01;
	[tilespmem:s25+$0x1F0] =	vst v19  }
0x101: {  	v17 =	vsub.f32 $1.000000000e+00, v20;
	v21 =	vsel vm7, $0x3F800000, v16;
	[tilespmem:s25+$0xFFFFFE70] =	vst v20  }
0x102: {  	vm8 =	vge.f32 v23, $5.000000000e-01;
	[tilespmem:s25+$0xFFFFFF70] =	vst v21  }
0x103: {  	v19 =	vsub.f32 $1.000000000e+00, v21;
	v22 =	vsel vm8, $0x3F800000, v16;
	[tilespmem:s25+$0xFFFFFEF0] =	vst v17  }
0x104: {  	v17 =	vsub.f32 $1.000000000e+00, v22;
	[tilespmem:s25+$0x70] =	vst v22  }
0x105: {  	[tilespmem:s25+$0xFFFFFFF0] =	vst v19  }
0x106: {  	[tilespmem:s25+$0xF0] =	vst v17  }
0x107: {  	[hbm4b:s4+s3] =	stream.linear.scatter [tilespmem:s17], [sflag:$0x2], $0x4000, $0x38;
	[tilespmem:$0x18100] =	vst v63  }
0x108: {  	_ =	swait.ge [sflag:s16], $0x2000  }
0x109: {  	[sflag:s16] =	ssyncset.done $0x0  }
0x10a: {  	s26 =	simm.s32 $0x22F0;
	[sflag:s16] =	ssyncadd.s32 $0xFFFFE000  }
0x10b: {  	v17 =	vld [tilespmem:s26+$0xFFFFFF90];
	_ =	sdelay $0x3  }
0x10c: {  	v18 =	vld [tilespmem:s26+$0xFFFFFE90]  }
0x10d: {  	vm9 =	vge.f32 v17, $5.000000000e-01  }
0x10e: {  	v17 =	vld [tilespmem:s26+$0xFFFFFE10];
	v19 =	vsel vm9, $0x3F800000, v16  }
0x10f: {  	s23 =	simm.s32 $0xC4F0;
	v20 =	vsub.f32 $1.000000000e+00, v19  }
0x110: {  	[tilespmem:s23+$0xFFFFFF10] =	vst v19  }
0x111: {  	vm10 =	vge.f32 v18, $5.000000000e-01;
	v19 =	vld [tilespmem:s26+$0xFFFFFF10];
	[tilespmem:s23+$0xFFFFFF90] =	vst v20  }
0x112: {  	v20 =	vsel vm10, $0x3F800000, v16;
	v18 =	vld [tilespmem:s26+$0xFFFFFFA0]  }
0x113: {  	vm11 =	vge.f32 v17, $5.000000000e-01;
	v17 =	vsub.f32 $1.000000000e+00, v20  }
0x114: {  	[tilespmem:s23+$0xFFFFFD10] =	vst v20;
	v21 =	vsel vm11, $0x3F800000, v16  }
0x115: {  	v22 =	vsub.f32 $1.000000000e+00, v21;
	[tilespmem:s23+$0xFFFFFD90] =	vst v17  }
0x116: {  	vm1 =	vge.f32 v19, $5.000000000e-01;
	[tilespmem:s23+$0xFFFFFC10] =	vst v21  }
0x117: {  	[tilespmem:s23+$0xFFFFFC90] =	vst v22;
	vm12 =	vge.f32 v18, $5.000000000e-01;
	v18 =	vsel vm1, $0x3F800000, v16  }
0x118: {  	v19 =	vld [tilespmem:s26+$0xFFFFFE20];
	v17 =	vsel vm12, $0x3F800000, v16;
	v21 =	vsub.f32 $1.000000000e+00, v18;
	[tilespmem:s23+$0xFFFFFE10] =	vst v18  }
0x119: {  	v22 =	vld [tilespmem:s26+$0xFFFFFEA0];
	v20 =	vsub.f32 $1.000000000e+00, v17;
	[tilespmem:s23+$0xFFFFFF20] =	vst v17  }
0x11a: {  	[tilespmem:s23+$0xFFFFFE90] =	vst v21  }
0x11b: {  	[tilespmem:s23+$0xFFFFFFA0] =	vst v20;
	v18 =	vld [tilespmem:s26+$0xFFFFFF20]  }
0x11c: {  	v17 =	vld [tilespmem:s26+$0xFFFFFFB0]  }
0x11d: {  	vm13 =	vge.f32 v19, $5.000000000e-01  }
0x11e: {  	vm14 =	vge.f32 v22, $5.000000000e-01;
	v19 =	vsel vm13, $0x3F800000, v16  }
0x11f: {  	v20 =	vsel vm14, $0x3F800000, v16;
	[tilespmem:s23+$0xFFFFFC20] =	vst v19;
	v19 =	vsub.f32 $1.000000000e+00, v19  }
0x120: {  	[tilespmem:s23+$0xFFFFFD20] =	vst v20;
	v20 =	vsub.f32 $1.000000000e+00, v20  }
0x121: {  	[tilespmem:s23+$0xFFFFFCA0] =	vst v19;
	vm4 =	vge.f32 v18, $5.000000000e-01;
	vm15 =	vge.f32 v17, $5.000000000e-01  }
0x122: {  	[tilespmem:s23+$0xFFFFFDA0] =	vst v20;
	v18 =	vld [tilespmem:s26+$0xFFFFFE30];
	v20 =	vsel vm4, $0x3F800000, v16;
	v17 =	vsel vm15, $0x3F800000, v16  }
0x123: {  	v21 =	vld [tilespmem:s26+$0xFFFFFEB0];
	[tilespmem:s23+$0xFFFFFE20] =	vst v20;
	v19 =	vsub.f32 $1.000000000e+00, v17  }
0x124: {  	[tilespmem:s23+$0xFFFFFF30] =	vst v17;
	v17 =	vsub.f32 $1.000000000e+00, v20  }
0x125: {  	[tilespmem:s23+$0xFFFFFFB0] =	vst v19  }
0x126: {  	[tilespmem:s23+$0xFFFFFEA0] =	vst v17;
	v19 =	vld [tilespmem:s26+$0xFFFFFFC0]  }
0x127: {  	v17 =	vld [tilespmem:s26+$0xFFFFFF30];
	vm5 =	vge.f32 v18, $5.000000000e-01  }
0x128: {  	vm6 =	vge.f32 v21, $5.000000000e-01;
	v18 =	vsel vm5, $0x3F800000, v16  }
0x129: {  	v20 =	vsel vm6, $0x3F800000, v16;
	[tilespmem:s23+$0xFFFFFC30] =	vst v18;
	v18 =	vsub.f32 $1.000000000e+00, v18  }
0x12a: {  	[tilespmem:s23+$0xFFFFFD30] =	vst v20;
	v20 =	vsub.f32 $1.000000000e+00, v20  }
0x12b: {  	[tilespmem:s23+$0xFFFFFCB0] =	vst v18;
	vm7 =	vge.f32 v19, $5.000000000e-01  }
0x12c: {  	[tilespmem:s23+$0xFFFFFDB0] =	vst v20;
	vm8 =	vge.f32 v17, $5.000000000e-01;
	v17 =	vld [tilespmem:s26+$0xFFFFFE40];
	v18 =	vsel vm7, $0x3F800000, v16  }
0x12d: {  	v21 =	vld [tilespmem:s26+$0xFFFFFEC0];
	v20 =	vsel vm8, $0x3F800000, v16;
	v19 =	vsub.f32 $1.000000000e+00, v18;
	[tilespmem:s23+$0xFFFFFF40] =	vst v18  }
0x12e: {  	v18 =	vsub.f32 $1.000000000e+00, v20;
	[tilespmem:s23+$0xFFFFFE30] =	vst v20  }
0x12f: {  	[tilespmem:s23+$0xFFFFFFC0] =	vst v19  }
0x130: {  	[tilespmem:s23+$0xFFFFFEB0] =	vst v18;
	v19 =	vld [tilespmem:s26+$0xFFFFFFD0]  }
0x131: {  	v18 =	vld [tilespmem:s26+$0xFFFFFF40];
	vm9 =	vge.f32 v17, $5.000000000e-01  }
0x132: {  	vm10 =	vge.f32 v21, $5.000000000e-01;
	v17 =	vsel vm9, $0x3F800000, v16  }
0x133: {  	v20 =	vsel vm10, $0x3F800000, v16;
	[tilespmem:s23+$0xFFFFFC40] =	vst v17;
	v17 =	vsub.f32 $1.000000000e+00, v17  }
0x134: {  	[tilespmem:s23+$0xFFFFFD40] =	vst v20;
	v20 =	vsub.f32 $1.000000000e+00, v20  }
0x135: {  	[tilespmem:s23+$0xFFFFFCC0] =	vst v17;
	vm11 =	vge.f32 v19, $5.000000000e-01  }
0x136: {  	[tilespmem:s23+$0xFFFFFDC0] =	vst v20;
	vm12 =	vge.f32 v18, $5.000000000e-01;
	v18 =	vld [tilespmem:s26+$0xFFFFFE50];
	v17 =	vsel vm11, $0x3F800000, v16  }
0x137: {  	v21 =	vld [tilespmem:s26+$0xFFFFFED0];
	v20 =	vsel vm12, $0x3F800000, v16;
	v19 =	vsub.f32 $1.000000000e+00, v17;
	[tilespmem:s23+$0xFFFFFF50] =	vst v17  }
0x138: {  	v17 =	vsub.f32 $1.000000000e+00, v20;
	[tilespmem:s23+$0xFFFFFE40] =	vst v20  }
0x139: {  	[tilespmem:s23+$0xFFFFFFD0] =	vst v19  }
0x13a: {  	[tilespmem:s23+$0xFFFFFEC0] =	vst v17;
	v19 =	vld [tilespmem:s26+$0xFFFFFFE0]  }
0x13b: {  	v17 =	vld [tilespmem:s26+$0xFFFFFF50];
	vm13 =	vge.f32 v18, $5.000000000e-01  }
0x13c: {  	vm14 =	vge.f32 v21, $5.000000000e-01;
	v18 =	vsel vm13, $0x3F800000, v16  }
0x13d: {  	v20 =	vsel vm14, $0x3F800000, v16;
	[tilespmem:s23+$0xFFFFFC50] =	vst v18;
	v18 =	vsub.f32 $1.000000000e+00, v18  }
0x13e: {  	[tilespmem:s23+$0xFFFFFD50] =	vst v20;
	v20 =	vsub.f32 $1.000000000e+00, v20  }
0x13f: {  	[tilespmem:s23+$0xFFFFFCD0] =	vst v18;
	vm15 =	vge.f32 v19, $5.000000000e-01  }
0x140: {  	[tilespmem:s23+$0xFFFFFDD0] =	vst v20;
	vm4 =	vge.f32 v17, $5.000000000e-01;
	v17 =	vld [tilespmem:s26+$0xFFFFFE60];
	v18 =	vsel vm15, $0x3F800000, v16  }
0x141: {  	v21 =	vld [tilespmem:s26+$0xFFFFFEE0];
	v20 =	vsel vm4, $0x3F800000, v16;
	v19 =	vsub.f32 $1.000000000e+00, v18;
	[tilespmem:s23+$0xFFFFFF60] =	vst v18  }
0x142: {  	v18 =	vsub.f32 $1.000000000e+00, v20;
	[tilespmem:s23+$0xFFFFFE50] =	vst v20  }
0x143: {  	[tilespmem:s23+$0xFFFFFFE0] =	vst v19  }
0x144: {  	[tilespmem:s23+$0xFFFFFED0] =	vst v18;
	v19 =	vld [tilespmem:s26+$0xFFFFFFF0]  }
0x145: {  	v18 =	vld [tilespmem:s26+$0xFFFFFF60];
	vm5 =	vge.f32 v17, $5.000000000e-01  }
0x146: {  	s24 =	simm.s32 $0x24F0;
	vm6 =	vge.f32 v21, $5.000000000e-01;
	v17 =	vsel vm5, $0x3F800000, v16  }
0x147: {  	v21 =	vld [tilespmem:s24+$0xFFFFFF90];
	v20 =	vsel vm6, $0x3F800000, v16;
	[tilespmem:s23+$0xFFFFFC60] =	vst v17;
	v17 =	vsub.f32 $1.000000000e+00, v17  }
0x148: {  	v22 =	vld [tilespmem:s24+$0xFFFFFE90];
	[tilespmem:s23+$0xFFFFFD60] =	vst v20;
	v20 =	vsub.f32 $1.000000000e+00, v20  }
0x149: {  	[tilespmem:s23+$0xFFFFFCE0] =	vst v17;
	v17 =	vld [tilespmem:s24+$0xFFFFFF10];
	vm7 =	vge.f32 v19, $5.000000000e-01  }
0x14a: {  	[tilespmem:s23+$0xFFFFFDE0] =	vst v20;
	vm8 =	vge.f32 v18, $5.000000000e-01;
	v18 =	vld [tilespmem:s24+$0xFFFFFE10];
	v19 =	vsel vm7, $0x3F800000, v16  }
0x14b: {  	v23 =	vsel vm8, $0x3F800000, v16;
	v20 =	vsub.f32 $1.000000000e+00, v19;
	[tilespmem:s23+$0xFFFFFF70] =	vst v19  }
0x14c: {  	vm9 =	vge.f32 v21, $5.000000000e-01;
	v19 =	vsub.f32 $1.000000000e+00, v23;
	[tilespmem:s23+$0xFFFFFE60] =	vst v23  }
0x14d: {  	vm10 =	vge.f32 v22, $5.000000000e-01;
	[tilespmem:s23+$0xFFFFFFF0] =	vst v20;
	v20 =	vsel vm9, $0x3F800000, v16  }
0x14e: {  	s25 =	simm.s32 $0xC8F0;
	[tilespmem:s23+$0xFFFFFEE0] =	vst v19;
	v19 =	vsel vm10, $0x3F800000, v16;
	vm11 =	vge.f32 v17, $5.000000000e-01;
	v17 =	vsub.f32 $1.000000000e+00, v20  }
0x14f: {  	v22 =	vld [tilespmem:s26+$0xFFFFFE70];
	vm12 =	vge.f32 v18, $5.000000000e-01;
	v18 =	vsub.f32 $1.000000000e+00, v19;
	[tilespmem:s25+$0xFFFFFF10] =	vst v20  }
0x150: {  	v21 =	vld [tilespmem:s26+$0x0];
	[tilespmem:s25+$0xFFFFFF90] =	vst v17  }
0x151: {  	v20 =	vsel vm12, $0x3F800000, v16;
	[tilespmem:s25+$0xFFFFFD90] =	vst v18;
	v18 =	vld [tilespmem:s24+$0xFFFFFFA0]  }
0x152: {  	[tilespmem:s25+$0xFFFFFD10] =	vst v19;
	v17 =	vsub.f32 $1.000000000e+00, v20  }
0x153: {  	v23 =	vsel vm11, $0x3F800000, v16;
	[tilespmem:s25+$0xFFFFFC10] =	vst v20  }
0x154: {  	vm14 =	vge.f32 v22, $5.000000000e-01;
	v48 =	vsub.f32 $1.000000000e+00, v23;
	[tilespmem:s25+$0xFFFFFC90] =	vst v17  }
0x155: {  	[tilespmem:s25+$0xFFFFFE10] =	vst v23;
	vm13 =	vge.f32 v21, $5.000000000e-01;
	v21 =	vsel vm14, $0x3F800000, v16;
	v22 =	vld [tilespmem:s24+$0xFFFFFE20]  }
0x156: {  	[tilespmem:s25+$0xFFFFFE90] =	vst v48;
	v50 =	vld [tilespmem:s24+$0xFFFFFEA0];
	v19 =	vsub.f32 $1.000000000e+00, v21;
	vm15 =	vge.f32 v18, $5.000000000e-01  }
0x157: {  	[tilespmem:s23+$0xFFFFFC70] =	vst v21;
	v18 =	vsel vm15, $0x3F800000, v16  }
0x158: {  	v23 =	vld [tilespmem:s24+$0xFFFFFF20];
	v17 =	vsel vm13, $0x3F800000, v16;
	[tilespmem:s23+$0xFFFFFCF0] =	vst v19;
	v51 =	vsub.f32 $1.000000000e+00, v18  }
0x159: {  	v20 =	vsub.f32 $1.000000000e+00, v17;
	[tilespmem:s25+$0xFFFFFF20] =	vst v18  }
0x15a: {  	v49 =	vld [tilespmem:s26+$0xFFFFFEF0];
	vm5 =	vge.f32 v22, $5.000000000e-01;
	[tilespmem:s25+$0xFFFFFFA0] =	vst v51  }
0x15b: {  	vm6 =	vge.f32 v50, $5.000000000e-01;
	[tilespmem:s23+$0x0] =	vst v20;
	v18 =	vsel vm5, $0x3F800000, v16;
	v22 =	vld [tilespmem:s24+$0xFFFFFFB0]  }
0x15c: {  	v24 =	vsel vm6, $0x3F800000, v16;
	[tilespmem:s25+$0xFFFFFC20] =	vst v18;
	v18 =	vsub.f32 $1.000000000e+00, v18  }
0x15d: {  	vm7 =	vge.f32 v23, $5.000000000e-01;
	[tilespmem:s25+$0xFFFFFD20] =	vst v24;
	v24 =	vsub.f32 $1.000000000e+00, v24  }
0x15e: {  	[tilespmem:s25+$0xFFFFFCA0] =	vst v18;
	v18 =	vsel vm7, $0x3F800000, v16  }
0x15f: {  	[tilespmem:s25+$0xFFFFFDA0] =	vst v24;
	v23 =	vld [tilespmem:s24+$0xFFFFFE30];
	v52 =	vsub.f32 $1.000000000e+00, v18  }
0x160: {  	vm4 =	vge.f32 v49, $5.000000000e-01;
	v54 =	vld [tilespmem:s24+$0xFFFFFEB0];
	[tilespmem:s25+$0xFFFFFE20] =	vst v18;
	vm9 =	vge.f32 v22, $5.000000000e-01  }
0x161: {  	v20 =	vsel vm4, $0x3F800000, v16;
	[tilespmem:s25+$0xFFFFFEA0] =	vst v52;
	v18 =	vsel vm9, $0x3F800000, v16  }
0x162: {  	[tilespmem:s23+$0xFFFFFD70] =	vst v20;
	v22 =	vld [tilespmem:s24+$0xFFFFFF30];
	v55 =	vsub.f32 $1.000000000e+00, v18  }
0x163: {  	v26 =	vsub.f32 $1.000000000e+00, v20;
	[tilespmem:s25+$0xFFFFFF30] =	vst v18  }
0x164: {  	v19 =	vld [tilespmem:s26+$0xFFFFFF70];
	vm10 =	vge.f32 v23, $5.000000000e-01;
	[tilespmem:s25+$0xFFFFFFB0] =	vst v55  }
0x165: {  	[tilespmem:s23+$0xFFFFFDF0] =	vst v26;
	vm11 =	vge.f32 v54, $5.000000000e-01;
	v18 =	vsel vm10, $0x3F800000, v16;
	v23 =	vld [tilespmem:s24+$0xFFFFFFC0]  }
0x166: {  	v21 =	vsel vm11, $0x3F800000, v16;
	[tilespmem:s25+$0xFFFFFC30] =	vst v18;
	v18 =	vsub.f32 $1.000000000e+00, v18  }
0x167: {  	[tilespmem:s25+$0xFFFFFD30] =	vst v21;
	v21 =	vsub.f32 $1.000000000e+00, v21;
	vm12 =	vge.f32 v22, $5.000000000e-01  }
0x168: {  	[tilespmem:s25+$0xFFFFFCB0] =	vst v18;
	v18 =	vsel vm12, $0x3F800000, v16  }
0x169: {  	[tilespmem:s25+$0xFFFFFDB0] =	vst v21;
	v22 =	vld [tilespmem:s24+$0xFFFFFE40];
	v21 =	vsub.f32 $1.000000000e+00, v18  }
0x16a: {  	vm8 =	vge.f32 v19, $5.000000000e-01;
	v56 =	vld [tilespmem:s24+$0xFFFFFEC0];
	[tilespmem:s25+$0xFFFFFE30] =	vst v18;
	vm13 =	vge.f32 v23, $5.000000000e-01  }
0x16b: {  	v19 =	vsel vm8, $0x3F800000, v16;
	[tilespmem:s25+$0xFFFFFEB0] =	vst v21;
	v18 =	vsel vm13, $0x3F800000, v16  }
0x16c: {  	[tilespmem:s23+$0xFFFFFE70] =	vst v19;
	v21 =	vld [tilespmem:s24+$0xFFFFFF40];
	v23 =	vsub.f32 $1.000000000e+00, v18  }
0x16d: {  	v53 =	vsub.f32 $1.000000000e+00, v19;
	[tilespmem:s25+$0xFFFFFF40] =	vst v18  }
0x16e: {  	v20 =	vld [tilespmem:s26+$0xFFFFFE80];
	vm14 =	vge.f32 v22, $5.000000000e-01;
	[tilespmem:s25+$0xFFFFFFC0] =	vst v23  }
0x16f: {  	[tilespmem:s23+$0xFFFFFEF0] =	vst v53;
	vm15 =	vge.f32 v56, $5.000000000e-01;
	v18 =	vsel vm14, $0x3F800000, v16;
	v22 =	vld [tilespmem:s24+$0xFFFFFFD0]  }
0x170: {  	v19 =	vld [tilespmem:s26+$0xFFFFFF00];
	[tilespmem:s25+$0xFFFFFC40] =	vst v18;
	v18 =	vsub.f32 $1.000000000e+00, v18;
	v23 =	vsel vm15, $0x3F800000, v16  }
0x171: {  	[tilespmem:s25+$0xFFFFFD40] =	vst v23;
	v23 =	vsub.f32 $1.000000000e+00, v23;
	vm4 =	vge.f32 v21, $5.000000000e-01  }
0x172: {  	[tilespmem:s25+$0xFFFFFCC0] =	vst v18;
	v18 =	vsel vm4, $0x3F800000, v16  }
0x173: {  	v21 =	vld [tilespmem:s24+$0xFFFFFE50];
	[tilespmem:s25+$0xFFFFFDC0] =	vst v23;
	v23 =	vsub.f32 $1.000000000e+00, v18  }
0x174: {  	vm5 =	vge.f32 v20, $5.000000000e-01;
	[tilespmem:s25+$0xFFFFFE40] =	vst v18;
	v58 =	vld [tilespmem:s24+$0xFFFFFED0];
	vm6 =	vge.f32 v22, $5.000000000e-01  }
0x175: {  	v20 =	vsel vm5, $0x3F800000, v16;
	vm7 =	vge.f32 v19, $5.000000000e-01;
	[tilespmem:s25+$0xFFFFFEC0] =	vst v23;
	v19 =	vsel vm6, $0x3F800000, v16  }
0x176: {  	[tilespmem:s23+$0xFFFFFC80] =	vst v20;
	v22 =	vld [tilespmem:s24+$0xFFFFFF50];
	v23 =	vsub.f32 $1.000000000e+00, v19  }
0x177: {  	v57 =	vsub.f32 $1.000000000e+00, v20;
	[tilespmem:s25+$0xFFFFFF50] =	vst v19  }
0x178: {  	vm8 =	vge.f32 v21, $5.000000000e-01;
	[tilespmem:s25+$0xFFFFFFD0] =	vst v23  }
0x179: {  	[tilespmem:s23+$0xFFFFFD00] =	vst v57;
	v19 =	vsel vm8, $0x3F800000, v16;
	vm9 =	vge.f32 v58, $5.000000000e-01;
	v21 =	vld [tilespmem:s24+$0xFFFFFFE0]  }
0x17a: {  	v59 =	vld [tilespmem:s26+$0xFFFFFF80];
	[tilespmem:s25+$0xFFFFFC50] =	vst v19;
	v19 =	vsub.f32 $1.000000000e+00, v19;
	v23 =	vsel vm9, $0x3F800000, v16  }
0x17b: {  	[tilespmem:s25+$0xFFFFFD50] =	vst v23;
	v23 =	vsub.f32 $1.000000000e+00, v23;
	vm10 =	vge.f32 v22, $5.000000000e-01  }
0x17c: {  	[tilespmem:s25+$0xFFFFFCD0] =	vst v19;
	v22 =	vsel vm10, $0x3F800000, v16  }
0x17d: {  	v18 =	vsel vm7, $0x3F800000, v16;
	v61 =	vld [tilespmem:s24+$0xFFFFFE60];
	[tilespmem:s25+$0xFFFFFDD0] =	vst v23;
	v23 =	vsub.f32 $1.000000000e+00, v22  }
0x17e: {  	v60 =	vsub.f32 $1.000000000e+00, v18;
	[tilespmem:s25+$0xFFFFFE50] =	vst v22;
	v63 =	vld [tilespmem:s24+$0xFFFFFEE0];
	vm12 =	vge.f32 v21, $5.000000000e-01  }
0x17f: {  	vm11 =	vge.f32 v59, $5.000000000e-01;
	[tilespmem:s25+$0xFFFFFED0] =	vst v23;
	v21 =	vsel vm12, $0x3F800000, v16  }
0x180: {  	[tilespmem:s23+$0xFFFFFE00] =	vst v60;
	v19 =	vsel vm11, $0x3F800000, v16;
	v22 =	vld [tilespmem:s24+$0xFFFFFF60];
	v23 =	vsub.f32 $1.000000000e+00, v21  }
0x181: {  	v62 =	vsub.f32 $1.000000000e+00, v19;
	[tilespmem:s25+$0xFFFFFF60] =	vst v21  }
0x182: {  	vm13 =	vge.f32 v61, $5.000000000e-01;
	[tilespmem:s25+$0xFFFFFFE0] =	vst v23  }
0x183: {  	[tilespmem:s23+$0xFFFFFF00] =	vst v62;
	v21 =	vsel vm13, $0x3F800000, v16;
	vm14 =	vge.f32 v63, $5.000000000e-01;
	v20 =	vld [tilespmem:s24+$0xFFFFFFF0]  }
0x184: {  	[tilespmem:s25+$0xFFFFFC60] =	vst v21;
	v21 =	vsub.f32 $1.000000000e+00, v21;
	v23 =	vsel vm14, $0x3F800000, v16  }
0x185: {  	[tilespmem:s25+$0xFFFFFD60] =	vst v23;
	vm15 =	vge.f32 v22, $5.000000000e-01;
	v22 =	vsub.f32 $1.000000000e+00, v23  }
0x186: {  	s28 =	simm.s32 $0x26F0;
	s26 =	simm.s32 $0x44;
	[tilespmem:s25+$0xFFFFFCE0] =	vst v21;
	v21 =	vsel vm15, $0x3F800000, v16  }
.LBB2_4:
0x187: {  	v23 =	vld [tilespmem:s28+$0xFFFFFF90];
	s26 =	sadd.s32 $0x4, s26;
	[tilespmem:s25+$0xFFFFFDE0] =	vst v22;
	v22 =	vsub.f32 $1.000000000e+00, v21  }
0x188: {  	v24 =	vld [tilespmem:s28+$0xFFFFFE90];
	p0 =	slt.u32 s26, $0x7C;
	[tilespmem:s25+$0xFFFFFE60] =	vst v21;
	vm0 =	vge.f32 v20, $5.000000000e-01  }
0x189: {  	v20 =	vld [tilespmem:s28+$0xFFFFFF10];
	[tilespmem:s25+$0xFFFFFEE0] =	vst v22;
	v21 =	vsel vm0, $0x3F800000, v16  }
0x18a: {  	v22 =	vld [tilespmem:s28+$0xFFFFFE10];
	v25 =	vsub.f32 $1.000000000e+00, v21;
	[tilespmem:s23+$0xFFFFFD80] =	vst v18  }
0x18b: {  	v18 =	vld [tilespmem:s24+$0xFFFFFE70];
	[tilespmem:s25+$0xFFFFFF70] =	vst v21  }
0x18c: {  	vm0 =	vge.f32 v23, $5.000000000e-01;
	v21 =	vld [tilespmem:s24+$0xFFFFFEF0];
	[tilespmem:s25+$0xFFFFFFF0] =	vst v25  }
0x18d: {  	vm1 =	vge.f32 v24, $5.000000000e-01;
	v23 =	vsel vm0, $0x3F800000, v16;
	v24 =	vld [tilespmem:s24+$0x0];
	[tilespmem:s23+$0xFFFFFE80] =	vst v19  }
0x18e: {  	v19 =	vsel vm1, $0x3F800000, v16;
	vm0 =	vge.f32 v20, $5.000000000e-01;
	v20 =	vsub.f32 $1.000000000e+00, v23;
	v25 =	vld [tilespmem:s24+$0xFFFFFF70];
	[tilespmem:s23+$0xFFFFFF80] =	vst v17;
	s23 =	smov.u32 s25;
	s25 =	sadd.s32 $0x400, s25  }
0x18f: {  	vm1 =	vge.f32 v22, $5.000000000e-01;
	v17 =	vsub.f32 $1.000000000e+00, v19;
	v22 =	vsel vm0, $0x3F800000, v16;
	[tilespmem:s25+$0xFFFFFF10] =	vst v23  }
0x190: {  	v23 =	vsel vm1, $0x3F800000, v16;
	v26 =	vsub.f32 $1.000000000e+00, v22;
	[tilespmem:s25+$0xFFFFFF90] =	vst v20;
	vm0 =	vge.f32 v18, $5.000000000e-01  }
0x191: {  	v18 =	vsub.f32 $1.000000000e+00, v23;
	[tilespmem:s25+$0xFFFFFD90] =	vst v17;
	v20 =	vld [tilespmem:s28+$0xFFFFFFA0];
	v27 =	vsel vm0, $0x3F800000, v16;
	vm0 =	vge.f32 v21, $5.000000000e-01  }
0x192: {  	[tilespmem:s25+$0xFFFFFE90] =	vst v26;
	v21 =	vsub.f32 $1.000000000e+00, v27;
	v26 =	vsel vm0, $0x3F800000, v16;
	vm0 =	vge.f32 v24, $5.000000000e-01  }
0x193: {  	[tilespmem:s25+$0xFFFFFC90] =	vst v18;
	v18 =	vsub.f32 $1.000000000e+00, v26;
	vm1 =	vge.f32 v25, $5.000000000e-01;
	v17 =	vsel vm0, $0x3F800000, v16  }
0x194: {  	[tilespmem:s25+$0xFFFFFC10] =	vst v23;
	v23 =	vsel vm1, $0x3F800000, v16;
	v24 =	vsub.f32 $1.000000000e+00, v17  }
0x195: {  	v25 =	vld [tilespmem:s28+$0xFFFFFE20];
	[tilespmem:s25+$0xFFFFFD10] =	vst v19;
	v19 =	vsub.f32 $1.000000000e+00, v23  }
0x196: {  	v28 =	vld [tilespmem:s28+$0xFFFFFEA0];
	vm0 =	vge.f32 v20, $5.000000000e-01;
	[tilespmem:s23+$0x0] =	vst v24  }
0x197: {  	[tilespmem:s25+$0xFFFFFE10] =	vst v22;
	v20 =	vsel vm0, $0x3F800000, v16  }
0x198: {  	v22 =	vld [tilespmem:s28+$0xFFFFFF20];
	v24 =	vsub.f32 $1.000000000e+00, v20;
	[tilespmem:s23+$0xFFFFFCF0] =	vst v21  }
0x199: {  	[tilespmem:s25+$0xFFFFFF20] =	vst v20  }
0x19a: {  	vm0 =	vge.f32 v25, $5.000000000e-01;
	[tilespmem:s25+$0xFFFFFFA0] =	vst v24  }
0x19b: {  	v20 =	vsel vm0, $0x3F800000, v16;
	vm0 =	vge.f32 v28, $5.000000000e-01;
	v21 =	vld [tilespmem:s28+$0xFFFFFFB0];
	[tilespmem:s23+$0xFFFFFDF0] =	vst v18  }
0x19c: {  	[tilespmem:s25+$0xFFFFFC20] =	vst v20;
	v18 =	vsub.f32 $1.000000000e+00, v20;
	v20 =	vsel vm0, $0x3F800000, v16  }
0x19d: {  	[tilespmem:s25+$0xFFFFFD20] =	vst v20;
	v20 =	vsub.f32 $1.000000000e+00, v20;
	vm0 =	vge.f32 v22, $5.000000000e-01  }
0x19e: {  	[tilespmem:s25+$0xFFFFFCA0] =	vst v18;
	v18 =	vsel vm0, $0x3F800000, v16  }
0x19f: {  	v22 =	vld [tilespmem:s28+$0xFFFFFE30];
	[tilespmem:s25+$0xFFFFFDA0] =	vst v20;
	v20 =	vsub.f32 $1.000000000e+00, v18  }
0x1a0: {  	v24 =	vld [tilespmem:s28+$0xFFFFFEB0];
	[tilespmem:s25+$0xFFFFFE20] =	vst v18;
	vm0 =	vge.f32 v21, $5.000000000e-01  }
0x1a1: {  	[tilespmem:s25+$0xFFFFFEA0] =	vst v20;
	v18 =	vsel vm0, $0x3F800000, v16  }
0x1a2: {  	v20 =	vld [tilespmem:s28+$0xFFFFFF30];
	v21 =	vsub.f32 $1.000000000e+00, v18;
	[tilespmem:s23+$0xFFFFFEF0] =	vst v19  }
0x1a3: {  	[tilespmem:s25+$0xFFFFFF30] =	vst v18  }
0x1a4: {  	vm0 =	vge.f32 v22, $5.000000000e-01;
	[tilespmem:s25+$0xFFFFFFB0] =	vst v21  }
0x1a5: {  	v18 =	vsel vm0, $0x3F800000, v16;
	vm0 =	vge.f32 v24, $5.000000000e-01;
	v19 =	vld [tilespmem:s28+$0xFFFFFFC0];
	[tilespmem:s23+$0xFFFFFC70] =	vst v27  }
0x1a6: {  	[tilespmem:s25+$0xFFFFFC30] =	vst v18;
	v18 =	vsub.f32 $1.000000000e+00, v18;
	v21 =	vsel vm0, $0x3F800000, v16;
	v22 =	vld [tilespmem:s24+$0xFFFFFE80]  }
0x1a7: {  	[tilespmem:s25+$0xFFFFFD30] =	vst v21;
	v21 =	vsub.f32 $1.000000000e+00, v21;
	vm0 =	vge.f32 v20, $5.000000000e-01  }
0x1a8: {  	[tilespmem:s25+$0xFFFFFCB0] =	vst v18;
	v18 =	vsel vm0, $0x3F800000, v16  }
0x1a9: {  	v20 =	vld [tilespmem:s28+$0xFFFFFE40];
	[tilespmem:s25+$0xFFFFFDB0] =	vst v21;
	v21 =	vsub.f32 $1.000000000e+00, v18  }
0x1aa: {  	v24 =	vld [tilespmem:s28+$0xFFFFFEC0];
	[tilespmem:s25+$0xFFFFFE30] =	vst v18;
	vm0 =	vge.f32 v19, $5.000000000e-01  }
0x1ab: {  	[tilespmem:s25+$0xFFFFFEB0] =	vst v21;
	v18 =	vsel vm0, $0x3F800000, v16;
	vm0 =	vge.f32 v22, $5.000000000e-01  }
0x1ac: {  	v19 =	vld [tilespmem:s28+$0xFFFFFF40];
	v21 =	vsub.f32 $1.000000000e+00, v18;
	v22 =	vsel vm0, $0x3F800000, v16;
	[tilespmem:s23+$0xFFFFFD70] =	vst v26  }
0x1ad: {  	[tilespmem:s25+$0xFFFFFF40] =	vst v18;
	v25 =	vsub.f32 $1.000000000e+00, v22;
	v18 =	vld [tilespmem:s24+$0xFFFFFF00]  }
0x1ae: {  	vm0 =	vge.f32 v20, $5.000000000e-01;
	[tilespmem:s25+$0xFFFFFFC0] =	vst v21  }
0x1af: {  	v20 =	vsel vm0, $0x3F800000, v16;
	vm0 =	vge.f32 v24, $5.000000000e-01;
	v21 =	vld [tilespmem:s28+$0xFFFFFFD0];
	[tilespmem:s23+$0xFFFFFE70] =	vst v23  }
0x1b0: {  	[tilespmem:s25+$0xFFFFFC40] =	vst v20;
	v20 =	vsub.f32 $1.000000000e+00, v20;
	v23 =	vsel vm0, $0x3F800000, v16;
	v24 =	vld [tilespmem:s24+$0xFFFFFF80];
	s24 =	smov.u32 s28  }
0x1b1: {  	[tilespmem:s25+$0xFFFFFD40] =	vst v23;
	v23 =	vsub.f32 $1.000000000e+00, v23;
	vm0 =	vge.f32 v19, $5.000000000e-01  }
0x1b2: {  	[tilespmem:s25+$0xFFFFFCC0] =	vst v20;
	v19 =	vsel vm0, $0x3F800000, v16;
	vm0 =	vge.f32 v18, $5.000000000e-01  }
0x1b3: {  	v20 =	vld [tilespmem:s28+$0xFFFFFE50];
	[tilespmem:s25+$0xFFFFFDC0] =	vst v23;
	v23 =	vsub.f32 $1.000000000e+00, v19;
	v18 =	vsel vm0, $0x3F800000, v16  }
0x1b4: {  	v26 =	vld [tilespmem:s28+$0xFFFFFED0];
	[tilespmem:s25+$0xFFFFFE40] =	vst v19;
	vm0 =	vge.f32 v21, $5.000000000e-01;
	v21 =	vsub.f32 $1.000000000e+00, v18  }
0x1b5: {  	[tilespmem:s25+$0xFFFFFEC0] =	vst v23;
	v23 =	vsel vm0, $0x3F800000, v16;
	vm0 =	vge.f32 v24, $5.000000000e-01  }
0x1b6: {  	v24 =	vld [tilespmem:s28+$0xFFFFFF50];
	v27 =	vsub.f32 $1.000000000e+00, v23;
	[tilespmem:s23+$0xFFFFFD00] =	vst v25;
	v19 =	vsel vm0, $0x3F800000, v16  }
0x1b7: {  	[tilespmem:s25+$0xFFFFFF50] =	vst v23;
	v23 =	vsub.f32 $1.000000000e+00, v19  }
0x1b8: {  	vm0 =	vge.f32 v20, $5.000000000e-01;
	[tilespmem:s25+$0xFFFFFFD0] =	vst v27  }
0x1b9: {  	v20 =	vsel vm0, $0x3F800000, v16;
	vm0 =	vge.f32 v26, $5.000000000e-01;
	v25 =	vld [tilespmem:s28+$0xFFFFFFE0];
	[tilespmem:s23+$0xFFFFFE00] =	vst v21  }
0x1ba: {  	[tilespmem:s25+$0xFFFFFC50] =	vst v20;
	v20 =	vsub.f32 $1.000000000e+00, v20;
	v21 =	vsel vm0, $0x3F800000, v16  }
0x1bb: {  	[tilespmem:s25+$0xFFFFFD50] =	vst v21;
	v21 =	vsub.f32 $1.000000000e+00, v21;
	vm0 =	vge.f32 v24, $5.000000000e-01  }
0x1bc: {  	[tilespmem:s25+$0xFFFFFCD0] =	vst v20;
	v20 =	vsel vm0, $0x3F800000, v16  }
0x1bd: {  	v24 =	vld [tilespmem:s28+$0xFFFFFE60];
	[tilespmem:s25+$0xFFFFFDD0] =	vst v21;
	v21 =	vsub.f32 $1.000000000e+00, v20  }
0x1be: {  	v26 =	vld [tilespmem:s28+$0xFFFFFEE0];
	[tilespmem:s25+$0xFFFFFE50] =	vst v20;
	vm0 =	vge.f32 v25, $5.000000000e-01  }
0x1bf: {  	[tilespmem:s25+$0xFFFFFED0] =	vst v21;
	v20 =	vsel vm0, $0x3F800000, v16  }
0x1c0: {  	v21 =	vld [tilespmem:s28+$0xFFFFFF60];
	v25 =	vsub.f32 $1.000000000e+00, v20;
	[tilespmem:s23+$0xFFFFFF00] =	vst v23  }
0x1c1: {  	[tilespmem:s25+$0xFFFFFF60] =	vst v20  }
.Ltmp1:
0x1c2: {  	vm0 =	vge.f32 v24, $5.000000000e-01;
	[tilespmem:s25+$0xFFFFFFE0] =	vst v25;
	(pc) =	sbr.rel @p0 .LBB2_4-.Ltmp1, $4  }
0x1c3: {  	v23 =	vsel vm0, $0x3F800000, v16;
	vm0 =	vge.f32 v26, $5.000000000e-01;
	v20 =	vld [tilespmem:s28+$0xFFFFFFF0];
	[tilespmem:s23+$0xFFFFFC80] =	vst v22  }
0x1c4: {  	[tilespmem:s25+$0xFFFFFC60] =	vst v23;
	v23 =	vsub.f32 $1.000000000e+00, v23;
	v22 =	vsel vm0, $0x3F800000, v16  }
0x1c5: {  	[tilespmem:s25+$0xFFFFFD60] =	vst v22;
	v22 =	vsub.f32 $1.000000000e+00, v22;
	vm0 =	vge.f32 v21, $5.000000000e-01  }
0x1c6: {  	s28 =	sadd.s32 $0x200, s28;
	[tilespmem:s25+$0xFFFFFCE0] =	vst v23;
	v21 =	vsel vm0, $0x3F800000, v16  }
0x1c7: {  	[tilespmem:s25+$0xFFFFFDE0] =	vst v22  }
0x1c8: {  	v22 =	vsub.f32 $1.000000000e+00, v21;
	[tilespmem:s25+$0xFFFFFE60] =	vst v21;
	v21 =	vld [tilespmem:s24+$0xFFFFFE70];
	_ =	sdelay $0x2  }
0x1c9: {  	[tilespmem:s25+$0xFFFFFEE0] =	vst v22;
	v22 =	vld [tilespmem:s24+$0xFFFFFEF0]  }
0x1ca: {  	vm0 =	vge.f32 v20, $5.000000000e-01  }
0x1cb: {  	v20 =	vsel vm0, $0x3F800000, v16;
	v23 =	vld [tilespmem:s24+$0xFFFFFF70];
	vm14 =	vge.f32 v21, $5.000000000e-01  }
0x1cc: {  	[tilespmem:s23+$0xFFFFFD80] =	vst v18;
	v21 =	vsub.f32 $1.000000000e+00, v20;
	v24 =	vsel vm14, $0x3F800000, v16  }
0x1cd: {  	[tilespmem:s25+$0xFFFFFF70] =	vst v20;
	v20 =	vsub.f32 $1.000000000e+00, v24  }
0x1ce: {  	vm15 =	vge.f32 v22, $5.000000000e-01;
	[tilespmem:s25+$0xFFFFFFF0] =	vst v21  }
0x1cf: {  	v22 =	vsel vm15, $0x3F800000, v16;
	[tilespmem:s25+$0xFFFFFCF0] =	vst v20;
	v20 =	vld [tilespmem:s24+$0x0]  }
0x1d0: {  	[tilespmem:s25+$0xFFFFFC70] =	vst v24;
	vm4 =	vge.f32 v23, $5.000000000e-01;
	v21 =	vsub.f32 $1.000000000e+00, v22  }
0x1d1: {  	v23 =	vsel vm4, $0x3F800000, v16;
	[tilespmem:s25+$0xFFFFFD70] =	vst v22  }
0x1d2: {  	v25 =	vsub.f32 $1.000000000e+00, v23;
	[tilespmem:s25+$0xFFFFFDF0] =	vst v21;
	v21 =	vld [tilespmem:s24+$0xFFFFFE80]  }
0x1d3: {  	[tilespmem:s25+$0xFFFFFE70] =	vst v23;
	v22 =	vld [tilespmem:s24+$0xFFFFFF00]  }
0x1d4: {  	[tilespmem:s25+$0xFFFFFEF0] =	vst v25;
	vm5 =	vge.f32 v20, $5.000000000e-01  }
0x1d5: {  	[tilespmem:s23+$0xFFFFFE80] =	vst v19;
	v23 =	vld [tilespmem:s24+$0xFFFFFF80];
	v18 =	vsel vm5, $0x3F800000, v16  }
0x1d6: {  	[tilespmem:s23+$0xFFFFFF80] =	vst v17;
	v19 =	vsub.f32 $1.000000000e+00, v18  }
0x1d7: {  	vm6 =	vge.f32 v21, $5.000000000e-01;
	[tilespmem:s25+$0xFFFFFF80] =	vst v18  }
0x1d8: {  	v20 =	vsel vm6, $0x3F800000, v16;
	vm7 =	vge.f32 v22, $5.000000000e-01;
	[tilespmem:s25+$0x0] =	vst v19  }
0x1d9: {  	v17 =	vsub.f32 $1.000000000e+00, v20;
	v21 =	vsel vm7, $0x3F800000, v16;
	[tilespmem:s25+$0xFFFFFC80] =	vst v20  }
0x1da: {  	vm8 =	vge.f32 v23, $5.000000000e-01;
	[tilespmem:s25+$0xFFFFFD80] =	vst v21  }
0x1db: {  	v19 =	vsub.f32 $1.000000000e+00, v21;
	v22 =	vsel vm8, $0x3F800000, v16;
	[tilespmem:s25+$0xFFFFFD00] =	vst v17  }
0x1dc: {  	v17 =	vsub.f32 $1.000000000e+00, v22;
	[tilespmem:s25+$0xFFFFFE80] =	vst v22  }
0x1dd: {  	[tilespmem:s25+$0xFFFFFE00] =	vst v19  }
0x1de: {  	[tilespmem:s25+$0xFFFFFF00] =	vst v17  }
0x1df: {  	[hbm4b:s5+s3] =	stream.linear.scatter [tilespmem:s18], [sflag:$0x2], $0x4000, $0x38;
	[tilespmem:$0x18100] =	vst v63  }
0x1e0: {  	_ =	swait.ge [sflag:s16], $0x2000  }
0x1e1: {  	[sflag:s16] =	ssyncset.done $0x0  }
0x1e2: {  	s26 =	simm.s32 $0x42F0;
	[sflag:s16] =	ssyncadd.s32 $0xFFFFE000  }
0x1e3: {  	v17 =	vld [tilespmem:s26+$0xFFFFFF90];
	_ =	sdelay $0x3  }
0x1e4: {  	v18 =	vld [tilespmem:s26+$0xFFFFFE90]  }
0x1e5: {  	vm9 =	vge.f32 v17, $5.000000000e-01  }
0x1e6: {  	v17 =	vld [tilespmem:s26+$0xFFFFFE10];
	v19 =	vsel vm9, $0x3F800000, v16  }
0x1e7: {  	s23 =	simm.s32 $0x104F0;
	v20 =	vsub.f32 $1.000000000e+00, v19  }
0x1e8: {  	[tilespmem:s23+$0xFFFFFF10] =	vst v19  }
0x1e9: {  	vm10 =	vge.f32 v18, $5.000000000e-01;
	v19 =	vld [tilespmem:s26+$0xFFFFFF10];
	[tilespmem:s23+$0xFFFFFF90] =	vst v20  }
0x1ea: {  	v20 =	vsel vm10, $0x3F800000, v16;
	v18 =	vld [tilespmem:s26+$0xFFFFFFA0]  }
0x1eb: {  	vm11 =	vge.f32 v17, $5.000000000e-01;
	v17 =	vsub.f32 $1.000000000e+00, v20  }
0x1ec: {  	[tilespmem:s23+$0xFFFFFD10] =	vst v20;
	v21 =	vsel vm11, $0x3F800000, v16  }
0x1ed: {  	v22 =	vsub.f32 $1.000000000e+00, v21;
	[tilespmem:s23+$0xFFFFFD90] =	vst v17  }
0x1ee: {  	vm1 =	vge.f32 v19, $5.000000000e-01;
	[tilespmem:s23+$0xFFFFFC10] =	vst v21  }
0x1ef: {  	[tilespmem:s23+$0xFFFFFC90] =	vst v22;
	vm12 =	vge.f32 v18, $5.000000000e-01;
	v18 =	vsel vm1, $0x3F800000, v16  }
0x1f0: {  	v19 =	vld [tilespmem:s26+$0xFFFFFE20];
	v17 =	vsel vm12, $0x3F800000, v16;
	v21 =	vsub.f32 $1.000000000e+00, v18;
	[tilespmem:s23+$0xFFFFFE10] =	vst v18  }
0x1f1: {  	v22 =	vld [tilespmem:s26+$0xFFFFFEA0];
	v20 =	vsub.f32 $1.000000000e+00, v17;
	[tilespmem:s23+$0xFFFFFF20] =	vst v17  }
0x1f2: {  	[tilespmem:s23+$0xFFFFFE90] =	vst v21  }
0x1f3: {  	[tilespmem:s23+$0xFFFFFFA0] =	vst v20;
	v18 =	vld [tilespmem:s26+$0xFFFFFF20]  }
0x1f4: {  	v17 =	vld [tilespmem:s26+$0xFFFFFFB0]  }
0x1f5: {  	vm13 =	vge.f32 v19, $5.000000000e-01  }
0x1f6: {  	vm14 =	vge.f32 v22, $5.000000000e-01;
	v19 =	vsel vm13, $0x3F800000, v16  }
0x1f7: {  	v20 =	vsel vm14, $0x3F800000, v16;
	[tilespmem:s23+$0xFFFFFC20] =	vst v19;
	v19 =	vsub.f32 $1.000000000e+00, v19  }
0x1f8: {  	[tilespmem:s23+$0xFFFFFD20] =	vst v20;
	v20 =	vsub.f32 $1.000000000e+00, v20  }
0x1f9: {  	[tilespmem:s23+$0xFFFFFCA0] =	vst v19;
	vm4 =	vge.f32 v18, $5.000000000e-01;
	vm15 =	vge.f32 v17, $5.000000000e-01  }
0x1fa: {  	[tilespmem:s23+$0xFFFFFDA0] =	vst v20;
	v18 =	vld [tilespmem:s26+$0xFFFFFE30];
	v20 =	vsel vm4, $0x3F800000, v16;
	v17 =	vsel vm15, $0x3F800000, v16  }
0x1fb: {  	v21 =	vld [tilespmem:s26+$0xFFFFFEB0];
	[tilespmem:s23+$0xFFFFFE20] =	vst v20;
	v19 =	vsub.f32 $1.000000000e+00, v17  }
0x1fc: {  	[tilespmem:s23+$0xFFFFFF30] =	vst v17;
	v17 =	vsub.f32 $1.000000000e+00, v20  }
0x1fd: {  	[tilespmem:s23+$0xFFFFFFB0] =	vst v19  }
0x1fe: {  	[tilespmem:s23+$0xFFFFFEA0] =	vst v17;
	v19 =	vld [tilespmem:s26+$0xFFFFFFC0]  }
0x1ff: {  	v17 =	vld [tilespmem:s26+$0xFFFFFF30];
	vm5 =	vge.f32 v18, $5.000000000e-01  }
0x200: {  	vm6 =	vge.f32 v21, $5.000000000e-01;
	v18 =	vsel vm5, $0x3F800000, v16  }
0x201: {  	v20 =	vsel vm6, $0x3F800000, v16;
	[tilespmem:s23+$0xFFFFFC30] =	vst v18;
	v18 =	vsub.f32 $1.000000000e+00, v18  }
0x202: {  	[tilespmem:s23+$0xFFFFFD30] =	vst v20;
	v20 =	vsub.f32 $1.000000000e+00, v20  }
0x203: {  	[tilespmem:s23+$0xFFFFFCB0] =	vst v18;
	vm7 =	vge.f32 v19, $5.000000000e-01  }
0x204: {  	[tilespmem:s23+$0xFFFFFDB0] =	vst v20;
	vm8 =	vge.f32 v17, $5.000000000e-01;
	v17 =	vld [tilespmem:s26+$0xFFFFFE40];
	v18 =	vsel vm7, $0x3F800000, v16  }
0x205: {  	v21 =	vld [tilespmem:s26+$0xFFFFFEC0];
	v20 =	vsel vm8, $0x3F800000, v16;
	v19 =	vsub.f32 $1.000000000e+00, v18;
	[tilespmem:s23+$0xFFFFFF40] =	vst v18  }
0x206: {  	v18 =	vsub.f32 $1.000000000e+00, v20;
	[tilespmem:s23+$0xFFFFFE30] =	vst v20  }
0x207: {  	[tilespmem:s23+$0xFFFFFFC0] =	vst v19  }
0x208: {  	[tilespmem:s23+$0xFFFFFEB0] =	vst v18;
	v19 =	vld [tilespmem:s26+$0xFFFFFFD0]  }
0x209: {  	v18 =	vld [tilespmem:s26+$0xFFFFFF40];
	vm9 =	vge.f32 v17, $5.000000000e-01  }
0x20a: {  	vm10 =	vge.f32 v21, $5.000000000e-01;
	v17 =	vsel vm9, $0x3F800000, v16  }
0x20b: {  	v20 =	vsel vm10, $0x3F800000, v16;
	[tilespmem:s23+$0xFFFFFC40] =	vst v17;
	v17 =	vsub.f32 $1.000000000e+00, v17  }
0x20c: {  	[tilespmem:s23+$0xFFFFFD40] =	vst v20;
	v20 =	vsub.f32 $1.000000000e+00, v20  }
0x20d: {  	[tilespmem:s23+$0xFFFFFCC0] =	vst v17;
	vm11 =	vge.f32 v19, $5.000000000e-01  }
0x20e: {  	[tilespmem:s23+$0xFFFFFDC0] =	vst v20;
	vm12 =	vge.f32 v18, $5.000000000e-01;
	v18 =	vld [tilespmem:s26+$0xFFFFFE50];
	v17 =	vsel vm11, $0x3F800000, v16  }
0x20f: {  	v21 =	vld [tilespmem:s26+$0xFFFFFED0];
	v20 =	vsel vm12, $0x3F800000, v16;
	v19 =	vsub.f32 $1.000000000e+00, v17;
	[tilespmem:s23+$0xFFFFFF50] =	vst v17  }
0x210: {  	v17 =	vsub.f32 $1.000000000e+00, v20;
	[tilespmem:s23+$0xFFFFFE40] =	vst v20  }
0x211: {  	[tilespmem:s23+$0xFFFFFFD0] =	vst v19  }
0x212: {  	[tilespmem:s23+$0xFFFFFEC0] =	vst v17;
	v19 =	vld [tilespmem:s26+$0xFFFFFFE0]  }
0x213: {  	v17 =	vld [tilespmem:s26+$0xFFFFFF50];
	vm13 =	vge.f32 v18, $5.000000000e-01  }
0x214: {  	vm14 =	vge.f32 v21, $5.000000000e-01;
	v18 =	vsel vm13, $0x3F800000, v16  }
0x215: {  	v20 =	vsel vm14, $0x3F800000, v16;
	[tilespmem:s23+$0xFFFFFC50] =	vst v18;
	v18 =	vsub.f32 $1.000000000e+00, v18  }
0x216: {  	[tilespmem:s23+$0xFFFFFD50] =	vst v20;
	v20 =	vsub.f32 $1.000000000e+00, v20  }
0x217: {  	[tilespmem:s23+$0xFFFFFCD0] =	vst v18;
	vm15 =	vge.f32 v19, $5.000000000e-01  }
0x218: {  	[tilespmem:s23+$0xFFFFFDD0] =	vst v20;
	vm4 =	vge.f32 v17, $5.000000000e-01;
	v17 =	vld [tilespmem:s26+$0xFFFFFE60];
	v18 =	vsel vm15, $0x3F800000, v16  }
0x219: {  	v21 =	vld [tilespmem:s26+$0xFFFFFEE0];
	v20 =	vsel vm4, $0x3F800000, v16;
	v19 =	vsub.f32 $1.000000000e+00, v18;
	[tilespmem:s23+$0xFFFFFF60] =	vst v18  }
0x21a: {  	v18 =	vsub.f32 $1.000000000e+00, v20;
	[tilespmem:s23+$0xFFFFFE50] =	vst v20  }
0x21b: {  	[tilespmem:s23+$0xFFFFFFE0] =	vst v19  }
0x21c: {  	[tilespmem:s23+$0xFFFFFED0] =	vst v18;
	v19 =	vld [tilespmem:s26+$0xFFFFFFF0]  }
0x21d: {  	v18 =	vld [tilespmem:s26+$0xFFFFFF60];
	vm5 =	vge.f32 v17, $5.000000000e-01  }
0x21e: {  	s24 =	simm.s32 $0x44F0;
	vm6 =	vge.f32 v21, $5.000000000e-01;
	v17 =	vsel vm5, $0x3F800000, v16  }
0x21f: {  	v21 =	vld [tilespmem:s24+$0xFFFFFF90];
	v20 =	vsel vm6, $0x3F800000, v16;
	[tilespmem:s23+$0xFFFFFC60] =	vst v17;
	v17 =	vsub.f32 $1.000000000e+00, v17  }
0x220: {  	v22 =	vld [tilespmem:s24+$0xFFFFFE90];
	[tilespmem:s23+$0xFFFFFD60] =	vst v20;
	v20 =	vsub.f32 $1.000000000e+00, v20  }
0x221: {  	[tilespmem:s23+$0xFFFFFCE0] =	vst v17;
	v17 =	vld [tilespmem:s24+$0xFFFFFF10];
	vm7 =	vge.f32 v19, $5.000000000e-01  }
0x222: {  	[tilespmem:s23+$0xFFFFFDE0] =	vst v20;
	vm8 =	vge.f32 v18, $5.000000000e-01;
	v18 =	vld [tilespmem:s24+$0xFFFFFE10];
	v19 =	vsel vm7, $0x3F800000, v16  }
0x223: {  	v23 =	vsel vm8, $0x3F800000, v16;
	v20 =	vsub.f32 $1.000000000e+00, v19;
	[tilespmem:s23+$0xFFFFFF70] =	vst v19  }
0x224: {  	vm9 =	vge.f32 v21, $5.000000000e-01;
	v19 =	vsub.f32 $1.000000000e+00, v23;
	[tilespmem:s23+$0xFFFFFE60] =	vst v23  }
0x225: {  	vm10 =	vge.f32 v22, $5.000000000e-01;
	[tilespmem:s23+$0xFFFFFFF0] =	vst v20;
	v20 =	vsel vm9, $0x3F800000, v16  }
0x226: {  	s25 =	simm.s32 $0x108F0;
	[tilespmem:s23+$0xFFFFFEE0] =	vst v19;
	v19 =	vsel vm10, $0x3F800000, v16;
	vm11 =	vge.f32 v17, $5.000000000e-01;
	v17 =	vsub.f32 $1.000000000e+00, v20  }
0x227: {  	v22 =	vld [tilespmem:s26+$0xFFFFFE70];
	vm12 =	vge.f32 v18, $5.000000000e-01;
	v18 =	vsub.f32 $1.000000000e+00, v19;
	[tilespmem:s25+$0xFFFFFF10] =	vst v20  }
0x228: {  	v21 =	vld [tilespmem:s26+$0x0];
	[tilespmem:s25+$0xFFFFFF90] =	vst v17  }
0x229: {  	v20 =	vsel vm12, $0x3F800000, v16;
	[tilespmem:s25+$0xFFFFFD90] =	vst v18;
	v18 =	vld [tilespmem:s24+$0xFFFFFFA0]  }
0x22a: {  	[tilespmem:s25+$0xFFFFFD10] =	vst v19;
	v17 =	vsub.f32 $1.000000000e+00, v20  }
0x22b: {  	v23 =	vsel vm11, $0x3F800000, v16;
	[tilespmem:s25+$0xFFFFFC10] =	vst v20  }
0x22c: {  	vm14 =	vge.f32 v22, $5.000000000e-01;
	v48 =	vsub.f32 $1.000000000e+00, v23;
	[tilespmem:s25+$0xFFFFFC90] =	vst v17  }
0x22d: {  	[tilespmem:s25+$0xFFFFFE10] =	vst v23;
	vm13 =	vge.f32 v21, $5.000000000e-01;
	v21 =	vsel vm14, $0x3F800000, v16;
	v22 =	vld [tilespmem:s24+$0xFFFFFE20]  }
0x22e: {  	[tilespmem:s25+$0xFFFFFE90] =	vst v48;
	v50 =	vld [tilespmem:s24+$0xFFFFFEA0];
	v19 =	vsub.f32 $1.000000000e+00, v21;
	vm15 =	vge.f32 v18, $5.000000000e-01  }
0x22f: {  	[tilespmem:s23+$0xFFFFFC70] =	vst v21;
	v18 =	vsel vm15, $0x3F800000, v16  }
0x230: {  	v23 =	vld [tilespmem:s24+$0xFFFFFF20];
	v17 =	vsel vm13, $0x3F800000, v16;
	[tilespmem:s23+$0xFFFFFCF0] =	vst v19;
	v51 =	vsub.f32 $1.000000000e+00, v18  }
0x231: {  	v20 =	vsub.f32 $1.000000000e+00, v17;
	[tilespmem:s25+$0xFFFFFF20] =	vst v18  }
0x232: {  	v49 =	vld [tilespmem:s26+$0xFFFFFEF0];
	vm5 =	vge.f32 v22, $5.000000000e-01;
	[tilespmem:s25+$0xFFFFFFA0] =	vst v51  }
0x233: {  	vm6 =	vge.f32 v50, $5.000000000e-01;
	[tilespmem:s23+$0x0] =	vst v20;
	v18 =	vsel vm5, $0x3F800000, v16;
	v22 =	vld [tilespmem:s24+$0xFFFFFFB0]  }
0x234: {  	v24 =	vsel vm6, $0x3F800000, v16;
	[tilespmem:s25+$0xFFFFFC20] =	vst v18;
	v18 =	vsub.f32 $1.000000000e+00, v18  }
0x235: {  	vm7 =	vge.f32 v23, $5.000000000e-01;
	[tilespmem:s25+$0xFFFFFD20] =	vst v24;
	v24 =	vsub.f32 $1.000000000e+00, v24  }
0x236: {  	[tilespmem:s25+$0xFFFFFCA0] =	vst v18;
	v18 =	vsel vm7, $0x3F800000, v16  }
0x237: {  	[tilespmem:s25+$0xFFFFFDA0] =	vst v24;
	v23 =	vld [tilespmem:s24+$0xFFFFFE30];
	v52 =	vsub.f32 $1.000000000e+00, v18  }
0x238: {  	vm4 =	vge.f32 v49, $5.000000000e-01;
	v54 =	vld [tilespmem:s24+$0xFFFFFEB0];
	[tilespmem:s25+$0xFFFFFE20] =	vst v18;
	vm9 =	vge.f32 v22, $5.000000000e-01  }
0x239: {  	v20 =	vsel vm4, $0x3F800000, v16;
	[tilespmem:s25+$0xFFFFFEA0] =	vst v52;
	v18 =	vsel vm9, $0x3F800000, v16  }
0x23a: {  	[tilespmem:s23+$0xFFFFFD70] =	vst v20;
	v22 =	vld [tilespmem:s24+$0xFFFFFF30];
	v55 =	vsub.f32 $1.000000000e+00, v18  }
0x23b: {  	v26 =	vsub.f32 $1.000000000e+00, v20;
	[tilespmem:s25+$0xFFFFFF30] =	vst v18  }
0x23c: {  	v19 =	vld [tilespmem:s26+$0xFFFFFF70];
	vm10 =	vge.f32 v23, $5.000000000e-01;
	[tilespmem:s25+$0xFFFFFFB0] =	vst v55  }
0x23d: {  	[tilespmem:s23+$0xFFFFFDF0] =	vst v26;
	vm11 =	vge.f32 v54, $5.000000000e-01;
	v18 =	vsel vm10, $0x3F800000, v16;
	v23 =	vld [tilespmem:s24+$0xFFFFFFC0]  }
0x23e: {  	v21 =	vsel vm11, $0x3F800000, v16;
	[tilespmem:s25+$0xFFFFFC30] =	vst v18;
	v18 =	vsub.f32 $1.000000000e+00, v18  }
0x23f: {  	[tilespmem:s25+$0xFFFFFD30] =	vst v21;
	v21 =	vsub.f32 $1.000000000e+00, v21;
	vm12 =	vge.f32 v22, $5.000000000e-01  }
0x240: {  	[tilespmem:s25+$0xFFFFFCB0] =	vst v18;
	v18 =	vsel vm12, $0x3F800000, v16  }
0x241: {  	[tilespmem:s25+$0xFFFFFDB0] =	vst v21;
	v22 =	vld [tilespmem:s24+$0xFFFFFE40];
	v21 =	vsub.f32 $1.000000000e+00, v18  }
0x242: {  	vm8 =	vge.f32 v19, $5.000000000e-01;
	v56 =	vld [tilespmem:s24+$0xFFFFFEC0];
	[tilespmem:s25+$0xFFFFFE30] =	vst v18;
	vm13 =	vge.f32 v23, $5.000000000e-01  }
0x243: {  	v19 =	vsel vm8, $0x3F800000, v16;
	[tilespmem:s25+$0xFFFFFEB0] =	vst v21;
	v18 =	vsel vm13, $0x3F800000, v16  }
0x244: {  	[tilespmem:s23+$0xFFFFFE70] =	vst v19;
	v21 =	vld [tilespmem:s24+$0xFFFFFF40];
	v23 =	vsub.f32 $1.000000000e+00, v18  }
0x245: {  	v53 =	vsub.f32 $1.000000000e+00, v19;
	[tilespmem:s25+$0xFFFFFF40] =	vst v18  }
0x246: {  	v20 =	vld [tilespmem:s26+$0xFFFFFE80];
	vm14 =	vge.f32 v22, $5.000000000e-01;
	[tilespmem:s25+$0xFFFFFFC0] =	vst v23  }
0x247: {  	[tilespmem:s23+$0xFFFFFEF0] =	vst v53;
	vm15 =	vge.f32 v56, $5.000000000e-01;
	v18 =	vsel vm14, $0x3F800000, v16;
	v22 =	vld [tilespmem:s24+$0xFFFFFFD0]  }
0x248: {  	v19 =	vld [tilespmem:s26+$0xFFFFFF00];
	[tilespmem:s25+$0xFFFFFC40] =	vst v18;
	v18 =	vsub.f32 $1.000000000e+00, v18;
	v23 =	vsel vm15, $0x3F800000, v16  }
0x249: {  	[tilespmem:s25+$0xFFFFFD40] =	vst v23;
	v23 =	vsub.f32 $1.000000000e+00, v23;
	vm4 =	vge.f32 v21, $5.000000000e-01  }
0x24a: {  	[tilespmem:s25+$0xFFFFFCC0] =	vst v18;
	v18 =	vsel vm4, $0x3F800000, v16  }
0x24b: {  	v21 =	vld [tilespmem:s24+$0xFFFFFE50];
	[tilespmem:s25+$0xFFFFFDC0] =	vst v23;
	v23 =	vsub.f32 $1.000000000e+00, v18  }
0x24c: {  	vm5 =	vge.f32 v20, $5.000000000e-01;
	[tilespmem:s25+$0xFFFFFE40] =	vst v18;
	v58 =	vld [tilespmem:s24+$0xFFFFFED0];
	vm6 =	vge.f32 v22, $5.000000000e-01  }
0x24d: {  	v20 =	vsel vm5, $0x3F800000, v16;
	vm7 =	vge.f32 v19, $5.000000000e-01;
	[tilespmem:s25+$0xFFFFFEC0] =	vst v23;
	v19 =	vsel vm6, $0x3F800000, v16  }
0x24e: {  	[tilespmem:s23+$0xFFFFFC80] =	vst v20;
	v22 =	vld [tilespmem:s24+$0xFFFFFF50];
	v23 =	vsub.f32 $1.000000000e+00, v19  }
0x24f: {  	v57 =	vsub.f32 $1.000000000e+00, v20;
	[tilespmem:s25+$0xFFFFFF50] =	vst v19  }
0x250: {  	vm8 =	vge.f32 v21, $5.000000000e-01;
	[tilespmem:s25+$0xFFFFFFD0] =	vst v23  }
0x251: {  	[tilespmem:s23+$0xFFFFFD00] =	vst v57;
	v19 =	vsel vm8, $0x3F800000, v16;
	vm9 =	vge.f32 v58, $5.000000000e-01;
	v21 =	vld [tilespmem:s24+$0xFFFFFFE0]  }
0x252: {  	v59 =	vld [tilespmem:s26+$0xFFFFFF80];
	[tilespmem:s25+$0xFFFFFC50] =	vst v19;
	v19 =	vsub.f32 $1.000000000e+00, v19;
	v23 =	vsel vm9, $0x3F800000, v16  }
0x253: {  	[tilespmem:s25+$0xFFFFFD50] =	vst v23;
	v23 =	vsub.f32 $1.000000000e+00, v23;
	vm10 =	vge.f32 v22, $5.000000000e-01  }
0x254: {  	[tilespmem:s25+$0xFFFFFCD0] =	vst v19;
	v22 =	vsel vm10, $0x3F800000, v16  }
0x255: {  	v18 =	vsel vm7, $0x3F800000, v16;
	v61 =	vld [tilespmem:s24+$0xFFFFFE60];
	[tilespmem:s25+$0xFFFFFDD0] =	vst v23;
	v23 =	vsub.f32 $1.000000000e+00, v22  }
0x256: {  	v60 =	vsub.f32 $1.000000000e+00, v18;
	[tilespmem:s25+$0xFFFFFE50] =	vst v22;
	v63 =	vld [tilespmem:s24+$0xFFFFFEE0];
	vm12 =	vge.f32 v21, $5.000000000e-01  }
0x257: {  	vm11 =	vge.f32 v59, $5.000000000e-01;
	[tilespmem:s25+$0xFFFFFED0] =	vst v23;
	v21 =	vsel vm12, $0x3F800000, v16  }
0x258: {  	[tilespmem:s23+$0xFFFFFE00] =	vst v60;
	v19 =	vsel vm11, $0x3F800000, v16;
	v22 =	vld [tilespmem:s24+$0xFFFFFF60];
	v23 =	vsub.f32 $1.000000000e+00, v21  }
0x259: {  	v62 =	vsub.f32 $1.000000000e+00, v19;
	[tilespmem:s25+$0xFFFFFF60] =	vst v21  }
0x25a: {  	vm13 =	vge.f32 v61, $5.000000000e-01;
	[tilespmem:s25+$0xFFFFFFE0] =	vst v23  }
0x25b: {  	[tilespmem:s23+$0xFFFFFF00] =	vst v62;
	v21 =	vsel vm13, $0x3F800000, v16;
	vm14 =	vge.f32 v63, $5.000000000e-01;
	v20 =	vld [tilespmem:s24+$0xFFFFFFF0]  }
0x25c: {  	[tilespmem:s25+$0xFFFFFC60] =	vst v21;
	v21 =	vsub.f32 $1.000000000e+00, v21;
	v23 =	vsel vm14, $0x3F800000, v16  }
0x25d: {  	[tilespmem:s25+$0xFFFFFD60] =	vst v23;
	vm15 =	vge.f32 v22, $5.000000000e-01;
	v22 =	vsub.f32 $1.000000000e+00, v23  }
0x25e: {  	s28 =	simm.s32 $0x46F0;
	s26 =	simm.s32 $0x84;
	[tilespmem:s25+$0xFFFFFCE0] =	vst v21;
	v21 =	vsel vm15, $0x3F800000, v16  }
.LBB2_6:
0x25f: {  	v23 =	vld [tilespmem:s28+$0xFFFFFF90];
	s26 =	sadd.s32 $0x4, s26;
	[tilespmem:s25+$0xFFFFFDE0] =	vst v22;
	v22 =	vsub.f32 $1.000000000e+00, v21  }
0x260: {  	v24 =	vld [tilespmem:s28+$0xFFFFFE90];
	p0 =	slt.u32 s26, $0xBC;
	[tilespmem:s25+$0xFFFFFE60] =	vst v21;
	vm0 =	vge.f32 v20, $5.000000000e-01  }
0x261: {  	v20 =	vld [tilespmem:s28+$0xFFFFFF10];
	[tilespmem:s25+$0xFFFFFEE0] =	vst v22;
	v21 =	vsel vm0, $0x3F800000, v16  }
0x262: {  	v22 =	vld [tilespmem:s28+$0xFFFFFE10];
	v25 =	vsub.f32 $1.000000000e+00, v21;
	[tilespmem:s23+$0xFFFFFD80] =	vst v18  }
0x263: {  	v18 =	vld [tilespmem:s24+$0xFFFFFE70];
	[tilespmem:s25+$0xFFFFFF70] =	vst v21  }
0x264: {  	vm0 =	vge.f32 v23, $5.000000000e-01;
	v21 =	vld [tilespmem:s24+$0xFFFFFEF0];
	[tilespmem:s25+$0xFFFFFFF0] =	vst v25  }
0x265: {  	vm1 =	vge.f32 v24, $5.000000000e-01;
	v23 =	vsel vm0, $0x3F800000, v16;
	v24 =	vld [tilespmem:s24+$0x0];
	[tilespmem:s23+$0xFFFFFE80] =	vst v19  }
0x266: {  	v19 =	vsel vm1, $0x3F800000, v16;
	vm0 =	vge.f32 v20, $5.000000000e-01;
	v20 =	vsub.f32 $1.000000000e+00, v23;
	v25 =	vld [tilespmem:s24+$0xFFFFFF70];
	[tilespmem:s23+$0xFFFFFF80] =	vst v17;
	s23 =	smov.u32 s25;
	s25 =	sadd.s32 $0x400, s25  }
0x267: {  	vm1 =	vge.f32 v22, $5.000000000e-01;
	v17 =	vsub.f32 $1.000000000e+00, v19;
	v22 =	vsel vm0, $0x3F800000, v16;
	[tilespmem:s25+$0xFFFFFF10] =	vst v23  }
0x268: {  	v23 =	vsel vm1, $0x3F800000, v16;
	v26 =	vsub.f32 $1.000000000e+00, v22;
	[tilespmem:s25+$0xFFFFFF90] =	vst v20;
	vm0 =	vge.f32 v18, $5.000000000e-01  }
0x269: {  	v18 =	vsub.f32 $1.000000000e+00, v23;
	[tilespmem:s25+$0xFFFFFD90] =	vst v17;
	v20 =	vld [tilespmem:s28+$0xFFFFFFA0];
	v27 =	vsel vm0, $0x3F800000, v16;
	vm0 =	vge.f32 v21, $5.000000000e-01  }
0x26a: {  	[tilespmem:s25+$0xFFFFFE90] =	vst v26;
	v21 =	vsub.f32 $1.000000000e+00, v27;
	v26 =	vsel vm0, $0x3F800000, v16;
	vm0 =	vge.f32 v24, $5.000000000e-01  }
0x26b: {  	[tilespmem:s25+$0xFFFFFC90] =	vst v18;
	v18 =	vsub.f32 $1.000000000e+00, v26;
	vm1 =	vge.f32 v25, $5.000000000e-01;
	v17 =	vsel vm0, $0x3F800000, v16  }
0x26c: {  	[tilespmem:s25+$0xFFFFFC10] =	vst v23;
	v23 =	vsel vm1, $0x3F800000, v16;
	v24 =	vsub.f32 $1.000000000e+00, v17  }
0x26d: {  	v25 =	vld [tilespmem:s28+$0xFFFFFE20];
	[tilespmem:s25+$0xFFFFFD10] =	vst v19;
	v19 =	vsub.f32 $1.000000000e+00, v23  }
0x26e: {  	v28 =	vld [tilespmem:s28+$0xFFFFFEA0];
	vm0 =	vge.f32 v20, $5.000000000e-01;
	[tilespmem:s23+$0x0] =	vst v24  }
0x26f: {  	[tilespmem:s25+$0xFFFFFE10] =	vst v22;
	v20 =	vsel vm0, $0x3F800000, v16  }
0x270: {  	v22 =	vld [tilespmem:s28+$0xFFFFFF20];
	v24 =	vsub.f32 $1.000000000e+00, v20;
	[tilespmem:s23+$0xFFFFFCF0] =	vst v21  }
0x271: {  	[tilespmem:s25+$0xFFFFFF20] =	vst v20  }
0x272: {  	vm0 =	vge.f32 v25, $5.000000000e-01;
	[tilespmem:s25+$0xFFFFFFA0] =	vst v24  }
0x273: {  	v20 =	vsel vm0, $0x3F800000, v16;
	vm0 =	vge.f32 v28, $5.000000000e-01;
	v21 =	vld [tilespmem:s28+$0xFFFFFFB0];
	[tilespmem:s23+$0xFFFFFDF0] =	vst v18  }
0x274: {  	[tilespmem:s25+$0xFFFFFC20] =	vst v20;
	v18 =	vsub.f32 $1.000000000e+00, v20;
	v20 =	vsel vm0, $0x3F800000, v16  }
0x275: {  	[tilespmem:s25+$0xFFFFFD20] =	vst v20;
	v20 =	vsub.f32 $1.000000000e+00, v20;
	vm0 =	vge.f32 v22, $5.000000000e-01  }
0x276: {  	[tilespmem:s25+$0xFFFFFCA0] =	vst v18;
	v18 =	vsel vm0, $0x3F800000, v16  }
0x277: {  	v22 =	vld [tilespmem:s28+$0xFFFFFE30];
	[tilespmem:s25+$0xFFFFFDA0] =	vst v20;
	v20 =	vsub.f32 $1.000000000e+00, v18  }
0x278: {  	v24 =	vld [tilespmem:s28+$0xFFFFFEB0];
	[tilespmem:s25+$0xFFFFFE20] =	vst v18;
	vm0 =	vge.f32 v21, $5.000000000e-01  }
0x279: {  	[tilespmem:s25+$0xFFFFFEA0] =	vst v20;
	v18 =	vsel vm0, $0x3F800000, v16  }
0x27a: {  	v20 =	vld [tilespmem:s28+$0xFFFFFF30];
	v21 =	vsub.f32 $1.000000000e+00, v18;
	[tilespmem:s23+$0xFFFFFEF0] =	vst v19  }
0x27b: {  	[tilespmem:s25+$0xFFFFFF30] =	vst v18  }
0x27c: {  	vm0 =	vge.f32 v22, $5.000000000e-01;
	[tilespmem:s25+$0xFFFFFFB0] =	vst v21  }
0x27d: {  	v18 =	vsel vm0, $0x3F800000, v16;
	vm0 =	vge.f32 v24, $5.000000000e-01;
	v19 =	vld [tilespmem:s28+$0xFFFFFFC0];
	[tilespmem:s23+$0xFFFFFC70] =	vst v27  }
0x27e: {  	[tilespmem:s25+$0xFFFFFC30] =	vst v18;
	v18 =	vsub.f32 $1.000000000e+00, v18;
	v21 =	vsel vm0, $0x3F800000, v16;
	v22 =	vld [tilespmem:s24+$0xFFFFFE80]  }
0x27f: {  	[tilespmem:s25+$0xFFFFFD30] =	vst v21;
	v21 =	vsub.f32 $1.000000000e+00, v21;
	vm0 =	vge.f32 v20, $5.000000000e-01  }
0x280: {  	[tilespmem:s25+$0xFFFFFCB0] =	vst v18;
	v18 =	vsel vm0, $0x3F800000, v16  }
0x281: {  	v20 =	vld [tilespmem:s28+$0xFFFFFE40];
	[tilespmem:s25+$0xFFFFFDB0] =	vst v21;
	v21 =	vsub.f32 $1.000000000e+00, v18  }
0x282: {  	v24 =	vld [tilespmem:s28+$0xFFFFFEC0];
	[tilespmem:s25+$0xFFFFFE30] =	vst v18;
	vm0 =	vge.f32 v19, $5.000000000e-01  }
0x283: {  	[tilespmem:s25+$0xFFFFFEB0] =	vst v21;
	v18 =	vsel vm0, $0x3F800000, v16;
	vm0 =	vge.f32 v22, $5.000000000e-01  }
0x284: {  	v19 =	vld [tilespmem:s28+$0xFFFFFF40];
	v21 =	vsub.f32 $1.000000000e+00, v18;
	v22 =	vsel vm0, $0x3F800000, v16;
	[tilespmem:s23+$0xFFFFFD70] =	vst v26  }
0x285: {  	[tilespmem:s25+$0xFFFFFF40] =	vst v18;
	v25 =	vsub.f32 $1.000000000e+00, v22;
	v18 =	vld [tilespmem:s24+$0xFFFFFF00]  }
0x286: {  	vm0 =	vge.f32 v20, $5.000000000e-01;
	[tilespmem:s25+$0xFFFFFFC0] =	vst v21  }
0x287: {  	v20 =	vsel vm0, $0x3F800000, v16;
	vm0 =	vge.f32 v24, $5.000000000e-01;
	v21 =	vld [tilespmem:s28+$0xFFFFFFD0];
	[tilespmem:s23+$0xFFFFFE70] =	vst v23  }
0x288: {  	[tilespmem:s25+$0xFFFFFC40] =	vst v20;
	v20 =	vsub.f32 $1.000000000e+00, v20;
	v23 =	vsel vm0, $0x3F800000, v16;
	v24 =	vld [tilespmem:s24+$0xFFFFFF80];
	s24 =	smov.u32 s28  }
0x289: {  	[tilespmem:s25+$0xFFFFFD40] =	vst v23;
	v23 =	vsub.f32 $1.000000000e+00, v23;
	vm0 =	vge.f32 v19, $5.000000000e-01  }
0x28a: {  	[tilespmem:s25+$0xFFFFFCC0] =	vst v20;
	v19 =	vsel vm0, $0x3F800000, v16;
	vm0 =	vge.f32 v18, $5.000000000e-01  }
0x28b: {  	v20 =	vld [tilespmem:s28+$0xFFFFFE50];
	[tilespmem:s25+$0xFFFFFDC0] =	vst v23;
	v23 =	vsub.f32 $1.000000000e+00, v19;
	v18 =	vsel vm0, $0x3F800000, v16  }
0x28c: {  	v26 =	vld [tilespmem:s28+$0xFFFFFED0];
	[tilespmem:s25+$0xFFFFFE40] =	vst v19;
	vm0 =	vge.f32 v21, $5.000000000e-01;
	v21 =	vsub.f32 $1.000000000e+00, v18  }
0x28d: {  	[tilespmem:s25+$0xFFFFFEC0] =	vst v23;
	v23 =	vsel vm0, $0x3F800000, v16;
	vm0 =	vge.f32 v24, $5.000000000e-01  }
0x28e: {  	v24 =	vld [tilespmem:s28+$0xFFFFFF50];
	v27 =	vsub.f32 $1.000000000e+00, v23;
	[tilespmem:s23+$0xFFFFFD00] =	vst v25;
	v19 =	vsel vm0, $0x3F800000, v16  }
0x28f: {  	[tilespmem:s25+$0xFFFFFF50] =	vst v23;
	v23 =	vsub.f32 $1.000000000e+00, v19  }
0x290: {  	vm0 =	vge.f32 v20, $5.000000000e-01;
	[tilespmem:s25+$0xFFFFFFD0] =	vst v27  }
0x291: {  	v20 =	vsel vm0, $0x3F800000, v16;
	vm0 =	vge.f32 v26, $5.000000000e-01;
	v25 =	vld [tilespmem:s28+$0xFFFFFFE0];
	[tilespmem:s23+$0xFFFFFE00] =	vst v21  }
0x292: {  	[tilespmem:s25+$0xFFFFFC50] =	vst v20;
	v20 =	vsub.f32 $1.000000000e+00, v20;
	v21 =	vsel vm0, $0x3F800000, v16  }
0x293: {  	[tilespmem:s25+$0xFFFFFD50] =	vst v21;
	v21 =	vsub.f32 $1.000000000e+00, v21;
	vm0 =	vge.f32 v24, $5.000000000e-01  }
0x294: {  	[tilespmem:s25+$0xFFFFFCD0] =	vst v20;
	v20 =	vsel vm0, $0x3F800000, v16  }
0x295: {  	v24 =	vld [tilespmem:s28+$0xFFFFFE60];
	[tilespmem:s25+$0xFFFFFDD0] =	vst v21;
	v21 =	vsub.f32 $1.000000000e+00, v20  }
0x296: {  	v26 =	vld [tilespmem:s28+$0xFFFFFEE0];
	[tilespmem:s25+$0xFFFFFE50] =	vst v20;
	vm0 =	vge.f32 v25, $5.000000000e-01  }
0x297: {  	[tilespmem:s25+$0xFFFFFED0] =	vst v21;
	v20 =	vsel vm0, $0x3F800000, v16  }
0x298: {  	v21 =	vld [tilespmem:s28+$0xFFFFFF60];
	v25 =	vsub.f32 $1.000000000e+00, v20;
	[tilespmem:s23+$0xFFFFFF00] =	vst v23  }
0x299: {  	[tilespmem:s25+$0xFFFFFF60] =	vst v20  }
.Ltmp2:
0x29a: {  	vm0 =	vge.f32 v24, $5.000000000e-01;
	[tilespmem:s25+$0xFFFFFFE0] =	vst v25;
	(pc) =	sbr.rel @p0 .LBB2_6-.Ltmp2, $4  }
0x29b: {  	v23 =	vsel vm0, $0x3F800000, v16;
	vm0 =	vge.f32 v26, $5.000000000e-01;
	v20 =	vld [tilespmem:s28+$0xFFFFFFF0];
	[tilespmem:s23+$0xFFFFFC80] =	vst v22  }
0x29c: {  	[tilespmem:s25+$0xFFFFFC60] =	vst v23;
	v23 =	vsub.f32 $1.000000000e+00, v23;
	v22 =	vsel vm0, $0x3F800000, v16  }
0x29d: {  	[tilespmem:s25+$0xFFFFFD60] =	vst v22;
	v22 =	vsub.f32 $1.000000000e+00, v22;
	vm0 =	vge.f32 v21, $5.000000000e-01  }
0x29e: {  	s28 =	sadd.s32 $0x200, s28;
	[tilespmem:s25+$0xFFFFFCE0] =	vst v23;
	v21 =	vsel vm0, $0x3F800000, v16  }
0x29f: {  	[tilespmem:s25+$0xFFFFFDE0] =	vst v22  }
0x2a0: {  	v22 =	vsub.f32 $1.000000000e+00, v21;
	[tilespmem:s25+$0xFFFFFE60] =	vst v21;
	v21 =	vld [tilespmem:s24+$0xFFFFFE70];
	_ =	sdelay $0x2  }
0x2a1: {  	[tilespmem:s25+$0xFFFFFEE0] =	vst v22;
	v22 =	vld [tilespmem:s24+$0xFFFFFEF0]  }
0x2a2: {  	vm0 =	vge.f32 v20, $5.000000000e-01  }
0x2a3: {  	v20 =	vsel vm0, $0x3F800000, v16;
	v23 =	vld [tilespmem:s24+$0xFFFFFF70];
	vm14 =	vge.f32 v21, $5.000000000e-01  }
0x2a4: {  	[tilespmem:s23+$0xFFFFFD80] =	vst v18;
	v21 =	vsub.f32 $1.000000000e+00, v20;
	v24 =	vsel vm14, $0x3F800000, v16  }
0x2a5: {  	[tilespmem:s25+$0xFFFFFF70] =	vst v20;
	v20 =	vsub.f32 $1.000000000e+00, v24  }
0x2a6: {  	vm15 =	vge.f32 v22, $5.000000000e-01;
	[tilespmem:s25+$0xFFFFFFF0] =	vst v21  }
0x2a7: {  	v22 =	vsel vm15, $0x3F800000, v16;
	[tilespmem:s25+$0xFFFFFCF0] =	vst v20;
	v20 =	vld [tilespmem:s24+$0x0]  }
0x2a8: {  	[tilespmem:s25+$0xFFFFFC70] =	vst v24;
	vm4 =	vge.f32 v23, $5.000000000e-01;
	v21 =	vsub.f32 $1.000000000e+00, v22  }
0x2a9: {  	v23 =	vsel vm4, $0x3F800000, v16;
	[tilespmem:s25+$0xFFFFFD70] =	vst v22  }
0x2aa: {  	v25 =	vsub.f32 $1.000000000e+00, v23;
	[tilespmem:s25+$0xFFFFFDF0] =	vst v21;
	v21 =	vld [tilespmem:s24+$0xFFFFFE80]  }
0x2ab: {  	[tilespmem:s25+$0xFFFFFE70] =	vst v23;
	v22 =	vld [tilespmem:s24+$0xFFFFFF00]  }
0x2ac: {  	[tilespmem:s25+$0xFFFFFEF0] =	vst v25;
	vm5 =	vge.f32 v20, $5.000000000e-01  }
0x2ad: {  	[tilespmem:s23+$0xFFFFFE80] =	vst v19;
	v23 =	vld [tilespmem:s24+$0xFFFFFF80];
	v18 =	vsel vm5, $0x3F800000, v16  }
0x2ae: {  	[tilespmem:s23+$0xFFFFFF80] =	vst v17;
	v19 =	vsub.f32 $1.000000000e+00, v18  }
0x2af: {  	vm6 =	vge.f32 v21, $5.000000000e-01;
	[tilespmem:s25+$0xFFFFFF80] =	vst v18  }
0x2b0: {  	v20 =	vsel vm6, $0x3F800000, v16;
	vm7 =	vge.f32 v22, $5.000000000e-01;
	[tilespmem:s25+$0x0] =	vst v19  }
0x2b1: {  	v17 =	vsub.f32 $1.000000000e+00, v20;
	v21 =	vsel vm7, $0x3F800000, v16;
	[tilespmem:s25+$0xFFFFFC80] =	vst v20  }
0x2b2: {  	vm8 =	vge.f32 v23, $5.000000000e-01;
	[tilespmem:s25+$0xFFFFFD80] =	vst v21  }
0x2b3: {  	v19 =	vsub.f32 $1.000000000e+00, v21;
	v22 =	vsel vm8, $0x3F800000, v16;
	[tilespmem:s25+$0xFFFFFD00] =	vst v17  }
0x2b4: {  	v17 =	vsub.f32 $1.000000000e+00, v22;
	[tilespmem:s25+$0xFFFFFE80] =	vst v22  }
0x2b5: {  	[tilespmem:s25+$0xFFFFFE00] =	vst v19  }
0x2b6: {  	[tilespmem:s25+$0xFFFFFF00] =	vst v17  }
0x2b7: {  	[hbm4b:s6+s3] =	stream.linear.scatter [tilespmem:s19], [sflag:$0x2], $0x4000, $0x38;
	[tilespmem:$0x18100] =	vst v63  }
0x2b8: {  	_ =	swait.ge [sflag:s16], $0x2000  }
0x2b9: {  	[sflag:s16] =	ssyncset.done $0x0  }
0x2ba: {  	s26 =	simm.s32 $0x62F0;
	[sflag:s16] =	ssyncadd.s32 $0xFFFFE000  }
0x2bb: {  	v17 =	vld [tilespmem:s26+$0xFFFFFF90];
	_ =	sdelay $0x3  }
0x2bc: {  	v18 =	vld [tilespmem:s26+$0xFFFFFE90]  }
0x2bd: {  	vm9 =	vge.f32 v17, $5.000000000e-01  }
0x2be: {  	v17 =	vld [tilespmem:s26+$0xFFFFFE10];
	v19 =	vsel vm9, $0x3F800000, v16  }
0x2bf: {  	s23 =	simm.s32 $0x144F0;
	v20 =	vsub.f32 $1.000000000e+00, v19  }
0x2c0: {  	[tilespmem:s23+$0xFFFFFF10] =	vst v19  }
0x2c1: {  	vm10 =	vge.f32 v18, $5.000000000e-01;
	v19 =	vld [tilespmem:s26+$0xFFFFFF10];
	[tilespmem:s23+$0xFFFFFF90] =	vst v20  }
0x2c2: {  	v20 =	vsel vm10, $0x3F800000, v16;
	v18 =	vld [tilespmem:s26+$0xFFFFFFA0]  }
0x2c3: {  	vm11 =	vge.f32 v17, $5.000000000e-01;
	v17 =	vsub.f32 $1.000000000e+00, v20  }
0x2c4: {  	[tilespmem:s23+$0xFFFFFD10] =	vst v20;
	v21 =	vsel vm11, $0x3F800000, v16  }
0x2c5: {  	v22 =	vsub.f32 $1.000000000e+00, v21;
	[tilespmem:s23+$0xFFFFFD90] =	vst v17  }
0x2c6: {  	vm1 =	vge.f32 v19, $5.000000000e-01;
	[tilespmem:s23+$0xFFFFFC10] =	vst v21  }
0x2c7: {  	[tilespmem:s23+$0xFFFFFC90] =	vst v22;
	vm12 =	vge.f32 v18, $5.000000000e-01;
	v18 =	vsel vm1, $0x3F800000, v16  }
0x2c8: {  	v19 =	vld [tilespmem:s26+$0xFFFFFE20];
	v17 =	vsel vm12, $0x3F800000, v16;
	v21 =	vsub.f32 $1.000000000e+00, v18;
	[tilespmem:s23+$0xFFFFFE10] =	vst v18  }
0x2c9: {  	v22 =	vld [tilespmem:s26+$0xFFFFFEA0];
	v20 =	vsub.f32 $1.000000000e+00, v17;
	[tilespmem:s23+$0xFFFFFF20] =	vst v17  }
0x2ca: {  	[tilespmem:s23+$0xFFFFFE90] =	vst v21  }
0x2cb: {  	[tilespmem:s23+$0xFFFFFFA0] =	vst v20;
	v18 =	vld [tilespmem:s26+$0xFFFFFF20]  }
0x2cc: {  	v17 =	vld [tilespmem:s26+$0xFFFFFFB0]  }
0x2cd: {  	vm13 =	vge.f32 v19, $5.000000000e-01  }
0x2ce: {  	vm14 =	vge.f32 v22, $5.000000000e-01;
	v19 =	vsel vm13, $0x3F800000, v16  }
0x2cf: {  	v20 =	vsel vm14, $0x3F800000, v16;
	[tilespmem:s23+$0xFFFFFC20] =	vst v19;
	v19 =	vsub.f32 $1.000000000e+00, v19  }
0x2d0: {  	[tilespmem:s23+$0xFFFFFD20] =	vst v20;
	v20 =	vsub.f32 $1.000000000e+00, v20  }
0x2d1: {  	[tilespmem:s23+$0xFFFFFCA0] =	vst v19;
	vm4 =	vge.f32 v18, $5.000000000e-01;
	vm15 =	vge.f32 v17, $5.000000000e-01  }
0x2d2: {  	[tilespmem:s23+$0xFFFFFDA0] =	vst v20;
	v18 =	vld [tilespmem:s26+$0xFFFFFE30];
	v20 =	vsel vm4, $0x3F800000, v16;
	v17 =	vsel vm15, $0x3F800000, v16  }
0x2d3: {  	v21 =	vld [tilespmem:s26+$0xFFFFFEB0];
	[tilespmem:s23+$0xFFFFFE20] =	vst v20;
	v19 =	vsub.f32 $1.000000000e+00, v17  }
0x2d4: {  	[tilespmem:s23+$0xFFFFFF30] =	vst v17;
	v17 =	vsub.f32 $1.000000000e+00, v20  }
0x2d5: {  	[tilespmem:s23+$0xFFFFFFB0] =	vst v19  }
0x2d6: {  	[tilespmem:s23+$0xFFFFFEA0] =	vst v17;
	v19 =	vld [tilespmem:s26+$0xFFFFFFC0]  }
0x2d7: {  	v17 =	vld [tilespmem:s26+$0xFFFFFF30];
	vm5 =	vge.f32 v18, $5.000000000e-01  }
0x2d8: {  	vm6 =	vge.f32 v21, $5.000000000e-01;
	v18 =	vsel vm5, $0x3F800000, v16  }
0x2d9: {  	v20 =	vsel vm6, $0x3F800000, v16;
	[tilespmem:s23+$0xFFFFFC30] =	vst v18;
	v18 =	vsub.f32 $1.000000000e+00, v18  }
0x2da: {  	[tilespmem:s23+$0xFFFFFD30] =	vst v20;
	v20 =	vsub.f32 $1.000000000e+00, v20  }
0x2db: {  	[tilespmem:s23+$0xFFFFFCB0] =	vst v18;
	vm7 =	vge.f32 v19, $5.000000000e-01  }
0x2dc: {  	[tilespmem:s23+$0xFFFFFDB0] =	vst v20;
	vm8 =	vge.f32 v17, $5.000000000e-01;
	v17 =	vld [tilespmem:s26+$0xFFFFFE40];
	v18 =	vsel vm7, $0x3F800000, v16  }
0x2dd: {  	v21 =	vld [tilespmem:s26+$0xFFFFFEC0];
	v20 =	vsel vm8, $0x3F800000, v16;
	v19 =	vsub.f32 $1.000000000e+00, v18;
	[tilespmem:s23+$0xFFFFFF40] =	vst v18  }
0x2de: {  	v18 =	vsub.f32 $1.000000000e+00, v20;
	[tilespmem:s23+$0xFFFFFE30] =	vst v20  }
0x2df: {  	[tilespmem:s23+$0xFFFFFFC0] =	vst v19  }
0x2e0: {  	[tilespmem:s23+$0xFFFFFEB0] =	vst v18;
	v19 =	vld [tilespmem:s26+$0xFFFFFFD0]  }
0x2e1: {  	v18 =	vld [tilespmem:s26+$0xFFFFFF40];
	vm9 =	vge.f32 v17, $5.000000000e-01  }
0x2e2: {  	vm10 =	vge.f32 v21, $5.000000000e-01;
	v17 =	vsel vm9, $0x3F800000, v16  }
0x2e3: {  	v20 =	vsel vm10, $0x3F800000, v16;
	[tilespmem:s23+$0xFFFFFC40] =	vst v17;
	v17 =	vsub.f32 $1.000000000e+00, v17  }
0x2e4: {  	[tilespmem:s23+$0xFFFFFD40] =	vst v20;
	v20 =	vsub.f32 $1.000000000e+00, v20  }
0x2e5: {  	[tilespmem:s23+$0xFFFFFCC0] =	vst v17;
	vm11 =	vge.f32 v19, $5.000000000e-01  }
0x2e6: {  	[tilespmem:s23+$0xFFFFFDC0] =	vst v20;
	vm12 =	vge.f32 v18, $5.000000000e-01;
	v18 =	vld [tilespmem:s26+$0xFFFFFE50];
	v17 =	vsel vm11, $0x3F800000, v16  }
0x2e7: {  	v21 =	vld [tilespmem:s26+$0xFFFFFED0];
	v20 =	vsel vm12, $0x3F800000, v16;
	v19 =	vsub.f32 $1.000000000e+00, v17;
	[tilespmem:s23+$0xFFFFFF50] =	vst v17  }
0x2e8: {  	v17 =	vsub.f32 $1.000000000e+00, v20;
	[tilespmem:s23+$0xFFFFFE40] =	vst v20  }
0x2e9: {  	[tilespmem:s23+$0xFFFFFFD0] =	vst v19  }
0x2ea: {  	[tilespmem:s23+$0xFFFFFEC0] =	vst v17;
	v19 =	vld [tilespmem:s26+$0xFFFFFFE0]  }
0x2eb: {  	v17 =	vld [tilespmem:s26+$0xFFFFFF50];
	vm13 =	vge.f32 v18, $5.000000000e-01  }
0x2ec: {  	vm14 =	vge.f32 v21, $5.000000000e-01;
	v18 =	vsel vm13, $0x3F800000, v16  }
0x2ed: {  	v20 =	vsel vm14, $0x3F800000, v16;
	[tilespmem:s23+$0xFFFFFC50] =	vst v18;
	v18 =	vsub.f32 $1.000000000e+00, v18  }
0x2ee: {  	[tilespmem:s23+$0xFFFFFD50] =	vst v20;
	v20 =	vsub.f32 $1.000000000e+00, v20  }
0x2ef: {  	[tilespmem:s23+$0xFFFFFCD0] =	vst v18;
	vm15 =	vge.f32 v19, $5.000000000e-01  }
0x2f0: {  	[tilespmem:s23+$0xFFFFFDD0] =	vst v20;
	vm4 =	vge.f32 v17, $5.000000000e-01;
	v17 =	vld [tilespmem:s26+$0xFFFFFE60];
	v18 =	vsel vm15, $0x3F800000, v16  }
0x2f1: {  	v21 =	vld [tilespmem:s26+$0xFFFFFEE0];
	v20 =	vsel vm4, $0x3F800000, v16;
	v19 =	vsub.f32 $1.000000000e+00, v18;
	[tilespmem:s23+$0xFFFFFF60] =	vst v18  }
0x2f2: {  	v18 =	vsub.f32 $1.000000000e+00, v20;
	[tilespmem:s23+$0xFFFFFE50] =	vst v20  }
0x2f3: {  	[tilespmem:s23+$0xFFFFFFE0] =	vst v19  }
0x2f4: {  	[tilespmem:s23+$0xFFFFFED0] =	vst v18;
	v19 =	vld [tilespmem:s26+$0xFFFFFFF0]  }
0x2f5: {  	v18 =	vld [tilespmem:s26+$0xFFFFFF60];
	vm5 =	vge.f32 v17, $5.000000000e-01  }
0x2f6: {  	s24 =	simm.s32 $0x64F0;
	vm6 =	vge.f32 v21, $5.000000000e-01;
	v17 =	vsel vm5, $0x3F800000, v16  }
0x2f7: {  	v21 =	vld [tilespmem:s24+$0xFFFFFF90];
	v20 =	vsel vm6, $0x3F800000, v16;
	[tilespmem:s23+$0xFFFFFC60] =	vst v17;
	v17 =	vsub.f32 $1.000000000e+00, v17  }
0x2f8: {  	v22 =	vld [tilespmem:s24+$0xFFFFFE90];
	[tilespmem:s23+$0xFFFFFD60] =	vst v20;
	v20 =	vsub.f32 $1.000000000e+00, v20  }
0x2f9: {  	[tilespmem:s23+$0xFFFFFCE0] =	vst v17;
	v17 =	vld [tilespmem:s24+$0xFFFFFF10];
	vm7 =	vge.f32 v19, $5.000000000e-01  }
0x2fa: {  	[tilespmem:s23+$0xFFFFFDE0] =	vst v20;
	vm8 =	vge.f32 v18, $5.000000000e-01;
	v18 =	vld [tilespmem:s24+$0xFFFFFE10];
	v19 =	vsel vm7, $0x3F800000, v16  }
0x2fb: {  	v23 =	vsel vm8, $0x3F800000, v16;
	v20 =	vsub.f32 $1.000000000e+00, v19;
	[tilespmem:s23+$0xFFFFFF70] =	vst v19  }
0x2fc: {  	vm9 =	vge.f32 v21, $5.000000000e-01;
	v19 =	vsub.f32 $1.000000000e+00, v23;
	[tilespmem:s23+$0xFFFFFE60] =	vst v23  }
0x2fd: {  	vm10 =	vge.f32 v22, $5.000000000e-01;
	[tilespmem:s23+$0xFFFFFFF0] =	vst v20;
	v20 =	vsel vm9, $0x3F800000, v16  }
0x2fe: {  	s25 =	simm.s32 $0x148F0;
	[tilespmem:s23+$0xFFFFFEE0] =	vst v19;
	v19 =	vsel vm10, $0x3F800000, v16;
	vm11 =	vge.f32 v17, $5.000000000e-01;
	v17 =	vsub.f32 $1.000000000e+00, v20  }
0x2ff: {  	v22 =	vld [tilespmem:s26+$0xFFFFFE70];
	vm12 =	vge.f32 v18, $5.000000000e-01;
	v18 =	vsub.f32 $1.000000000e+00, v19;
	[tilespmem:s25+$0xFFFFFF10] =	vst v20  }
0x300: {  	v21 =	vld [tilespmem:s26+$0x0];
	[tilespmem:s25+$0xFFFFFF90] =	vst v17  }
0x301: {  	v20 =	vsel vm12, $0x3F800000, v16;
	[tilespmem:s25+$0xFFFFFD90] =	vst v18;
	v18 =	vld [tilespmem:s24+$0xFFFFFFA0]  }
0x302: {  	[tilespmem:s25+$0xFFFFFD10] =	vst v19;
	v17 =	vsub.f32 $1.000000000e+00, v20  }
0x303: {  	v23 =	vsel vm11, $0x3F800000, v16;
	[tilespmem:s25+$0xFFFFFC10] =	vst v20  }
0x304: {  	vm14 =	vge.f32 v22, $5.000000000e-01;
	v48 =	vsub.f32 $1.000000000e+00, v23;
	[tilespmem:s25+$0xFFFFFC90] =	vst v17  }
0x305: {  	[tilespmem:s25+$0xFFFFFE10] =	vst v23;
	vm13 =	vge.f32 v21, $5.000000000e-01;
	v21 =	vsel vm14, $0x3F800000, v16;
	v22 =	vld [tilespmem:s24+$0xFFFFFE20]  }
0x306: {  	[tilespmem:s25+$0xFFFFFE90] =	vst v48;
	v50 =	vld [tilespmem:s24+$0xFFFFFEA0];
	v19 =	vsub.f32 $1.000000000e+00, v21;
	vm15 =	vge.f32 v18, $5.000000000e-01  }
0x307: {  	[tilespmem:s23+$0xFFFFFC70] =	vst v21;
	v18 =	vsel vm15, $0x3F800000, v16  }
0x308: {  	v23 =	vld [tilespmem:s24+$0xFFFFFF20];
	v17 =	vsel vm13, $0x3F800000, v16;
	[tilespmem:s23+$0xFFFFFCF0] =	vst v19;
	v51 =	vsub.f32 $1.000000000e+00, v18  }
0x309: {  	v20 =	vsub.f32 $1.000000000e+00, v17;
	[tilespmem:s25+$0xFFFFFF20] =	vst v18  }
0x30a: {  	v49 =	vld [tilespmem:s26+$0xFFFFFEF0];
	vm5 =	vge.f32 v22, $5.000000000e-01;
	[tilespmem:s25+$0xFFFFFFA0] =	vst v51  }
0x30b: {  	vm6 =	vge.f32 v50, $5.000000000e-01;
	[tilespmem:s23+$0x0] =	vst v20;
	v18 =	vsel vm5, $0x3F800000, v16;
	v22 =	vld [tilespmem:s24+$0xFFFFFFB0]  }
0x30c: {  	v24 =	vsel vm6, $0x3F800000, v16;
	[tilespmem:s25+$0xFFFFFC20] =	vst v18;
	v18 =	vsub.f32 $1.000000000e+00, v18  }
0x30d: {  	vm7 =	vge.f32 v23, $5.000000000e-01;
	[tilespmem:s25+$0xFFFFFD20] =	vst v24;
	v24 =	vsub.f32 $1.000000000e+00, v24  }
0x30e: {  	[tilespmem:s25+$0xFFFFFCA0] =	vst v18;
	v18 =	vsel vm7, $0x3F800000, v16  }
0x30f: {  	[tilespmem:s25+$0xFFFFFDA0] =	vst v24;
	v23 =	vld [tilespmem:s24+$0xFFFFFE30];
	v52 =	vsub.f32 $1.000000000e+00, v18  }
0x310: {  	vm4 =	vge.f32 v49, $5.000000000e-01;
	v54 =	vld [tilespmem:s24+$0xFFFFFEB0];
	[tilespmem:s25+$0xFFFFFE20] =	vst v18;
	vm9 =	vge.f32 v22, $5.000000000e-01  }
0x311: {  	v20 =	vsel vm4, $0x3F800000, v16;
	[tilespmem:s25+$0xFFFFFEA0] =	vst v52;
	v18 =	vsel vm9, $0x3F800000, v16  }
0x312: {  	[tilespmem:s23+$0xFFFFFD70] =	vst v20;
	v22 =	vld [tilespmem:s24+$0xFFFFFF30];
	v55 =	vsub.f32 $1.000000000e+00, v18  }
0x313: {  	v26 =	vsub.f32 $1.000000000e+00, v20;
	[tilespmem:s25+$0xFFFFFF30] =	vst v18  }
0x314: {  	v19 =	vld [tilespmem:s26+$0xFFFFFF70];
	vm10 =	vge.f32 v23, $5.000000000e-01;
	[tilespmem:s25+$0xFFFFFFB0] =	vst v55  }
0x315: {  	[tilespmem:s23+$0xFFFFFDF0] =	vst v26;
	vm11 =	vge.f32 v54, $5.000000000e-01;
	v18 =	vsel vm10, $0x3F800000, v16;
	v23 =	vld [tilespmem:s24+$0xFFFFFFC0]  }
0x316: {  	v21 =	vsel vm11, $0x3F800000, v16;
	[tilespmem:s25+$0xFFFFFC30] =	vst v18;
	v18 =	vsub.f32 $1.000000000e+00, v18  }
0x317: {  	[tilespmem:s25+$0xFFFFFD30] =	vst v21;
	v21 =	vsub.f32 $1.000000000e+00, v21;
	vm12 =	vge.f32 v22, $5.000000000e-01  }
0x318: {  	[tilespmem:s25+$0xFFFFFCB0] =	vst v18;
	v18 =	vsel vm12, $0x3F800000, v16  }
0x319: {  	[tilespmem:s25+$0xFFFFFDB0] =	vst v21;
	v22 =	vld [tilespmem:s24+$0xFFFFFE40];
	v21 =	vsub.f32 $1.000000000e+00, v18  }
0x31a: {  	vm8 =	vge.f32 v19, $5.000000000e-01;
	v56 =	vld [tilespmem:s24+$0xFFFFFEC0];
	[tilespmem:s25+$0xFFFFFE30] =	vst v18;
	vm13 =	vge.f32 v23, $5.000000000e-01  }
0x31b: {  	v19 =	vsel vm8, $0x3F800000, v16;
	[tilespmem:s25+$0xFFFFFEB0] =	vst v21;
	v18 =	vsel vm13, $0x3F800000, v16  }
0x31c: {  	[tilespmem:s23+$0xFFFFFE70] =	vst v19;
	v21 =	vld [tilespmem:s24+$0xFFFFFF40];
	v23 =	vsub.f32 $1.000000000e+00, v18  }
0x31d: {  	v53 =	vsub.f32 $1.000000000e+00, v19;
	[tilespmem:s25+$0xFFFFFF40] =	vst v18  }
0x31e: {  	v20 =	vld [tilespmem:s26+$0xFFFFFE80];
	vm14 =	vge.f32 v22, $5.000000000e-01;
	[tilespmem:s25+$0xFFFFFFC0] =	vst v23  }
0x31f: {  	[tilespmem:s23+$0xFFFFFEF0] =	vst v53;
	vm15 =	vge.f32 v56, $5.000000000e-01;
	v18 =	vsel vm14, $0x3F800000, v16;
	v22 =	vld [tilespmem:s24+$0xFFFFFFD0]  }
0x320: {  	v19 =	vld [tilespmem:s26+$0xFFFFFF00];
	[tilespmem:s25+$0xFFFFFC40] =	vst v18;
	v18 =	vsub.f32 $1.000000000e+00, v18;
	v23 =	vsel vm15, $0x3F800000, v16  }
0x321: {  	[tilespmem:s25+$0xFFFFFD40] =	vst v23;
	v23 =	vsub.f32 $1.000000000e+00, v23;
	vm4 =	vge.f32 v21, $5.000000000e-01  }
0x322: {  	[tilespmem:s25+$0xFFFFFCC0] =	vst v18;
	v18 =	vsel vm4, $0x3F800000, v16  }
0x323: {  	v21 =	vld [tilespmem:s24+$0xFFFFFE50];
	[tilespmem:s25+$0xFFFFFDC0] =	vst v23;
	v23 =	vsub.f32 $1.000000000e+00, v18  }
0x324: {  	vm5 =	vge.f32 v20, $5.000000000e-01;
	[tilespmem:s25+$0xFFFFFE40] =	vst v18;
	v58 =	vld [tilespmem:s24+$0xFFFFFED0];
	vm6 =	vge.f32 v22, $5.000000000e-01  }
0x325: {  	v20 =	vsel vm5, $0x3F800000, v16;
	vm7 =	vge.f32 v19, $5.000000000e-01;
	[tilespmem:s25+$0xFFFFFEC0] =	vst v23;
	v19 =	vsel vm6, $0x3F800000, v16  }
0x326: {  	[tilespmem:s23+$0xFFFFFC80] =	vst v20;
	v22 =	vld [tilespmem:s24+$0xFFFFFF50];
	v23 =	vsub.f32 $1.000000000e+00, v19  }
0x327: {  	v57 =	vsub.f32 $1.000000000e+00, v20;
	[tilespmem:s25+$0xFFFFFF50] =	vst v19  }
0x328: {  	vm8 =	vge.f32 v21, $5.000000000e-01;
	[tilespmem:s25+$0xFFFFFFD0] =	vst v23  }
0x329: {  	[tilespmem:s23+$0xFFFFFD00] =	vst v57;
	v19 =	vsel vm8, $0x3F800000, v16;
	vm9 =	vge.f32 v58, $5.000000000e-01;
	v21 =	vld [tilespmem:s24+$0xFFFFFFE0]  }
0x32a: {  	v59 =	vld [tilespmem:s26+$0xFFFFFF80];
	[tilespmem:s25+$0xFFFFFC50] =	vst v19;
	v19 =	vsub.f32 $1.000000000e+00, v19;
	v23 =	vsel vm9, $0x3F800000, v16  }
0x32b: {  	[tilespmem:s25+$0xFFFFFD50] =	vst v23;
	v23 =	vsub.f32 $1.000000000e+00, v23;
	vm10 =	vge.f32 v22, $5.000000000e-01  }
0x32c: {  	[tilespmem:s25+$0xFFFFFCD0] =	vst v19;
	v22 =	vsel vm10, $0x3F800000, v16  }
0x32d: {  	v18 =	vsel vm7, $0x3F800000, v16;
	v61 =	vld [tilespmem:s24+$0xFFFFFE60];
	[tilespmem:s25+$0xFFFFFDD0] =	vst v23;
	v23 =	vsub.f32 $1.000000000e+00, v22  }
0x32e: {  	v60 =	vsub.f32 $1.000000000e+00, v18;
	[tilespmem:s25+$0xFFFFFE50] =	vst v22;
	v63 =	vld [tilespmem:s24+$0xFFFFFEE0];
	vm12 =	vge.f32 v21, $5.000000000e-01  }
0x32f: {  	vm11 =	vge.f32 v59, $5.000000000e-01;
	[tilespmem:s25+$0xFFFFFED0] =	vst v23;
	v21 =	vsel vm12, $0x3F800000, v16  }
0x330: {  	[tilespmem:s23+$0xFFFFFE00] =	vst v60;
	v19 =	vsel vm11, $0x3F800000, v16;
	v22 =	vld [tilespmem:s24+$0xFFFFFF60];
	v23 =	vsub.f32 $1.000000000e+00, v21  }
0x331: {  	v62 =	vsub.f32 $1.000000000e+00, v19;
	[tilespmem:s25+$0xFFFFFF60] =	vst v21  }
0x332: {  	vm13 =	vge.f32 v61, $5.000000000e-01;
	[tilespmem:s25+$0xFFFFFFE0] =	vst v23  }
0x333: {  	[tilespmem:s23+$0xFFFFFF00] =	vst v62;
	v21 =	vsel vm13, $0x3F800000, v16;
	vm14 =	vge.f32 v63, $5.000000000e-01;
	v20 =	vld [tilespmem:s24+$0xFFFFFFF0]  }
0x334: {  	[tilespmem:s25+$0xFFFFFC60] =	vst v21;
	v21 =	vsub.f32 $1.000000000e+00, v21;
	v23 =	vsel vm14, $0x3F800000, v16  }
0x335: {  	[tilespmem:s25+$0xFFFFFD60] =	vst v23;
	vm15 =	vge.f32 v22, $5.000000000e-01;
	v22 =	vsub.f32 $1.000000000e+00, v23  }
0x336: {  	s28 =	simm.s32 $0x66F0;
	s26 =	simm.s32 $0xC4;
	[tilespmem:s25+$0xFFFFFCE0] =	vst v21;
	v21 =	vsel vm15, $0x3F800000, v16  }
.LBB2_8:
0x337: {  	v23 =	vld [tilespmem:s28+$0xFFFFFF90];
	s26 =	sadd.s32 $0x4, s26;
	[tilespmem:s25+$0xFFFFFDE0] =	vst v22;
	v22 =	vsub.f32 $1.000000000e+00, v21  }
0x338: {  	v24 =	vld [tilespmem:s28+$0xFFFFFE90];
	p0 =	slt.u32 s26, $0xFC;
	[tilespmem:s25+$0xFFFFFE60] =	vst v21;
	vm0 =	vge.f32 v20, $5.000000000e-01  }
0x339: {  	v20 =	vld [tilespmem:s28+$0xFFFFFF10];
	[tilespmem:s25+$0xFFFFFEE0] =	vst v22;
	v21 =	vsel vm0, $0x3F800000, v16  }
0x33a: {  	v22 =	vld [tilespmem:s28+$0xFFFFFE10];
	v25 =	vsub.f32 $1.000000000e+00, v21;
	[tilespmem:s23+$0xFFFFFD80] =	vst v18  }
0x33b: {  	v18 =	vld [tilespmem:s24+$0xFFFFFE70];
	[tilespmem:s25+$0xFFFFFF70] =	vst v21  }
0x33c: {  	vm0 =	vge.f32 v23, $5.000000000e-01;
	v21 =	vld [tilespmem:s24+$0xFFFFFEF0];
	[tilespmem:s25+$0xFFFFFFF0] =	vst v25  }
0x33d: {  	vm1 =	vge.f32 v24, $5.000000000e-01;
	v23 =	vsel vm0, $0x3F800000, v16;
	v24 =	vld [tilespmem:s24+$0x0];
	[tilespmem:s23+$0xFFFFFE80] =	vst v19  }
0x33e: {  	v19 =	vsel vm1, $0x3F800000, v16;
	vm0 =	vge.f32 v20, $5.000000000e-01;
	v20 =	vsub.f32 $1.000000000e+00, v23;
	v25 =	vld [tilespmem:s24+$0xFFFFFF70];
	[tilespmem:s23+$0xFFFFFF80] =	vst v17;
	s23 =	smov.u32 s25;
	s25 =	sadd.s32 $0x400, s25  }
0x33f: {  	vm1 =	vge.f32 v22, $5.000000000e-01;
	v17 =	vsub.f32 $1.000000000e+00, v19;
	v22 =	vsel vm0, $0x3F800000, v16;
	[tilespmem:s25+$0xFFFFFF10] =	vst v23  }
0x340: {  	v23 =	vsel vm1, $0x3F800000, v16;
	v26 =	vsub.f32 $1.000000000e+00, v22;
	[tilespmem:s25+$0xFFFFFF90] =	vst v20;
	vm0 =	vge.f32 v18, $5.000000000e-01  }
0x341: {  	v18 =	vsub.f32 $1.000000000e+00, v23;
	[tilespmem:s25+$0xFFFFFD90] =	vst v17;
	v20 =	vld [tilespmem:s28+$0xFFFFFFA0];
	v27 =	vsel vm0, $0x3F800000, v16;
	vm0 =	vge.f32 v21, $5.000000000e-01  }
0x342: {  	[tilespmem:s25+$0xFFFFFE90] =	vst v26;
	v21 =	vsub.f32 $1.000000000e+00, v27;
	v26 =	vsel vm0, $0x3F800000, v16;
	vm0 =	vge.f32 v24, $5.000000000e-01  }
0x343: {  	[tilespmem:s25+$0xFFFFFC90] =	vst v18;
	v18 =	vsub.f32 $1.000000000e+00, v26;
	vm1 =	vge.f32 v25, $5.000000000e-01;
	v17 =	vsel vm0, $0x3F800000, v16  }
0x344: {  	[tilespmem:s25+$0xFFFFFC10] =	vst v23;
	v23 =	vsel vm1, $0x3F800000, v16;
	v24 =	vsub.f32 $1.000000000e+00, v17  }
0x345: {  	v25 =	vld [tilespmem:s28+$0xFFFFFE20];
	[tilespmem:s25+$0xFFFFFD10] =	vst v19;
	v19 =	vsub.f32 $1.000000000e+00, v23  }
0x346: {  	v28 =	vld [tilespmem:s28+$0xFFFFFEA0];
	vm0 =	vge.f32 v20, $5.000000000e-01;
	[tilespmem:s23+$0x0] =	vst v24  }
0x347: {  	[tilespmem:s25+$0xFFFFFE10] =	vst v22;
	v20 =	vsel vm0, $0x3F800000, v16  }
0x348: {  	v22 =	vld [tilespmem:s28+$0xFFFFFF20];
	v24 =	vsub.f32 $1.000000000e+00, v20;
	[tilespmem:s23+$0xFFFFFCF0] =	vst v21  }
0x349: {  	[tilespmem:s25+$0xFFFFFF20] =	vst v20  }
0x34a: {  	vm0 =	vge.f32 v25, $5.000000000e-01;
	[tilespmem:s25+$0xFFFFFFA0] =	vst v24  }
0x34b: {  	v20 =	vsel vm0, $0x3F800000, v16;
	vm0 =	vge.f32 v28, $5.000000000e-01;
	v21 =	vld [tilespmem:s28+$0xFFFFFFB0];
	[tilespmem:s23+$0xFFFFFDF0] =	vst v18  }
0x34c: {  	[tilespmem:s25+$0xFFFFFC20] =	vst v20;
	v18 =	vsub.f32 $1.000000000e+00, v20;
	v20 =	vsel vm0, $0x3F800000, v16  }
0x34d: {  	[tilespmem:s25+$0xFFFFFD20] =	vst v20;
	v20 =	vsub.f32 $1.000000000e+00, v20;
	vm0 =	vge.f32 v22, $5.000000000e-01  }
0x34e: {  	[tilespmem:s25+$0xFFFFFCA0] =	vst v18;
	v18 =	vsel vm0, $0x3F800000, v16  }
0x34f: {  	v22 =	vld [tilespmem:s28+$0xFFFFFE30];
	[tilespmem:s25+$0xFFFFFDA0] =	vst v20;
	v20 =	vsub.f32 $1.000000000e+00, v18  }
0x350: {  	v24 =	vld [tilespmem:s28+$0xFFFFFEB0];
	[tilespmem:s25+$0xFFFFFE20] =	vst v18;
	vm0 =	vge.f32 v21, $5.000000000e-01  }
0x351: {  	[tilespmem:s25+$0xFFFFFEA0] =	vst v20;
	v18 =	vsel vm0, $0x3F800000, v16  }
0x352: {  	v20 =	vld [tilespmem:s28+$0xFFFFFF30];
	v21 =	vsub.f32 $1.000000000e+00, v18;
	[tilespmem:s23+$0xFFFFFEF0] =	vst v19  }
0x353: {  	[tilespmem:s25+$0xFFFFFF30] =	vst v18  }
0x354: {  	vm0 =	vge.f32 v22, $5.000000000e-01;
	[tilespmem:s25+$0xFFFFFFB0] =	vst v21  }
0x355: {  	v18 =	vsel vm0, $0x3F800000, v16;
	vm0 =	vge.f32 v24, $5.000000000e-01;
	v19 =	vld [tilespmem:s28+$0xFFFFFFC0];
	[tilespmem:s23+$0xFFFFFC70] =	vst v27  }
0x356: {  	[tilespmem:s25+$0xFFFFFC30] =	vst v18;
	v18 =	vsub.f32 $1.000000000e+00, v18;
	v21 =	vsel vm0, $0x3F800000, v16;
	v22 =	vld [tilespmem:s24+$0xFFFFFE80]  }
0x357: {  	[tilespmem:s25+$0xFFFFFD30] =	vst v21;
	v21 =	vsub.f32 $1.000000000e+00, v21;
	vm0 =	vge.f32 v20, $5.000000000e-01  }
0x358: {  	[tilespmem:s25+$0xFFFFFCB0] =	vst v18;
	v18 =	vsel vm0, $0x3F800000, v16  }
0x359: {  	v20 =	vld [tilespmem:s28+$0xFFFFFE40];
	[tilespmem:s25+$0xFFFFFDB0] =	vst v21;
	v21 =	vsub.f32 $1.000000000e+00, v18  }
0x35a: {  	v24 =	vld [tilespmem:s28+$0xFFFFFEC0];
	[tilespmem:s25+$0xFFFFFE30] =	vst v18;
	vm0 =	vge.f32 v19, $5.000000000e-01  }
0x35b: {  	[tilespmem:s25+$0xFFFFFEB0] =	vst v21;
	v18 =	vsel vm0, $0x3F800000, v16;
	vm0 =	vge.f32 v22, $5.000000000e-01  }
0x35c: {  	v19 =	vld [tilespmem:s28+$0xFFFFFF40];
	v21 =	vsub.f32 $1.000000000e+00, v18;
	v22 =	vsel vm0, $0x3F800000, v16;
	[tilespmem:s23+$0xFFFFFD70] =	vst v26  }
0x35d: {  	[tilespmem:s25+$0xFFFFFF40] =	vst v18;
	v25 =	vsub.f32 $1.000000000e+00, v22;
	v18 =	vld [tilespmem:s24+$0xFFFFFF00]  }
0x35e: {  	vm0 =	vge.f32 v20, $5.000000000e-01;
	[tilespmem:s25+$0xFFFFFFC0] =	vst v21  }
0x35f: {  	v20 =	vsel vm0, $0x3F800000, v16;
	vm0 =	vge.f32 v24, $5.000000000e-01;
	v21 =	vld [tilespmem:s28+$0xFFFFFFD0];
	[tilespmem:s23+$0xFFFFFE70] =	vst v23  }
0x360: {  	[tilespmem:s25+$0xFFFFFC40] =	vst v20;
	v20 =	vsub.f32 $1.000000000e+00, v20;
	v23 =	vsel vm0, $0x3F800000, v16;
	v24 =	vld [tilespmem:s24+$0xFFFFFF80];
	s24 =	smov.u32 s28  }
0x361: {  	[tilespmem:s25+$0xFFFFFD40] =	vst v23;
	v23 =	vsub.f32 $1.000000000e+00, v23;
	vm0 =	vge.f32 v19, $5.000000000e-01  }
0x362: {  	[tilespmem:s25+$0xFFFFFCC0] =	vst v20;
	v19 =	vsel vm0, $0x3F800000, v16;
	vm0 =	vge.f32 v18, $5.000000000e-01  }
0x363: {  	v20 =	vld [tilespmem:s28+$0xFFFFFE50];
	[tilespmem:s25+$0xFFFFFDC0] =	vst v23;
	v23 =	vsub.f32 $1.000000000e+00, v19;
	v18 =	vsel vm0, $0x3F800000, v16  }
0x364: {  	v26 =	vld [tilespmem:s28+$0xFFFFFED0];
	[tilespmem:s25+$0xFFFFFE40] =	vst v19;
	vm0 =	vge.f32 v21, $5.000000000e-01;
	v21 =	vsub.f32 $1.000000000e+00, v18  }
0x365: {  	[tilespmem:s25+$0xFFFFFEC0] =	vst v23;
	v23 =	vsel vm0, $0x3F800000, v16;
	vm0 =	vge.f32 v24, $5.000000000e-01  }
0x366: {  	v24 =	vld [tilespmem:s28+$0xFFFFFF50];
	v27 =	vsub.f32 $1.000000000e+00, v23;
	[tilespmem:s23+$0xFFFFFD00] =	vst v25;
	v19 =	vsel vm0, $0x3F800000, v16  }
0x367: {  	[tilespmem:s25+$0xFFFFFF50] =	vst v23;
	v23 =	vsub.f32 $1.000000000e+00, v19  }
0x368: {  	vm0 =	vge.f32 v20, $5.000000000e-01;
	[tilespmem:s25+$0xFFFFFFD0] =	vst v27  }
0x369: {  	v20 =	vsel vm0, $0x3F800000, v16;
	vm0 =	vge.f32 v26, $5.000000000e-01;
	v25 =	vld [tilespmem:s28+$0xFFFFFFE0];
	[tilespmem:s23+$0xFFFFFE00] =	vst v21  }
0x36a: {  	[tilespmem:s25+$0xFFFFFC50] =	vst v20;
	v20 =	vsub.f32 $1.000000000e+00, v20;
	v21 =	vsel vm0, $0x3F800000, v16  }
0x36b: {  	[tilespmem:s25+$0xFFFFFD50] =	vst v21;
	v21 =	vsub.f32 $1.000000000e+00, v21;
	vm0 =	vge.f32 v24, $5.000000000e-01  }
0x36c: {  	[tilespmem:s25+$0xFFFFFCD0] =	vst v20;
	v20 =	vsel vm0, $0x3F800000, v16  }
0x36d: {  	v24 =	vld [tilespmem:s28+$0xFFFFFE60];
	[tilespmem:s25+$0xFFFFFDD0] =	vst v21;
	v21 =	vsub.f32 $1.000000000e+00, v20  }
0x36e: {  	v26 =	vld [tilespmem:s28+$0xFFFFFEE0];
	[tilespmem:s25+$0xFFFFFE50] =	vst v20;
	vm0 =	vge.f32 v25, $5.000000000e-01  }
0x36f: {  	[tilespmem:s25+$0xFFFFFED0] =	vst v21;
	v20 =	vsel vm0, $0x3F800000, v16  }
0x370: {  	v21 =	vld [tilespmem:s28+$0xFFFFFF60];
	v25 =	vsub.f32 $1.000000000e+00, v20;
	[tilespmem:s23+$0xFFFFFF00] =	vst v23  }
0x371: {  	[tilespmem:s25+$0xFFFFFF60] =	vst v20  }
.Ltmp3:
0x372: {  	vm0 =	vge.f32 v24, $5.000000000e-01;
	[tilespmem:s25+$0xFFFFFFE0] =	vst v25;
	(pc) =	sbr.rel @p0 .LBB2_8-.Ltmp3, $4  }
0x373: {  	v23 =	vsel vm0, $0x3F800000, v16;
	vm0 =	vge.f32 v26, $5.000000000e-01;
	v20 =	vld [tilespmem:s28+$0xFFFFFFF0];
	[tilespmem:s23+$0xFFFFFC80] =	vst v22  }
0x374: {  	[tilespmem:s25+$0xFFFFFC60] =	vst v23;
	v23 =	vsub.f32 $1.000000000e+00, v23;
	v22 =	vsel vm0, $0x3F800000, v16  }
0x375: {  	[tilespmem:s25+$0xFFFFFD60] =	vst v22;
	v22 =	vsub.f32 $1.000000000e+00, v22;
	vm0 =	vge.f32 v21, $5.000000000e-01  }
0x376: {  	s28 =	sadd.s32 $0x200, s28;
	[tilespmem:s25+$0xFFFFFCE0] =	vst v23;
	v21 =	vsel vm0, $0x3F800000, v16  }
0x377: {  	[tilespmem:s25+$0xFFFFFDE0] =	vst v22;
	v52 =	vsub.f32 $1.000000000e+00, v21;
	v53 =	vld [tilespmem:s24+$0xFFFFFE70]  }
0x378: {  	[tilespmem:s25+$0xFFFFFE60] =	vst v21;
	v54 =	vld [tilespmem:s24+$0xFFFFFEF0]  }
0x379: {  	vm0 =	vge.f32 v20, $5.000000000e-01;
	[tilespmem:s25+$0xFFFFFEE0] =	vst v52  }
0x37a: {  	v20 =	vsel vm0, $0x3F800000, v16;
	v23 =	vld [tilespmem:s24+$0xFFFFFF70]  }
0x37b: {  	[tilespmem:s23+$0xFFFFFD80] =	vst v18;
	v55 =	vsub.f32 $1.000000000e+00, v20  }
0x37c: {  	[tilespmem:s25+$0xFFFFFF70] =	vst v20;
	vm9 =	vge.f32 v53, $5.000000000e-01  }
0x37d: {  	[tilespmem:s25+$0xFFFFFFF0] =	vst v55;
	v24 =	vsel vm9, $0x3F800000, v16;
	vm10 =	vge.f32 v54, $5.000000000e-01  }
0x37e: {  	v59 =	vld [tilespmem:s24+$0x0];
	v56 =	vsub.f32 $1.000000000e+00, v24;
	v22 =	vsel vm10, $0x3F800000, v16;
	[tilespmem:s25+$0xFFFFFC70] =	vst v24  }
0x37f: {  	vm11 =	vge.f32 v23, $5.000000000e-01;
	v57 =	vsub.f32 $1.000000000e+00, v22;
	[tilespmem:s25+$0xFFFFFD70] =	vst v22  }
0x380: {  	v23 =	vsel vm11, $0x3F800000, v16;
	[tilespmem:s25+$0xFFFFFCF0] =	vst v56  }
0x381: {  	v58 =	vsub.f32 $1.000000000e+00, v23;
	[tilespmem:s25+$0xFFFFFDF0] =	vst v57;
	v60 =	vld [tilespmem:s24+$0xFFFFFE80]  }
0x382: {  	[tilespmem:s25+$0xFFFFFE70] =	vst v23;
	v22 =	vld [tilespmem:s24+$0xFFFFFF00]  }
0x383: {  	vm12 =	vge.f32 v59, $5.000000000e-01;
	[tilespmem:s25+$0xFFFFFEF0] =	vst v58  }
0x384: {  	[tilespmem:s23+$0xFFFFFE80] =	vst v19;
	v18 =	vsel vm12, $0x3F800000, v16;
	v23 =	vld [tilespmem:s24+$0xFFFFFF80]  }
0x385: {  	[tilespmem:s23+$0xFFFFFF80] =	vst v17;
	v19 =	vsub.f32 $1.000000000e+00, v18  }
0x386: {  	[tilespmem:s25+$0xFFFFFF80] =	vst v18;
	vm13 =	vge.f32 v60, $5.000000000e-01  }
0x387: {  	[tilespmem:s25+$0x0] =	vst v19;
	v61 =	vsel vm13, $0x3F800000, v16;
	vm14 =	vge.f32 v22, $5.000000000e-01  }
0x388: {  	v17 =	vsub.f32 $1.000000000e+00, v61;
	v62 =	vsel vm14, $0x3F800000, v16;
	[tilespmem:s25+$0xFFFFFC80] =	vst v61  }
0x389: {  	vm15 =	vge.f32 v23, $5.000000000e-01;
	v19 =	vsub.f32 $1.000000000e+00, v62;
	[tilespmem:s25+$0xFFFFFD80] =	vst v62  }
0x38a: {  	v63 =	vsel vm15, $0x3F800000, v16;
	[tilespmem:s25+$0xFFFFFD00] =	vst v17  }
0x38b: {  	v17 =	vsub.f32 $1.000000000e+00, v63;
	[tilespmem:s25+$0xFFFFFE00] =	vst v19  }
0x38c: {  	[tilespmem:s25+$0xFFFFFE80] =	vst v63  }
0x38d: {  	[tilespmem:s25+$0xFFFFFF00] =	vst v17  }
0x38e: {  	[hbm4b:s7+s3] =	stream.linear.scatter [tilespmem:s20], [sflag:$0x2], $0x4000, $0x38;
	[tilespmem:$0x18100] =	vst v63  }
0x38f: {  	_ =	swait.ge [sflag:s21], $0x4000  }
0x390: {  	[sflag:s21] =	ssyncset.done $0x0  }
0x391: {  	[sflag:s21] =	ssyncadd.s32 $0xFFFFC000  }
0x392: {  	_ =	swait.ge [sflag:s21], $0x4000  }
0x393: {  	[sflag:s21] =	ssyncset.done $0x0  }
0x394: {  	s22 =	sadd.s32 $0x1, s22;
	[sflag:s21] =	ssyncadd.s32 $0xFFFFC000  }
0x395: {  	p0 =	sne.s32 s22, s8;
	_ =	swait.ge [sflag:s21], $0x4000  }
.Ltmp4:
0x396: {  	[sflag:s21] =	ssyncset.done $0x0;
	(pc) =	sbr.rel @p0 .LBB2_1-.Ltmp4, $4  }
0x397: {  	[sflag:s21] =	ssyncadd.s32 $0xFFFFC000  }
0x398: {  	_ =	swait.ge [sflag:s21], $0x4000  }
0x399: {  	[sflag:s21] =	ssyncset.done $0x0  }
0x39a: {  	[sflag:s21] =	ssyncadd.s32 $0xFFFFC000  }
0x39b: {  	_ =	sfence.sel $0x180000  }
0x39c: {  	[bflag:$0x0] =	sbarrier.arrive $0xFFFF  }
0x39d: {  	p0 =	sne.s32 s0, $0x0;
	_ =	strace $0x90000047  }
0x39e: {  	s0 =	sadd.s32 @!p0 $0x100000, s2;
	[bflag:$0x2] =	sbarrier.arrive $0xFFFF  }
0x39f: {  	[sflag:s0] =	ssyncadd.tile.s32 @!p0 $0x1;
	_ =	shalt  }
.Lfunc_end2:
_tile_overlayer_lowered:
.L_overlay_start_2:
0x3a0: {  	(tag) =	ssettag $0x2  }
0x3a1: {  	s0 =	rddreg [dreg:$0x0];
	s2 =	stileid.u32  }
0x3a2: {  	s1 =	rddreg [dreg:$0x1];
	p0 =	sne.s32 s2, $0x0  }
0x3a3: {  	s3 =	rddreg [dreg:$0x2];
	[bflag:$0x3] =	sbarrier.arrive $0xFFFF;
	s2 =	simm.s32 @!p0 $0x1C03  }
0x3a4: {  	[timem:s3], [sflag:s2] =	dma.local @!p0 [hbm:s0], s1  }
0x3a5: {  	s0 =	simm.s32 @!p0 $0x3  }
0x3a6: {  	_ =	swait.ge @!p0 [sflag:s0], s1  }
0x3a7: {  	s1 =	ssub.s32 @!p0 $0x0, s1;
	[sflag:s0] =	ssyncset.done @!p0 $0x0  }
0x3a8: {  	[sflag:s0] =	ssyncadd.s32 @!p0 s1  }
0x3a9: {  	[bflag:$0x3] =	sbarrier.arrive $0xFFFF  }
0x3aa: {  	_ =	shalt  }

</sc_bundles>
